<compile_context>
chip_gen: v7x
topology: tpu7x:2x2x1
jax: 0.10.2.dev20260603
libtpu: 0.0.44.dev20260713+nightly
codegen_flags: <defaults>
</compile_context>

<pallas_src>
import functools
import numpy as np
import jax
import jax.numpy as jnp
from jax import lax
from jax.experimental import pallas as pl
from jax.experimental.pallas import tpu as pltpu
from jax.experimental.pallas import tpu_sc as plsc

_B = 8
_P = 1024
_OUT = 40
_K = 64
_BN_EPS = 1e-05
_DEN = np.float32(np.sqrt(1.0 + _BN_EPS))

_SC_NC = 2
_SC_NS = 16
_SC_NW = _SC_NC * _SC_NS


def _fps_body(M, pos_t_ref, q_ref):
    Bb = pos_t_ref.shape[0]
    P = pos_t_ref.shape[2]
    px = pos_t_ref[:, 0, :]
    py = pos_t_ref[:, 1, :]
    pz = pos_t_ref[:, 2, :]
    iota = jax.lax.broadcasted_iota(jnp.int32, (Bb, P), 1)

    q_ref[0:1, :, :] = jnp.concatenate(
        [px[:, 0:1], py[:, 0:1], pz[:, 0:1]], axis=1)[None]
    dx = px - px[:, 0:1]
    dy = py - py[:, 0:1]
    dz = pz - pz[:, 0:1]
    mind0 = dx * dx + dy * dy + dz * dz

    def body(i, mind):
        mx = jnp.max(mind, axis=1, keepdims=True)
        cand = jnp.where(mind == mx, iota, P)
        nxt = jnp.min(cand, axis=1, keepdims=True)
        oh = iota == nxt
        nx = jnp.sum(jnp.where(oh, px, 0.0), axis=1, keepdims=True)
        ny = jnp.sum(jnp.where(oh, py, 0.0), axis=1, keepdims=True)
        nz = jnp.sum(jnp.where(oh, pz, 0.0), axis=1, keepdims=True)
        q_ref[pl.ds(i, 1), :, :] = jnp.concatenate([nx, ny, nz], axis=1)[None]
        ddx = px - nx
        ddy = py - ny
        ddz = pz - nz
        d = ddx * ddx + ddy * ddy + ddz * ddz
        return jnp.minimum(mind, d)

    jax.lax.fori_loop(1, M, body, mind0)


def _fps_call(pos_t, M):
    Bb, _, P = pos_t.shape
    out = pl.pallas_call(
        functools.partial(_fps_body, M),
        out_shape=jax.ShapeDtypeStruct((M, Bb, 3), jnp.float32),
    )(pos_t)
    return out


def _sel_body(P, Tq, r2, pos_t_ref, q_ref, idx_ref, cnt_ref):
    q = q_ref[0]
    d2 = None
    for c in range(3):
        pc = pos_t_ref[0, c:c + 1, :]
        dc = q[:, c:c + 1] - pc
        d2 = dc * dc if d2 is None else d2 + dc * dc
    mask = d2 <= r2
    mi = mask.astype(jnp.int32)
    colio = jax.lax.broadcasted_iota(jnp.int32, (Tq, P), 1)
    cum = mi
    s = 1
    while s < P:
        sh = pltpu.roll(cum, s, 1)
        cum = cum + jnp.where(colio >= s, sh, 0)
        s *= 2
    rank = cum - mi
    cnt_ref[0] = cum[:, P - 1:P]

    rankm = jnp.where(mask, rank, -1)
    kio3 = jax.lax.broadcasted_iota(jnp.int32, (Tq, _K, P), 1)
    pio3 = jax.lax.broadcasted_iota(jnp.int32, (Tq, _K, P), 2)
    S3 = rankm[:, None, :] == kio3
    loc = jnp.max(jnp.where(S3, pio3, 0), axis=2)
    idx_ref[0] = loc + pl.program_id(0) * P


def _sel_call(pos_t, q, r, Tq=32):
    Bb, _, P = pos_t.shape
    M = q.shape[1]
    r2 = np.float32(r * r)
    idx, cnt = pl.pallas_call(
        functools.partial(_sel_body, P, Tq, r2),
        grid=(Bb, M // Tq),
        in_specs=[pl.BlockSpec((1, 3, P), lambda b, t: (b, 0, 0)),
                  pl.BlockSpec((1, Tq, 3), lambda b, t: (b, t, 0))],
        out_specs=[pl.BlockSpec((1, Tq, _K), lambda b, t: (b, t, 0)),
                   pl.BlockSpec((1, Tq, 1), lambda b, t: (b, t, 0))],
        out_shape=[jax.ShapeDtypeStruct((Bb, M, _K), jnp.int32),
                   jax.ShapeDtypeStruct((Bb, M, 1), jnp.int32)],
    )(pos_t, q)
    return idx, cnt


def _sc_gather(table, idx, chunk):
    B_total = idx.shape[0]
    D = table.shape[1]
    b_per_w = B_total // _SC_NW
    nch = b_per_w // chunk
    nbuf = 8 if D <= 64 else 4
    mesh = plsc.VectorSubcoreMesh(core_axis_name="c", subcore_axis_name="s")

    @functools.partial(
        pl.kernel, mesh=mesh,
        out_type=jax.ShapeDtypeStruct((B_total, D), jnp.float32),
        scratch_types=[pltpu.VMEM((b_per_w,), jnp.int32),
                       pltpu.VMEM((nbuf, chunk, D), jnp.float32),
                       pltpu.SemaphoreType.DMA],
        compiler_params=pltpu.CompilerParams(use_tc_tiling_on_sc=False),
    )
    def k(table_hbm, idx_hbm, out_hbm, idx_v, rows_v, sem):
        wid = lax.axis_index("s") * _SC_NC + lax.axis_index("c")
        base = wid * b_per_w
        pltpu.sync_copy(idx_hbm.at[pl.ds(base, b_per_w)], idx_v)

        def body(g, carry):
            cps = []
            for j in range(nbuf):
                off = (g * nbuf + j) * chunk
                cps.append(pltpu.async_copy(
                    table_hbm.at[idx_v.at[pl.ds(off, chunk)]],
                    rows_v.at[j], sem))
            for j in range(nbuf):
                cps[j].wait()
            for j in range(nbuf):
                off = (g * nbuf + j) * chunk
                pltpu.sync_copy(rows_v.at[j],
                                out_hbm.at[pl.ds(base + off, chunk)])
            return carry

        jax.lax.fori_loop(0, nch // nbuf, body, 0)

    return k(table, idx)


def _mlp_body(Tq, Cx, Cout,
              rows_ref, q_ref, cnt_ref,
              w1x_ref, w1p_ref, b1_ref, g1_ref, be1_ref,
              w2_ref, b2_ref, g2_ref, be2_ref,
              w3_ref, b3_ref, g3_ref, be3_ref,
              out_ref):
    rows = rows_ref[0]
    x_nb = rows[:, :Cx]
    p_nb = rows[:, Cx:Cx + 3]
    q = q_ref[0]
    qb = jnp.broadcast_to(q[:, None, :], (Tq, _K, 3)).reshape(Tq * _K, 3)
    relp = p_nb - qb

    h = (jnp.dot(x_nb, w1x_ref[...], preferred_element_type=jnp.float32)
         + jnp.dot(relp, w1p_ref[...], preferred_element_type=jnp.float32)
         + b1_ref[...])
    h = jax.nn.relu(h)
    h = g1_ref[...] * h / _DEN + be1_ref[...]
    h = jnp.dot(h, w2_ref[...], preferred_element_type=jnp.float32) + b2_ref[...]
    h = jax.nn.relu(h)
    h = g2_ref[...] * h / _DEN + be2_ref[...]
    h = jnp.dot(h, w3_ref[...], preferred_element_type=jnp.float32) + b3_ref[...]
    h = jax.nn.relu(h)
    h = g3_ref[...] * h / _DEN + be3_ref[...]

    h3 = h.reshape(Tq, _K, Cout)
    kio3d = jax.lax.broadcasted_iota(jnp.int32, (Tq, _K, Cout), 1)
    h3 = jnp.where(kio3d < cnt_ref[0][:, :, None], h3, -jnp.inf)
    out_ref[0] = jnp.max(h3, axis=1)


def _mlp_call(rows, q, cnt, params, prefix, Cx, Tq=32):
    Bb, M, _ = q.shape
    D = rows.shape[1]
    rows3 = rows.reshape(Bb, M * _K, D)
    w1 = params[prefix + '_W0']
    Cout = params[prefix + '_W2'].shape[1]
    row = lambda v: v[None, :]
    args = (rows3, q, cnt,
            w1[:Cx], w1[Cx:], row(params[prefix + '_b0']),
            row(params[prefix + '_g0']), row(params[prefix + '_beta0']),
            params[prefix + '_W1'], row(params[prefix + '_b1']),
            row(params[prefix + '_g1']), row(params[prefix + '_beta1']),
            params[prefix + '_W2'], row(params[prefix + '_b2']),
            row(params[prefix + '_g2']), row(params[prefix + '_beta2']))
    full = lambda a: pl.BlockSpec(a.shape, lambda b, t: (0,) * a.ndim)
    in_specs = [pl.BlockSpec((1, Tq * _K, D), lambda b, t: (b, t, 0)),
                pl.BlockSpec((1, Tq, 3), lambda b, t: (b, t, 0)),
                pl.BlockSpec((1, Tq, 1), lambda b, t: (b, t, 0))]
    in_specs += [full(a) for a in args[3:]]
    out = pl.pallas_call(
        functools.partial(_mlp_body, Tq, Cx, Cout),
        grid=(Bb, M // Tq),
        in_specs=in_specs,
        out_specs=pl.BlockSpec((1, Tq, Cout), lambda b, t: (b, t, 0)),
        out_shape=jax.ShapeDtypeStruct((Bb, M, Cout), jnp.float32),
    )(*args)
    return out


def _head_body(Bb, M,
               x_ref, p_ref,
               w1x_ref, w1p_ref, b1_ref, g1_ref, be1_ref,
               w2_ref, b2_ref, g2_ref, be2_ref,
               w3_ref, b3_ref, g3_ref, be3_ref,
               l1w_ref, l1b_ref, l2w_ref, l2b_ref, l3w_ref, l3b_ref,
               out_ref):
    h = (jnp.dot(x_ref[...], w1x_ref[...], preferred_element_type=jnp.float32)
         + jnp.dot(p_ref[...], w1p_ref[...], preferred_element_type=jnp.float32)
         + b1_ref[...])
    h = jax.nn.relu(h)
    h = g1_ref[...] * h / _DEN + be1_ref[...]
    h = jnp.dot(h, w2_ref[...], preferred_element_type=jnp.float32) + b2_ref[...]
    h = jax.nn.relu(h)
    h = g2_ref[...] * h / _DEN + be2_ref[...]
    h = jnp.dot(h, w3_ref[...], preferred_element_type=jnp.float32) + b3_ref[...]
    h = jax.nn.relu(h)
    h = g3_ref[...] * h / _DEN + be3_ref[...]

    pooled = [jnp.max(h[b * M:(b + 1) * M, :], axis=0, keepdims=True)
              for b in range(Bb)]
    x = jnp.concatenate(pooled, axis=0)
    x = jax.nn.relu(jnp.dot(x, l1w_ref[...], preferred_element_type=jnp.float32)
                    + l1b_ref[...])
    x = jax.nn.relu(jnp.dot(x, l2w_ref[...], preferred_element_type=jnp.float32)
                    + l2b_ref[...])
    x = jnp.dot(x, l3w_ref[...], preferred_element_type=jnp.float32) + l3b_ref[...]
    mx = jnp.max(x, axis=1, keepdims=True)
    s = x - mx
    out_ref[...] = s - jnp.log(jnp.sum(jnp.exp(s), axis=1, keepdims=True))


def _head_call(x2, p2, params):
    Bb, M, C = x2.shape
    w1 = params['sa3_W0']
    row = lambda v: v[None, :]
    args = (x2.reshape(Bb * M, C), p2.reshape(Bb * M, 3),
            w1[:C], w1[C:], row(params['sa3_b0']),
            row(params['sa3_g0']), row(params['sa3_beta0']),
            params['sa3_W1'], row(params['sa3_b1']),
            row(params['sa3_g1']), row(params['sa3_beta1']),
            params['sa3_W2'], row(params['sa3_b2']),
            row(params['sa3_g2']), row(params['sa3_beta2']),
            params['lin1_W'], row(params['lin1_b']),
            params['lin2_W'], row(params['lin2_b']),
            params['lin3_W'], row(params['lin3_b']))
    out = pl.pallas_call(
        functools.partial(_head_body, Bb, M),
        out_shape=jax.ShapeDtypeStruct((Bb, _OUT), jnp.float32),
    )(*args)
    return out


def kernel(norm, pos, batch, params):
    del batch
    pos_b = pos.reshape(_B, _P, 3)
    x_b = norm.reshape(_B, _P, 3)
    pos_t = jnp.transpose(pos_b, (0, 2, 1))

    q1 = jnp.transpose(_fps_call(pos_t, _P // 2), (1, 0, 2))
    idx1, cnt1 = _sel_call(pos_t, q1, 0.2)
    tab1 = jnp.concatenate(
        [x_b.reshape(_B * _P, 3), pos_b.reshape(_B * _P, 3),
         jnp.zeros((_B * _P, 10), jnp.float32)], axis=1)
    rows1 = _sc_gather(tab1, idx1.reshape(_B * 512 * _K), 128)

    q1_t = jnp.transpose(q1, (0, 2, 1))
    q2 = jnp.transpose(_fps_call(q1_t, _P // 8), (1, 0, 2))
    idx2, cnt2 = _sel_call(q1_t, q2, 0.4)

    x1 = _mlp_call(rows1, q1, cnt1, params, 'sa1', Cx=3)
    tab2 = jnp.concatenate(
        [x1.reshape(_B * 512, 128), q1.reshape(_B * 512, 3),
         jnp.zeros((_B * 512, 13), jnp.float32)], axis=1)
    rows2 = _sc_gather(tab2, idx2.reshape(_B * 128 * _K), 128)
    x2 = _mlp_call(rows2, q2, cnt2, params, 'sa2', Cx=128)

    return _head_call(x2, q2, params)

# --- scband reference (transcript-rebuilt; emitter-appended) ---
"""Pipeline reference for scband-pn2-net-2860448219405 (READ-ONLY COPY).

The authoritative reference and input builder live on the scoring server;
editing this copy changes nothing except your own understanding.
"""

import jax, jax.numpy as jnp
import numpy as np

B = 8
P = 1024
N = B * P
OUT_CHANNELS = 40
MAX_NB = 64
BN_EPS = 1e-05

def _mlp_params(key, channels, prefix, params):
    for i in range(1, len(channels)):
        key, k1 = jax.random.split(key)
        params[prefix + '_W' + str(i - 1)] = jax.random.normal(k1, (channels[i - 1], channels[i]), jnp.float32) / np.sqrt(channels[i - 1])
        params[prefix + '_b' + str(i - 1)] = jnp.zeros((channels[i],), jnp.float32)
        params[prefix + '_g' + str(i - 1)] = jnp.ones((channels[i],), jnp.float32)
        params[prefix + '_beta' + str(i - 1)] = jnp.zeros((channels[i],), jnp.float32)
    return key

def setup_inputs(seed: int = 0):
    key = jax.random.key(seed)
    key, k1, k2 = jax.random.split(key, 3)
    norm = jax.random.normal(k1, (N, 3), jnp.float32)
    pos = jax.random.uniform(k2, (N, 3), jnp.float32)
    batch = jnp.repeat(jnp.arange(B, dtype=jnp.int32), P)
    params = {}
    key = _mlp_params(key, [6, 64, 64, 128], 'sa1', params)
    key = _mlp_params(key, [131, 128, 128, 256], 'sa2', params)
    key = _mlp_params(key, [259, 256, 512, 1024], 'sa3', params)
    for name, fi, fo in [('lin1', 1024, 512), ('lin2', 512, 256), ('lin3', 256, OUT_CHANNELS)]:
        key, k1 = jax.random.split(key)
        params[name + '_W'] = jax.random.normal(k1, (fi, fo), jnp.float32) / np.sqrt(fi)
        params[name + '_b'] = jnp.zeros((fo,), jnp.float32)
    return {'norm': norm, 'pos': pos, 'batch': batch, 'params': params}

def _mlp_apply(h, params, prefix, n_layers):
    # Seq(Lin, ReLU, BN) per block; BN in eval mode (running_mean=0, running_var=1)
    for i in range(n_layers):
        h = h @ params[prefix + '_W' + str(i)] + params[prefix + '_b' + str(i)]
        h = jax.nn.relu(h)
        h = params[prefix + '_g' + str(i)] * h / jnp.sqrt(1.0 + BN_EPS) + params[prefix + '_beta' + str(i)]
    return h

def _fps(pos_b, n_sample):
    # farthest point sampling per cloud, deterministic start at index 0
    Bb, Pp, _ = pos_b.shape
    sel = jnp.zeros((Bb, n_sample), jnp.int32)
    mind = jnp.sum((pos_b - pos_b[:, :1, :]) ** 2, axis=-1)
    def body(i, state):
        mind, sel = state
        nxt = jnp.argmax(mind, axis=1).astype(jnp.int32)
        sel = sel.at[:, i].set(nxt)
        newp = jnp.take_along_axis(pos_b, jnp.broadcast_to(nxt[:, None, None], (Bb, 1, 3)), axis=1)
        mind = jnp.minimum(mind, jnp.sum((pos_b - newp) ** 2, axis=-1))
        return (mind, sel)
    mind, sel = jax.lax.fori_loop(1, n_sample, body, (mind, sel))
    return sel

def _radius(q, p, r):
    # neighbors within radius r, first MAX_NB in index order (torch_cluster.radius semantics)
    Pp = p.shape[1]
    d2 = jnp.sum((q[:, :, None, :] - p[:, None, :, :]) ** 2, axis=-1)
    mask = d2 <= r * r
    keyv = jnp.where(mask, jnp.arange(Pp, dtype=jnp.int32)[None, None, :], Pp)
    firsts = jnp.sort(keyv, axis=-1)[:, :, :MAX_NB]
    nb_mask = firsts < Pp
    nb_idx = jnp.minimum(firsts, Pp - 1)
    return nb_idx, nb_mask

def _gather_nb(feat_b, nb_idx):
    Bb, M, K = nb_idx.shape
    C = feat_b.shape[-1]
    idx = jnp.broadcast_to(nb_idx.reshape(Bb, M * K, 1), (Bb, M * K, C))
    return jnp.take_along_axis(feat_b, idx, axis=1).reshape(Bb, M, K, C)

def _sa_module(x_b, pos_b, ratio, r, params, prefix):
    # SAModule: fps -> radius -> PointConv(local_nn=MLP, aggr=max)
    Bb, Pp, _ = pos_b.shape
    M = int(Pp * ratio)
    sel = _fps(pos_b, M)
    q = jnp.take_along_axis(pos_b, jnp.broadcast_to(sel[:, :, None], (Bb, M, 3)), axis=1)
    nb_idx, nb_mask = _radius(q, pos_b, r)
    x_nb = _gather_nb(x_b, nb_idx)
    p_nb = _gather_nb(pos_b, nb_idx)
    h = jnp.concatenate([x_nb, p_nb - q[:, :, None, :]], axis=-1)
    h = _mlp_apply(h, params, prefix, 3)
    h = jnp.where(nb_mask[..., None], h, -jnp.inf)
    return jnp.max(h, axis=2), q

def _forward(norm, pos, params):
    x_b = norm.reshape(B, P, 3)
    pos_b = pos.reshape(B, P, 3)
    x1, pos1 = _sa_module(x_b, pos_b, 0.5, 0.2, params, 'sa1')
    x2, pos2 = _sa_module(x1, pos1, 0.25, 0.4, params, 'sa2')
    h = _mlp_apply(jnp.concatenate([x2, pos2], axis=-1), params, 'sa3', 3)
    x = jnp.max(h, axis=1)  # global_max_pool over clouds
    x = jax.nn.relu(x @ params['lin1_W'] + params['lin1_b'])
    x = jax.nn.relu(x @ params['lin2_W'] + params['lin2_b'])
    x = x @ params['lin3_W'] + params['lin3_b']
    return jax.nn.log_softmax(x, axis=-1)

def reference(norm, pos, batch, params):
    # batch is consecutive equal-size cloud ids (B clouds x P points); dropout in eval mode (identity)
    return _forward(norm, pos, params)

if __name__ == "__main__":
    import jax
    _d = setup_inputs()
    print(jax.jit(kernel)(*tuple(_d.values())))

</pallas_src>

<mosaic_0001>
#map = affine_map<(d0, d1) -> (0, 0)>
#map1 = affine_map<(d0, d1) -> (0)>
module attributes {stable_mosaic.version = 14 : i64} {
  func.func @k(%arg0: i32, %arg1: i32, %arg2: memref<4096x144xf32, #tpu.memory_space<hbm>>, %arg3: memref<65536xi32, #tpu.memory_space<hbm>>, %arg4: memref<65536x144xf32, #tpu.memory_space<hbm>>, %arg5: memref<2048xi32, #tpu.memory_space<vmem>>, %arg6: memref<4x128x144xf32, #tpu.memory_space<vmem>>, %arg7: memref<!tpu.dma_semaphore, #tpu.memory_space<semaphore_mem>>) attributes {dimension_semantics = [#tpu.dimension_semantics<core_parallel>, #tpu.dimension_semantics<subcore_parallel>], iteration_bounds = array<i64: 2, 16>, scalar_prefetch = 0 : i64, scratch_operands = 3 : i64, tpu.core_type = #tpu.core_type<sc_vector_subcore>, window_params = [{transform_indices = #map}, {transform_indices = #map1}, {transform_indices = #map}]} {
    %mul3A = arith.constant 2 : i32
    %mul3A_0 = arith.muli %arg1, %mul3A : i32
    %add3A = arith.addi %mul3A_0, %arg0 : i32
    %mul3A_1 = arith.constant 2048 : i32
    %mul3A_2 = arith.muli %add3A, %mul3A_1 : i32
    "tpu.region"() ({
      %run_scoped3A = tpu.sem_alloc : memref<!tpu.dma_semaphore, #tpu.memory_space<semaphore_mem>>
      %dma_start3A = tpu.memref_slice %arg3[%mul3A_2] : memref<65536xi32, #tpu.memory_space<hbm>> -> memref<2048xi32, #tpu.memory_space<hbm>>
      %dma_start3A_8 = tpu.memref_slice %arg3[%mul3A_2] : memref<65536xi32, #tpu.memory_space<hbm>> -> memref<2048xi32, #tpu.memory_space<hbm>>
      tpu.enqueue_dma source(%dma_start3A_8 : memref<2048xi32, #tpu.memory_space<hbm>>) target(%arg5 : memref<2048xi32, #tpu.memory_space<vmem>>) target_semaphore(%run_scoped3A : memref<!tpu.dma_semaphore, #tpu.memory_space<semaphore_mem>>)
      %dma_wait3A = tpu.memref_slice %arg3[%mul3A_2] : memref<65536xi32, #tpu.memory_space<hbm>> -> memref<2048xi32, #tpu.memory_space<hbm>>
      %dma_wait3A_9 = tpu.memref_slice %arg3[%mul3A_2] : memref<65536xi32, #tpu.memory_space<hbm>> -> memref<2048xi32, #tpu.memory_space<hbm>>
      tpu.wait_dma2 semaphore(%run_scoped3A : memref<!tpu.dma_semaphore, #tpu.memory_space<semaphore_mem>>) src(%dma_wait3A_9 : memref<2048xi32, #tpu.memory_space<hbm>>) dst(%arg5 : memref<2048xi32, #tpu.memory_space<vmem>>)
      tpu.yield
    }) : () -> ()
    %scan3A = arith.constant 0 : i32
    %scan3A_3 = arith.constant 0 : i32
    %scan3A_4 = arith.constant 4 : i32
    %scan3A_5 = arith.addi %scan3A_3, %scan3A_4 : i32
    %scan3A_6 = arith.constant 1 : i32
    scf.for %scan3A_8 = %scan3A_3 to %scan3A_5 step %scan3A_6  : i32 {
      %mul3A_9 = arith.constant 4 : i32
      %mul3A_10 = arith.muli %scan3A_8, %mul3A_9 : i32
      %add3A_11 = arith.constant 0 : i32
      %add3A_12 = arith.addi %mul3A_10, %add3A_11 : i32
      %mul3A_13 = arith.constant 128 : i32
      %mul3A_14 = arith.muli %add3A_12, %mul3A_13 : i32
      %dma_start3A = arith.constant 0 : i32
      %dma_start3A_15 = arith.constant 0 : i32
      %dma_start3A_16 = arith.constant 0 : i32
      %dma_start3A_17 = tpu.memref_slice %arg6[%dma_start3A, %dma_start3A_15, %dma_start3A_16] : memref<4x128x144xf32, #tpu.memory_space<vmem>> -> memref<1x128x144xf32, #tpu.memory_space<vmem>>
      %dma_start3A_18 = tpu.memref_squeeze %dma_start3A_17 : memref<1x128x144xf32, #tpu.memory_space<vmem>> -> memref<128x144xf32, #tpu.memory_space<vmem>>
      %dma_start3A_19 = tpu.memref_slice %arg5[%mul3A_14] : memref<2048xi32, #tpu.memory_space<vmem>> -> memref<128xi32, #tpu.memory_space<vmem>>
      %dma_start3A_20 = arith.constant 0 : i32
      %dma_start3A_21 = arith.constant 0 : i32
      %dma_start3A_22 = tpu.memref_slice %arg2[%dma_start3A_20, %dma_start3A_21] : memref<4096x144xf32, #tpu.memory_space<hbm>> -> memref<4096x144xf32, #tpu.memory_space<hbm>>
      tpu.enqueue_indirect_dma source(%dma_start3A_22 : memref<4096x144xf32, #tpu.memory_space<hbm>>) target(%dma_start3A_18 : memref<128x144xf32, #tpu.memory_space<vmem>>) offsets(%dma_start3A_19 : memref<128xi32, #tpu.memory_space<vmem>>) semaphore(%arg7 : memref<!tpu.dma_semaphore, #tpu.memory_space<semaphore_mem>>)
      %mul3A_23 = arith.constant 4 : i32
      %mul3A_24 = arith.muli %scan3A_8, %mul3A_23 : i32
      %add3A_25 = arith.constant 1 : i32
      %add3A_26 = arith.addi %mul3A_24, %add3A_25 : i32
      %mul3A_27 = arith.constant 128 : i32
      %mul3A_28 = arith.muli %add3A_26, %mul3A_27 : i32
      %dma_start3A_29 = arith.constant 1 : i32
      %dma_start3A_30 = arith.constant 0 : i32
      %dma_start3A_31 = arith.constant 0 : i32
      %dma_start3A_32 = tpu.memref_slice %arg6[%dma_start3A_29, %dma_start3A_30, %dma_start3A_31] : memref<4x128x144xf32, #tpu.memory_space<vmem>> -> memref<1x128x144xf32, #tpu.memory_space<vmem>>
      %dma_start3A_33 = tpu.memref_squeeze %dma_start3A_32 : memref<1x128x144xf32, #tpu.memory_space<vmem>> -> memref<128x144xf32, #tpu.memory_space<vmem>>
      %dma_start3A_34 = tpu.memref_slice %arg5[%mul3A_28] : memref<2048xi32, #tpu.memory_space<vmem>> -> memref<128xi32, #tpu.memory_space<vmem>>
      %dma_start3A_35 = arith.constant 0 : i32
      %dma_start3A_36 = arith.constant 0 : i32
      %dma_start3A_37 = tpu.memref_slice %arg2[%dma_start3A_35, %dma_start3A_36] : memref<4096x144xf32, #tpu.memory_space<hbm>> -> memref<4096x144xf32, #tpu.memory_space<hbm>>
      tpu.enqueue_indirect_dma source(%dma_start3A_37 : memref<4096x144xf32, #tpu.memory_space<hbm>>) target(%dma_start3A_33 : memref<128x144xf32, #tpu.memory_space<vmem>>) offsets(%dma_start3A_34 : memref<128xi32, #tpu.memory_space<vmem>>) semaphore(%arg7 : memref<!tpu.dma_semaphore, #tpu.memory_space<semaphore_mem>>)
      %mul3A_38 = arith.constant 4 : i32
      %mul3A_39 = arith.muli %scan3A_8, %mul3A_38 : i32
      %add3A_40 = arith.constant 2 : i32
      %add3A_41 = arith.addi %mul3A_39, %add3A_40 : i32
      %mul3A_42 = arith.constant 128 : i32
      %mul3A_43 = arith.muli %add3A_41, %mul3A_42 : i32
      %dma_start3A_44 = arith.constant 2 : i32
      %dma_start3A_45 = arith.constant 0 : i32
      %dma_start3A_46 = arith.constant 0 : i32
      %dma_start3A_47 = tpu.memref_slice %arg6[%dma_start3A_44, %dma_start3A_45, %dma_start3A_46] : memref<4x128x144xf32, #tpu.memory_space<vmem>> -> memref<1x128x144xf32, #tpu.memory_space<vmem>>
      %dma_start3A_48 = tpu.memref_squeeze %dma_start3A_47 : memref<1x128x144xf32, #tpu.memory_space<vmem>> -> memref<128x144xf32, #tpu.memory_space<vmem>>
      %dma_start3A_49 = tpu.memref_slice %arg5[%mul3A_43] : memref<2048xi32, #tpu.memory_space<vmem>> -> memref<128xi32, #tpu.memory_space<vmem>>
      %dma_start3A_50 = arith.constant 0 : i32
      %dma_start3A_51 = arith.constant 0 : i32
      %dma_start3A_52 = tpu.memref_slice %arg2[%dma_start3A_50, %dma_start3A_51] : memref<4096x144xf32, #tpu.memory_space<hbm>> -> memref<4096x144xf32, #tpu.memory_space<hbm>>
      tpu.enqueue_indirect_dma source(%dma_start3A_52 : memref<4096x144xf32, #tpu.memory_space<hbm>>) target(%dma_start3A_48 : memref<128x144xf32, #tpu.memory_space<vmem>>) offsets(%dma_start3A_49 : memref<128xi32, #tpu.memory_space<vmem>>) semaphore(%arg7 : memref<!tpu.dma_semaphore, #tpu.memory_space<semaphore_mem>>)
      %mul3A_53 = arith.constant 4 : i32
      %mul3A_54 = arith.muli %scan3A_8, %mul3A_53 : i32
      %add3A_55 = arith.constant 3 : i32
      %add3A_56 = arith.addi %mul3A_54, %add3A_55 : i32
      %mul3A_57 = arith.constant 128 : i32
      %mul3A_58 = arith.muli %add3A_56, %mul3A_57 : i32
      %dma_start3A_59 = arith.constant 3 : i32
      %dma_start3A_60 = arith.constant 0 : i32
      %dma_start3A_61 = arith.constant 0 : i32
      %dma_start3A_62 = tpu.memref_slice %arg6[%dma_start3A_59, %dma_start3A_60, %dma_start3A_61] : memref<4x128x144xf32, #tpu.memory_space<vmem>> -> memref<1x128x144xf32, #tpu.memory_space<vmem>>
      %dma_start3A_63 = tpu.memref_squeeze %dma_start3A_62 : memref<1x128x144xf32, #tpu.memory_space<vmem>> -> memref<128x144xf32, #tpu.memory_space<vmem>>
      %dma_start3A_64 = tpu.memref_slice %arg5[%mul3A_58] : memref<2048xi32, #tpu.memory_space<vmem>> -> memref<128xi32, #tpu.memory_space<vmem>>
      %dma_start3A_65 = arith.constant 0 : i32
      %dma_start3A_66 = arith.constant 0 : i32
      %dma_start3A_67 = tpu.memref_slice %arg2[%dma_start3A_65, %dma_start3A_66] : memref<4096x144xf32, #tpu.memory_space<hbm>> -> memref<4096x144xf32, #tpu.memory_space<hbm>>
      tpu.enqueue_indirect_dma source(%dma_start3A_67 : memref<4096x144xf32, #tpu.memory_space<hbm>>) target(%dma_start3A_63 : memref<128x144xf32, #tpu.memory_space<vmem>>) offsets(%dma_start3A_64 : memref<128xi32, #tpu.memory_space<vmem>>) semaphore(%arg7 : memref<!tpu.dma_semaphore, #tpu.memory_space<semaphore_mem>>)
      %dma_wait3A = arith.constant 0 : i32
      %dma_wait3A_68 = arith.constant 0 : i32
      %dma_wait3A_69 = arith.constant 0 : i32
      %dma_wait3A_70 = tpu.memref_slice %arg6[%dma_wait3A, %dma_wait3A_68, %dma_wait3A_69] : memref<4x128x144xf32, #tpu.memory_space<vmem>> -> memref<1x128x144xf32, #tpu.memory_space<vmem>>
      %dma_wait3A_71 = tpu.memref_squeeze %dma_wait3A_70 : memref<1x128x144xf32, #tpu.memory_space<vmem>> -> memref<128x144xf32, #tpu.memory_space<vmem>>
      %dma_wait3A_72 = tpu.memref_slice %arg5[%mul3A_14] : memref<2048xi32, #tpu.memory_space<vmem>> -> memref<128xi32, #tpu.memory_space<vmem>>
      %dma_wait3A_73 = arith.constant 0 : i32
      %dma_wait3A_74 = arith.constant 0 : i32
      %dma_wait3A_75 = tpu.memref_slice %arg2[%dma_wait3A_73, %dma_wait3A_74] : memref<4096x144xf32, #tpu.memory_space<hbm>> -> memref<4096x144xf32, #tpu.memory_space<hbm>>
      tpu.wait_indirect_dma semaphore(%arg7 : memref<!tpu.dma_semaphore, #tpu.memory_space<semaphore_mem>>) src(%dma_wait3A_75 : memref<4096x144xf32, #tpu.memory_space<hbm>>) dst(%dma_wait3A_71 : memref<128x144xf32, #tpu.memory_space<vmem>>)
      %dma_wait3A_76 = arith.constant 1 : i32
      %dma_wait3A_77 = arith.constant 0 : i32
      %dma_wait3A_78 = arith.constant 0 : i32
      %dma_wait3A_79 = tpu.memref_slice %arg6[%dma_wait3A_76, %dma_wait3A_77, %dma_wait3A_78] : memref<4x128x144xf32, #tpu.memory_space<vmem>> -> memref<1x128x144xf32, #tpu.memory_space<vmem>>
      %dma_wait3A_80 = tpu.memref_squeeze %dma_wait3A_79 : memref<1x128x144xf32, #tpu.memory_space<vmem>> -> memref<128x144xf32, #tpu.memory_space<vmem>>
      %dma_wait3A_81 = tpu.memref_slice %arg5[%mul3A_28] : memref<2048xi32, #tpu.memory_space<vmem>> -> memref<128xi32, #tpu.memory_space<vmem>>
      %dma_wait3A_82 = arith.constant 0 : i32
      %dma_wait3A_83 = arith.constant 0 : i32
      %dma_wait3A_84 = tpu.memref_slice %arg2[%dma_wait3A_82, %dma_wait3A_83] : memref<4096x144xf32, #tpu.memory_space<hbm>> -> memref<4096x144xf32, #tpu.memory_space<hbm>>
      tpu.wait_indirect_dma semaphore(%arg7 : memref<!tpu.dma_semaphore, #tpu.memory_space<semaphore_mem>>) src(%dma_wait3A_84 : memref<4096x144xf32, #tpu.memory_space<hbm>>) dst(%dma_wait3A_80 : memref<128x144xf32, #tpu.memory_space<vmem>>)
      %dma_wait3A_85 = arith.constant 2 : i32
      %dma_wait3A_86 = arith.constant 0 : i32
      %dma_wait3A_87 = arith.constant 0 : i32
      %dma_wait3A_88 = tpu.memref_slice %arg6[%dma_wait3A_85, %dma_wait3A_86, %dma_wait3A_87] : memref<4x128x144xf32, #tpu.memory_space<vmem>> -> memref<1x128x144xf32, #tpu.memory_space<vmem>>
      %dma_wait3A_89 = tpu.memref_squeeze %dma_wait3A_88 : memref<1x128x144xf32, #tpu.memory_space<vmem>> -> memref<128x144xf32, #tpu.memory_space<vmem>>
      %dma_wait3A_90 = tpu.memref_slice %arg5[%mul3A_43] : memref<2048xi32, #tpu.memory_space<vmem>> -> memref<128xi32, #tpu.memory_space<vmem>>
      %dma_wait3A_91 = arith.constant 0 : i32
      %dma_wait3A_92 = arith.constant 0 : i32
      %dma_wait3A_93 = tpu.memref_slice %arg2[%dma_wait3A_91, %dma_wait3A_92] : memref<4096x144xf32, #tpu.memory_space<hbm>> -> memref<4096x144xf32, #tpu.memory_space<hbm>>
      tpu.wait_indirect_dma semaphore(%arg7 : memref<!tpu.dma_semaphore, #tpu.memory_space<semaphore_mem>>) src(%dma_wait3A_93 : memref<4096x144xf32, #tpu.memory_space<hbm>>) dst(%dma_wait3A_89 : memref<128x144xf32, #tpu.memory_space<vmem>>)
      %dma_wait3A_94 = arith.constant 3 : i32
      %dma_wait3A_95 = arith.constant 0 : i32
      %dma_wait3A_96 = arith.constant 0 : i32
      %dma_wait3A_97 = tpu.memref_slice %arg6[%dma_wait3A_94, %dma_wait3A_95, %dma_wait3A_96] : memref<4x128x144xf32, #tpu.memory_space<vmem>> -> memref<1x128x144xf32, #tpu.memory_space<vmem>>
      %dma_wait3A_98 = tpu.memref_squeeze %dma_wait3A_97 : memref<1x128x144xf32, #tpu.memory_space<vmem>> -> memref<128x144xf32, #tpu.memory_space<vmem>>
      %dma_wait3A_99 = tpu.memref_slice %arg5[%mul3A_58] : memref<2048xi32, #tpu.memory_space<vmem>> -> memref<128xi32, #tpu.memory_space<vmem>>
      %dma_wait3A_100 = arith.constant 0 : i32
      %dma_wait3A_101 = arith.constant 0 : i32
      %dma_wait3A_102 = tpu.memref_slice %arg2[%dma_wait3A_100, %dma_wait3A_101] : memref<4096x144xf32, #tpu.memory_space<hbm>> -> memref<4096x144xf32, #tpu.memory_space<hbm>>
      tpu.wait_indirect_dma semaphore(%arg7 : memref<!tpu.dma_semaphore, #tpu.memory_space<semaphore_mem>>) src(%dma_wait3A_102 : memref<4096x144xf32, #tpu.memory_space<hbm>>) dst(%dma_wait3A_98 : memref<128x144xf32, #tpu.memory_space<vmem>>)
      %mul3A_103 = arith.constant 4 : i32
      %mul3A_104 = arith.muli %scan3A_8, %mul3A_103 : i32
      %add3A_105 = arith.constant 0 : i32
      %add3A_106 = arith.addi %mul3A_104, %add3A_105 : i32
      %mul3A_107 = arith.constant 128 : i32
      %mul3A_108 = arith.muli %add3A_106, %mul3A_107 : i32
      %add3A_109 = arith.addi %mul3A_2, %mul3A_108 : i32
      %run_scoped3A = arith.constant 0 : i32
      "tpu.region"() ({
        %run_scoped3A_134 = tpu.sem_alloc : memref<!tpu.dma_semaphore, #tpu.memory_space<semaphore_mem>>
        %dma_start3A_135 = arith.constant 0 : i32
        %dma_start3A_136 = arith.constant 0 : i32
        %dma_start3A_137 = tpu.memref_slice %arg6[%run_scoped3A, %dma_start3A_135, %dma_start3A_136] : memref<4x128x144xf32, #tpu.memory_space<vmem>> -> memref<1x128x144xf32, #tpu.memory_space<vmem>>
        %dma_start3A_138 = tpu.memref_squeeze %dma_start3A_137 : memref<1x128x144xf32, #tpu.memory_space<vmem>> -> memref<128x144xf32, #tpu.memory_space<vmem>>
        %dma_start3A_139 = arith.constant 0 : i32
        %dma_start3A_140 = tpu.memref_slice %arg4[%add3A_109, %dma_start3A_139] : memref<65536x144xf32, #tpu.memory_space<hbm>> -> memref<128x144xf32, #tpu.memory_space<hbm>>
        %dma_start3A_141 = arith.constant 0 : i32
        %dma_start3A_142 = tpu.memref_slice %arg4[%add3A_109, %dma_start3A_141] : memref<65536x144xf32, #tpu.memory_space<hbm>> -> memref<128x144xf32, #tpu.memory_space<hbm>>
        %dma_start3A_143 = arith.constant 0 : i32
        %dma_start3A_144 = arith.constant 0 : i32
        %dma_start3A_145 = tpu.memref_slice %arg6[%run_scoped3A, %dma_start3A_143, %dma_start3A_144] : memref<4x128x144xf32, #tpu.memory_space<vmem>> -> memref<1x128x144xf32, #tpu.memory_space<vmem>>
        %dma_start3A_146 = tpu.memref_squeeze %dma_start3A_145 : memref<1x128x144xf32, #tpu.memory_space<vmem>> -> memref<128x144xf32, #tpu.memory_space<vmem>>
        tpu.enqueue_dma source(%dma_start3A_146 : memref<128x144xf32, #tpu.memory_space<vmem>>) target(%dma_start3A_142 : memref<128x144xf32, #tpu.memory_space<hbm>>) target_semaphore(%run_scoped3A_134 : memref<!tpu.dma_semaphore, #tpu.memory_space<semaphore_mem>>)
        %dma_wait3A_147 = arith.constant 0 : i32
        %dma_wait3A_148 = arith.constant 0 : i32
        %dma_wait3A_149 = tpu.memref_slice %arg6[%run_scoped3A, %dma_wait3A_147, %dma_wait3A_148] : memref<4x128x144xf32, #tpu.memory_space<vmem>> -> memref<1x128x144xf32, #tpu.memory_space<vmem>>
        %dma_wait3A_150 = tpu.memref_squeeze %dma_wait3A_149 : memref<1x128x144xf32, #tpu.memory_space<vmem>> -> memref<128x144xf32, #tpu.memory_space<vmem>>
        %dma_wait3A_151 = arith.constant 0 : i32
        %dma_wait3A_152 = tpu.memref_slice %arg4[%add3A_109, %dma_wait3A_151] : memref<65536x144xf32, #tpu.memory_space<hbm>> -> memref<128x144xf32, #tpu.memory_space<hbm>>
        %dma_wait3A_153 = arith.constant 0 : i32
        %dma_wait3A_154 = tpu.memref_slice %arg4[%add3A_109, %dma_wait3A_153] : memref<65536x144xf32, #tpu.memory_space<hbm>> -> memref<128x144xf32, #tpu.memory_space<hbm>>
        %dma_wait3A_155 = arith.constant 0 : i32
        %dma_wait3A_156 = arith.constant 0 : i32
        %dma_wait3A_157 = tpu.memref_slice %arg6[%run_scoped3A, %dma_wait3A_155, %dma_wait3A_156] : memref<4x128x144xf32, #tpu.memory_space<vmem>> -> memref<1x128x144xf32, #tpu.memory_space<vmem>>
        %dma_wait3A_158 = tpu.memref_squeeze %dma_wait3A_157 : memref<1x128x144xf32, #tpu.memory_space<vmem>> -> memref<128x144xf32, #tpu.memory_space<vmem>>
        tpu.wait_dma2 semaphore(%run_scoped3A_134 : memref<!tpu.dma_semaphore, #tpu.memory_space<semaphore_mem>>) src(%dma_wait3A_158 : memref<128x144xf32, #tpu.memory_space<vmem>>) dst(%dma_wait3A_154 : memref<128x144xf32, #tpu.memory_space<hbm>>)
        tpu.yield
      }) : () -> ()
      %mul3A_110 = arith.constant 4 : i32
      %mul3A_111 = arith.muli %scan3A_8, %mul3A_110 : i32
      %add3A_112 = arith.constant 1 : i32
      %add3A_113 = arith.addi %mul3A_111, %add3A_112 : i32
      %mul3A_114 = arith.constant 128 : i32
      %mul3A_115 = arith.muli %add3A_113, %mul3A_114 : i32
      %add3A_116 = arith.addi %mul3A_2, %mul3A_115 : i32
      %run_scoped3A_117 = arith.constant 1 : i32
      "tpu.region"() ({
        %run_scoped3A_134 = tpu.sem_alloc : memref<!tpu.dma_semaphore, #tpu.memory_space<semaphore_mem>>
        %dma_start3A_135 = arith.constant 0 : i32
        %dma_start3A_136 = arith.constant 0 : i32
        %dma_start3A_137 = tpu.memref_slice %arg6[%run_scoped3A_117, %dma_start3A_135, %dma_start3A_136] : memref<4x128x144xf32, #tpu.memory_space<vmem>> -> memref<1x128x144xf32, #tpu.memory_space<vmem>>
        %dma_start3A_138 = tpu.memref_squeeze %dma_start3A_137 : memref<1x128x144xf32, #tpu.memory_space<vmem>> -> memref<128x144xf32, #tpu.memory_space<vmem>>
        %dma_start3A_139 = arith.constant 0 : i32
        %dma_start3A_140 = tpu.memref_slice %arg4[%add3A_116, %dma_start3A_139] : memref<65536x144xf32, #tpu.memory_space<hbm>> -> memref<128x144xf32, #tpu.memory_space<hbm>>
        %dma_start3A_141 = arith.constant 0 : i32
        %dma_start3A_142 = tpu.memref_slice %arg4[%add3A_116, %dma_start3A_141] : memref<65536x144xf32, #tpu.memory_space<hbm>> -> memref<128x144xf32, #tpu.memory_space<hbm>>
        %dma_start3A_143 = arith.constant 0 : i32
        %dma_start3A_144 = arith.constant 0 : i32
        %dma_start3A_145 = tpu.memref_slice %arg6[%run_scoped3A_117, %dma_start3A_143, %dma_start3A_144] : memref<4x128x144xf32, #tpu.memory_space<vmem>> -> memref<1x128x144xf32, #tpu.memory_space<vmem>>
        %dma_start3A_146 = tpu.memref_squeeze %dma_start3A_145 : memref<1x128x144xf32, #tpu.memory_space<vmem>> -> memref<128x144xf32, #tpu.memory_space<vmem>>
        tpu.enqueue_dma source(%dma_start3A_146 : memref<128x144xf32, #tpu.memory_space<vmem>>) target(%dma_start3A_142 : memref<128x144xf32, #tpu.memory_space<hbm>>) target_semaphore(%run_scoped3A_134 : memref<!tpu.dma_semaphore, #tpu.memory_space<semaphore_mem>>)
        %dma_wait3A_147 = arith.constant 0 : i32
        %dma_wait3A_148 = arith.constant 0 : i32
        %dma_wait3A_149 = tpu.memref_slice %arg6[%run_scoped3A_117, %dma_wait3A_147, %dma_wait3A_148] : memref<4x128x144xf32, #tpu.memory_space<vmem>> -> memref<1x128x144xf32, #tpu.memory_space<vmem>>
        %dma_wait3A_150 = tpu.memref_squeeze %dma_wait3A_149 : memref<1x128x144xf32, #tpu.memory_space<vmem>> -> memref<128x144xf32, #tpu.memory_space<vmem>>
        %dma_wait3A_151 = arith.constant 0 : i32
        %dma_wait3A_152 = tpu.memref_slice %arg4[%add3A_116, %dma_wait3A_151] : memref<65536x144xf32, #tpu.memory_space<hbm>> -> memref<128x144xf32, #tpu.memory_space<hbm>>
        %dma_wait3A_153 = arith.constant 0 : i32
        %dma_wait3A_154 = tpu.memref_slice %arg4[%add3A_116, %dma_wait3A_153] : memref<65536x144xf32, #tpu.memory_space<hbm>> -> memref<128x144xf32, #tpu.memory_space<hbm>>
        %dma_wait3A_155 = arith.constant 0 : i32
        %dma_wait3A_156 = arith.constant 0 : i32
        %dma_wait3A_157 = tpu.memref_slice %arg6[%run_scoped3A_117, %dma_wait3A_155, %dma_wait3A_156] : memref<4x128x144xf32, #tpu.memory_space<vmem>> -> memref<1x128x144xf32, #tpu.memory_space<vmem>>
        %dma_wait3A_158 = tpu.memref_squeeze %dma_wait3A_157 : memref<1x128x144xf32, #tpu.memory_space<vmem>> -> memref<128x144xf32, #tpu.memory_space<vmem>>
        tpu.wait_dma2 semaphore(%run_scoped3A_134 : memref<!tpu.dma_semaphore, #tpu.memory_space<semaphore_mem>>) src(%dma_wait3A_158 : memref<128x144xf32, #tpu.memory_space<vmem>>) dst(%dma_wait3A_154 : memref<128x144xf32, #tpu.memory_space<hbm>>)
        tpu.yield
      }) : () -> ()
      %mul3A_118 = arith.constant 4 : i32
      %mul3A_119 = arith.muli %scan3A_8, %mul3A_118 : i32
      %add3A_120 = arith.constant 2 : i32
      %add3A_121 = arith.addi %mul3A_119, %add3A_120 : i32
      %mul3A_122 = arith.constant 128 : i32
      %mul3A_123 = arith.muli %add3A_121, %mul3A_122 : i32
      %add3A_124 = arith.addi %mul3A_2, %mul3A_123 : i32
      %run_scoped3A_125 = arith.constant 2 : i32
      "tpu.region"() ({
        %run_scoped3A_134 = tpu.sem_alloc : memref<!tpu.dma_semaphore, #tpu.memory_space<semaphore_mem>>
        %dma_start3A_135 = arith.constant 0 : i32
        %dma_start3A_136 = arith.constant 0 : i32
        %dma_start3A_137 = tpu.memref_slice %arg6[%run_scoped3A_125, %dma_start3A_135, %dma_start3A_136] : memref<4x128x144xf32, #tpu.memory_space<vmem>> -> memref<1x128x144xf32, #tpu.memory_space<vmem>>
        %dma_start3A_138 = tpu.memref_squeeze %dma_start3A_137 : memref<1x128x144xf32, #tpu.memory_space<vmem>> -> memref<128x144xf32, #tpu.memory_space<vmem>>
        %dma_start3A_139 = arith.constant 0 : i32
        %dma_start3A_140 = tpu.memref_slice %arg4[%add3A_124, %dma_start3A_139] : memref<65536x144xf32, #tpu.memory_space<hbm>> -> memref<128x144xf32, #tpu.memory_space<hbm>>
        %dma_start3A_141 = arith.constant 0 : i32
        %dma_start3A_142 = tpu.memref_slice %arg4[%add3A_124, %dma_start3A_141] : memref<65536x144xf32, #tpu.memory_space<hbm>> -> memref<128x144xf32, #tpu.memory_space<hbm>>
        %dma_start3A_143 = arith.constant 0 : i32
        %dma_start3A_144 = arith.constant 0 : i32
        %dma_start3A_145 = tpu.memref_slice %arg6[%run_scoped3A_125, %dma_start3A_143, %dma_start3A_144] : memref<4x128x144xf32, #tpu.memory_space<vmem>> -> memref<1x128x144xf32, #tpu.memory_space<vmem>>
        %dma_start3A_146 = tpu.memref_squeeze %dma_start3A_145 : memref<1x128x144xf32, #tpu.memory_space<vmem>> -> memref<128x144xf32, #tpu.memory_space<vmem>>
        tpu.enqueue_dma source(%dma_start3A_146 : memref<128x144xf32, #tpu.memory_space<vmem>>) target(%dma_start3A_142 : memref<128x144xf32, #tpu.memory_space<hbm>>) target_semaphore(%run_scoped3A_134 : memref<!tpu.dma_semaphore, #tpu.memory_space<semaphore_mem>>)
        %dma_wait3A_147 = arith.constant 0 : i32
        %dma_wait3A_148 = arith.constant 0 : i32
        %dma_wait3A_149 = tpu.memref_slice %arg6[%run_scoped3A_125, %dma_wait3A_147, %dma_wait3A_148] : memref<4x128x144xf32, #tpu.memory_space<vmem>> -> memref<1x128x144xf32, #tpu.memory_space<vmem>>
        %dma_wait3A_150 = tpu.memref_squeeze %dma_wait3A_149 : memref<1x128x144xf32, #tpu.memory_space<vmem>> -> memref<128x144xf32, #tpu.memory_space<vmem>>
        %dma_wait3A_151 = arith.constant 0 : i32
        %dma_wait3A_152 = tpu.memref_slice %arg4[%add3A_124, %dma_wait3A_151] : memref<65536x144xf32, #tpu.memory_space<hbm>> -> memref<128x144xf32, #tpu.memory_space<hbm>>
        %dma_wait3A_153 = arith.constant 0 : i32
        %dma_wait3A_154 = tpu.memref_slice %arg4[%add3A_124, %dma_wait3A_153] : memref<65536x144xf32, #tpu.memory_space<hbm>> -> memref<128x144xf32, #tpu.memory_space<hbm>>
        %dma_wait3A_155 = arith.constant 0 : i32
        %dma_wait3A_156 = arith.constant 0 : i32
        %dma_wait3A_157 = tpu.memref_slice %arg6[%run_scoped3A_125, %dma_wait3A_155, %dma_wait3A_156] : memref<4x128x144xf32, #tpu.memory_space<vmem>> -> memref<1x128x144xf32, #tpu.memory_space<vmem>>
        %dma_wait3A_158 = tpu.memref_squeeze %dma_wait3A_157 : memref<1x128x144xf32, #tpu.memory_space<vmem>> -> memref<128x144xf32, #tpu.memory_space<vmem>>
        tpu.wait_dma2 semaphore(%run_scoped3A_134 : memref<!tpu.dma_semaphore, #tpu.memory_space<semaphore_mem>>) src(%dma_wait3A_158 : memref<128x144xf32, #tpu.memory_space<vmem>>) dst(%dma_wait3A_154 : memref<128x144xf32, #tpu.memory_space<hbm>>)
        tpu.yield
      }) : () -> ()
      %mul3A_126 = arith.constant 4 : i32
      %mul3A_127 = arith.muli %scan3A_8, %mul3A_126 : i32
      %add3A_128 = arith.constant 3 : i32
      %add3A_129 = arith.addi %mul3A_127, %add3A_128 : i32
      %mul3A_130 = arith.constant 128 : i32
      %mul3A_131 = arith.muli %add3A_129, %mul3A_130 : i32
      %add3A_132 = arith.addi %mul3A_2, %mul3A_131 : i32
      %run_scoped3A_133 = arith.constant 3 : i32
      "tpu.region"() ({
        %run_scoped3A_134 = tpu.sem_alloc : memref<!tpu.dma_semaphore, #tpu.memory_space<semaphore_mem>>
        %dma_start3A_135 = arith.constant 0 : i32
        %dma_start3A_136 = arith.constant 0 : i32
        %dma_start3A_137 = tpu.memref_slice %arg6[%run_scoped3A_133, %dma_start3A_135, %dma_start3A_136] : memref<4x128x144xf32, #tpu.memory_space<vmem>> -> memref<1x128x144xf32, #tpu.memory_space<vmem>>
        %dma_start3A_138 = tpu.memref_squeeze %dma_start3A_137 : memref<1x128x144xf32, #tpu.memory_space<vmem>> -> memref<128x144xf32, #tpu.memory_space<vmem>>
        %dma_start3A_139 = arith.constant 0 : i32
        %dma_start3A_140 = tpu.memref_slice %arg4[%add3A_132, %dma_start3A_139] : memref<65536x144xf32, #tpu.memory_space<hbm>> -> memref<128x144xf32, #tpu.memory_space<hbm>>
        %dma_start3A_141 = arith.constant 0 : i32
        %dma_start3A_142 = tpu.memref_slice %arg4[%add3A_132, %dma_start3A_141] : memref<65536x144xf32, #tpu.memory_space<hbm>> -> memref<128x144xf32, #tpu.memory_space<hbm>>
        %dma_start3A_143 = arith.constant 0 : i32
        %dma_start3A_144 = arith.constant 0 : i32
        %dma_start3A_145 = tpu.memref_slice %arg6[%run_scoped3A_133, %dma_start3A_143, %dma_start3A_144] : memref<4x128x144xf32, #tpu.memory_space<vmem>> -> memref<1x128x144xf32, #tpu.memory_space<vmem>>
        %dma_start3A_146 = tpu.memref_squeeze %dma_start3A_145 : memref<1x128x144xf32, #tpu.memory_space<vmem>> -> memref<128x144xf32, #tpu.memory_space<vmem>>
        tpu.enqueue_dma source(%dma_start3A_146 : memref<128x144xf32, #tpu.memory_space<vmem>>) target(%dma_start3A_142 : memref<128x144xf32, #tpu.memory_space<hbm>>) target_semaphore(%run_scoped3A_134 : memref<!tpu.dma_semaphore, #tpu.memory_space<semaphore_mem>>)
        %dma_wait3A_147 = arith.constant 0 : i32
        %dma_wait3A_148 = arith.constant 0 : i32
        %dma_wait3A_149 = tpu.memref_slice %arg6[%run_scoped3A_133, %dma_wait3A_147, %dma_wait3A_148] : memref<4x128x144xf32, #tpu.memory_space<vmem>> -> memref<1x128x144xf32, #tpu.memory_space<vmem>>
        %dma_wait3A_150 = tpu.memref_squeeze %dma_wait3A_149 : memref<1x128x144xf32, #tpu.memory_space<vmem>> -> memref<128x144xf32, #tpu.memory_space<vmem>>
        %dma_wait3A_151 = arith.constant 0 : i32
        %dma_wait3A_152 = tpu.memref_slice %arg4[%add3A_132, %dma_wait3A_151] : memref<65536x144xf32, #tpu.memory_space<hbm>> -> memref<128x144xf32, #tpu.memory_space<hbm>>
        %dma_wait3A_153 = arith.constant 0 : i32
        %dma_wait3A_154 = tpu.memref_slice %arg4[%add3A_132, %dma_wait3A_153] : memref<65536x144xf32, #tpu.memory_space<hbm>> -> memref<128x144xf32, #tpu.memory_space<hbm>>
        %dma_wait3A_155 = arith.constant 0 : i32
        %dma_wait3A_156 = arith.constant 0 : i32
        %dma_wait3A_157 = tpu.memref_slice %arg6[%run_scoped3A_133, %dma_wait3A_155, %dma_wait3A_156] : memref<4x128x144xf32, #tpu.memory_space<vmem>> -> memref<1x128x144xf32, #tpu.memory_space<vmem>>
        %dma_wait3A_158 = tpu.memref_squeeze %dma_wait3A_157 : memref<1x128x144xf32, #tpu.memory_space<vmem>> -> memref<128x144xf32, #tpu.memory_space<vmem>>
        tpu.wait_dma2 semaphore(%run_scoped3A_134 : memref<!tpu.dma_semaphore, #tpu.memory_space<semaphore_mem>>) src(%dma_wait3A_158 : memref<128x144xf32, #tpu.memory_space<vmem>>) dst(%dma_wait3A_154 : memref<128x144xf32, #tpu.memory_space<hbm>>)
        tpu.yield
      }) : () -> ()
    }
    %scan3A_7 = arith.constant 4 : i32
    return
  }
}

#map = affine_map<(d0, d1) -> (0, 0)>
#map1 = affine_map<(d0, d1) -> (0)>
module attributes {stable_mosaic.version = 14 : i64} {
  func.func @k(%arg0: i32, %arg1: i32, %arg2: memref<8192x16xf32, #tpu.memory_space<hbm>>, %arg3: memref<262144xi32, #tpu.memory_space<hbm>>, %arg4: memref<262144x16xf32, #tpu.memory_space<hbm>>, %arg5: memref<8192xi32, #tpu.memory_space<vmem>>, %arg6: memref<8x128x16xf32, #tpu.memory_space<vmem>>, %arg7: memref<!tpu.dma_semaphore, #tpu.memory_space<semaphore_mem>>) attributes {dimension_semantics = [#tpu.dimension_semantics<core_parallel>, #tpu.dimension_semantics<subcore_parallel>], iteration_bounds = array<i64: 2, 16>, scalar_prefetch = 0 : i64, scratch_operands = 3 : i64, tpu.core_type = #tpu.core_type<sc_vector_subcore>, window_params = [{transform_indices = #map}, {transform_indices = #map1}, {transform_indices = #map}]} {
    %mul3A = arith.constant 2 : i32
    %mul3A_0 = arith.muli %arg1, %mul3A : i32
    %add3A = arith.addi %mul3A_0, %arg0 : i32
    %mul3A_1 = arith.constant 8192 : i32
    %mul3A_2 = arith.muli %add3A, %mul3A_1 : i32
    "tpu.region"() ({
      %run_scoped3A = tpu.sem_alloc : memref<!tpu.dma_semaphore, #tpu.memory_space<semaphore_mem>>
      %dma_start3A = tpu.memref_slice %arg3[%mul3A_2] : memref<262144xi32, #tpu.memory_space<hbm>> -> memref<8192xi32, #tpu.memory_space<hbm>>
      %dma_start3A_8 = tpu.memref_slice %arg3[%mul3A_2] : memref<262144xi32, #tpu.memory_space<hbm>> -> memref<8192xi32, #tpu.memory_space<hbm>>
      tpu.enqueue_dma source(%dma_start3A_8 : memref<8192xi32, #tpu.memory_space<hbm>>) target(%arg5 : memref<8192xi32, #tpu.memory_space<vmem>>) target_semaphore(%run_scoped3A : memref<!tpu.dma_semaphore, #tpu.memory_space<semaphore_mem>>)
      %dma_wait3A = tpu.memref_slice %arg3[%mul3A_2] : memref<262144xi32, #tpu.memory_space<hbm>> -> memref<8192xi32, #tpu.memory_space<hbm>>
      %dma_wait3A_9 = tpu.memref_slice %arg3[%mul3A_2] : memref<262144xi32, #tpu.memory_space<hbm>> -> memref<8192xi32, #tpu.memory_space<hbm>>
      tpu.wait_dma2 semaphore(%run_scoped3A : memref<!tpu.dma_semaphore, #tpu.memory_space<semaphore_mem>>) src(%dma_wait3A_9 : memref<8192xi32, #tpu.memory_space<hbm>>) dst(%arg5 : memref<8192xi32, #tpu.memory_space<vmem>>)
      tpu.yield
    }) : () -> ()
    %scan3A = arith.constant 0 : i32
    %scan3A_3 = arith.constant 0 : i32
    %scan3A_4 = arith.constant 8 : i32
    %scan3A_5 = arith.addi %scan3A_3, %scan3A_4 : i32
    %scan3A_6 = arith.constant 1 : i32
    scf.for %scan3A_8 = %scan3A_3 to %scan3A_5 step %scan3A_6  : i32 {
      %mul3A_9 = arith.constant 8 : i32
      %mul3A_10 = arith.muli %scan3A_8, %mul3A_9 : i32
      %add3A_11 = arith.constant 0 : i32
      %add3A_12 = arith.addi %mul3A_10, %add3A_11 : i32
      %mul3A_13 = arith.constant 128 : i32
      %mul3A_14 = arith.muli %add3A_12, %mul3A_13 : i32
      %dma_start3A = arith.constant 0 : i32
      %dma_start3A_15 = arith.constant 0 : i32
      %dma_start3A_16 = arith.constant 0 : i32
      %dma_start3A_17 = tpu.memref_slice %arg6[%dma_start3A, %dma_start3A_15, %dma_start3A_16] : memref<8x128x16xf32, #tpu.memory_space<vmem>> -> memref<1x128x16xf32, #tpu.memory_space<vmem>>
      %dma_start3A_18 = tpu.memref_squeeze %dma_start3A_17 : memref<1x128x16xf32, #tpu.memory_space<vmem>> -> memref<128x16xf32, #tpu.memory_space<vmem>>
      %dma_start3A_19 = tpu.memref_slice %arg5[%mul3A_14] : memref<8192xi32, #tpu.memory_space<vmem>> -> memref<128xi32, #tpu.memory_space<vmem>>
      %dma_start3A_20 = arith.constant 0 : i32
      %dma_start3A_21 = arith.constant 0 : i32
      %dma_start3A_22 = tpu.memref_slice %arg2[%dma_start3A_20, %dma_start3A_21] : memref<8192x16xf32, #tpu.memory_space<hbm>> -> memref<8192x16xf32, #tpu.memory_space<hbm>>
      tpu.enqueue_indirect_dma source(%dma_start3A_22 : memref<8192x16xf32, #tpu.memory_space<hbm>>) target(%dma_start3A_18 : memref<128x16xf32, #tpu.memory_space<vmem>>) offsets(%dma_start3A_19 : memref<128xi32, #tpu.memory_space<vmem>>) semaphore(%arg7 : memref<!tpu.dma_semaphore, #tpu.memory_space<semaphore_mem>>)
      %mul3A_23 = arith.constant 8 : i32
      %mul3A_24 = arith.muli %scan3A_8, %mul3A_23 : i32
      %add3A_25 = arith.constant 1 : i32
      %add3A_26 = arith.addi %mul3A_24, %add3A_25 : i32
      %mul3A_27 = arith.constant 128 : i32
      %mul3A_28 = arith.muli %add3A_26, %mul3A_27 : i32
      %dma_start3A_29 = arith.constant 1 : i32
      %dma_start3A_30 = arith.constant 0 : i32
      %dma_start3A_31 = arith.constant 0 : i32
      %dma_start3A_32 = tpu.memref_slice %arg6[%dma_start3A_29, %dma_start3A_30, %dma_start3A_31] : memref<8x128x16xf32, #tpu.memory_space<vmem>> -> memref<1x128x16xf32, #tpu.memory_space<vmem>>
      %dma_start3A_33 = tpu.memref_squeeze %dma_start3A_32 : memref<1x128x16xf32, #tpu.memory_space<vmem>> -> memref<128x16xf32, #tpu.memory_space<vmem>>
      %dma_start3A_34 = tpu.memref_slice %arg5[%mul3A_28] : memref<8192xi32, #tpu.memory_space<vmem>> -> memref<128xi32, #tpu.memory_space<vmem>>
      %dma_start3A_35 = arith.constant 0 : i32
      %dma_start3A_36 = arith.constant 0 : i32
      %dma_start3A_37 = tpu.memref_slice %arg2[%dma_start3A_35, %dma_start3A_36] : memref<8192x16xf32, #tpu.memory_space<hbm>> -> memref<8192x16xf32, #tpu.memory_space<hbm>>
      tpu.enqueue_indirect_dma source(%dma_start3A_37 : memref<8192x16xf32, #tpu.memory_space<hbm>>) target(%dma_start3A_33 : memref<128x16xf32, #tpu.memory_space<vmem>>) offsets(%dma_start3A_34 : memref<128xi32, #tpu.memory_space<vmem>>) semaphore(%arg7 : memref<!tpu.dma_semaphore, #tpu.memory_space<semaphore_mem>>)
      %mul3A_38 = arith.constant 8 : i32
      %mul3A_39 = arith.muli %scan3A_8, %mul3A_38 : i32
      %add3A_40 = arith.constant 2 : i32
      %add3A_41 = arith.addi %mul3A_39, %add3A_40 : i32
      %mul3A_42 = arith.constant 128 : i32
      %mul3A_43 = arith.muli %add3A_41, %mul3A_42 : i32
      %dma_start3A_44 = arith.constant 2 : i32
      %dma_start3A_45 = arith.constant 0 : i32
      %dma_start3A_46 = arith.constant 0 : i32
      %dma_start3A_47 = tpu.memref_slice %arg6[%dma_start3A_44, %dma_start3A_45, %dma_start3A_46] : memref<8x128x16xf32, #tpu.memory_space<vmem>> -> memref<1x128x16xf32, #tpu.memory_space<vmem>>
      %dma_start3A_48 = tpu.memref_squeeze %dma_start3A_47 : memref<1x128x16xf32, #tpu.memory_space<vmem>> -> memref<128x16xf32, #tpu.memory_space<vmem>>
      %dma_start3A_49 = tpu.memref_slice %arg5[%mul3A_43] : memref<8192xi32, #tpu.memory_space<vmem>> -> memref<128xi32, #tpu.memory_space<vmem>>
      %dma_start3A_50 = arith.constant 0 : i32
      %dma_start3A_51 = arith.constant 0 : i32
      %dma_start3A_52 = tpu.memref_slice %arg2[%dma_start3A_50, %dma_start3A_51] : memref<8192x16xf32, #tpu.memory_space<hbm>> -> memref<8192x16xf32, #tpu.memory_space<hbm>>
      tpu.enqueue_indirect_dma source(%dma_start3A_52 : memref<8192x16xf32, #tpu.memory_space<hbm>>) target(%dma_start3A_48 : memref<128x16xf32, #tpu.memory_space<vmem>>) offsets(%dma_start3A_49 : memref<128xi32, #tpu.memory_space<vmem>>) semaphore(%arg7 : memref<!tpu.dma_semaphore, #tpu.memory_space<semaphore_mem>>)
      %mul3A_53 = arith.constant 8 : i32
      %mul3A_54 = arith.muli %scan3A_8, %mul3A_53 : i32
      %add3A_55 = arith.constant 3 : i32
      %add3A_56 = arith.addi %mul3A_54, %add3A_55 : i32
      %mul3A_57 = arith.constant 128 : i32
      %mul3A_58 = arith.muli %add3A_56, %mul3A_57 : i32
      %dma_start3A_59 = arith.constant 3 : i32
      %dma_start3A_60 = arith.constant 0 : i32
      %dma_start3A_61 = arith.constant 0 : i32
      %dma_start3A_62 = tpu.memref_slice %arg6[%dma_start3A_59, %dma_start3A_60, %dma_start3A_61] : memref<8x128x16xf32, #tpu.memory_space<vmem>> -> memref<1x128x16xf32, #tpu.memory_space<vmem>>
      %dma_start3A_63 = tpu.memref_squeeze %dma_start3A_62 : memref<1x128x16xf32, #tpu.memory_space<vmem>> -> memref<128x16xf32, #tpu.memory_space<vmem>>
      %dma_start3A_64 = tpu.memref_slice %arg5[%mul3A_58] : memref<8192xi32, #tpu.memory_space<vmem>> -> memref<128xi32, #tpu.memory_space<vmem>>
      %dma_start3A_65 = arith.constant 0 : i32
      %dma_start3A_66 = arith.constant 0 : i32
      %dma_start3A_67 = tpu.memref_slice %arg2[%dma_start3A_65, %dma_start3A_66] : memref<8192x16xf32, #tpu.memory_space<hbm>> -> memref<8192x16xf32, #tpu.memory_space<hbm>>
      tpu.enqueue_indirect_dma source(%dma_start3A_67 : memref<8192x16xf32, #tpu.memory_space<hbm>>) target(%dma_start3A_63 : memref<128x16xf32, #tpu.memory_space<vmem>>) offsets(%dma_start3A_64 : memref<128xi32, #tpu.memory_space<vmem>>) semaphore(%arg7 : memref<!tpu.dma_semaphore, #tpu.memory_space<semaphore_mem>>)
      %mul3A_68 = arith.constant 8 : i32
      %mul3A_69 = arith.muli %scan3A_8, %mul3A_68 : i32
      %add3A_70 = arith.constant 4 : i32
      %add3A_71 = arith.addi %mul3A_69, %add3A_70 : i32
      %mul3A_72 = arith.constant 128 : i32
      %mul3A_73 = arith.muli %add3A_71, %mul3A_72 : i32
      %dma_start3A_74 = arith.constant 4 : i32
      %dma_start3A_75 = arith.constant 0 : i32
      %dma_start3A_76 = arith.constant 0 : i32
      %dma_start3A_77 = tpu.memref_slice %arg6[%dma_start3A_74, %dma_start3A_75, %dma_start3A_76] : memref<8x128x16xf32, #tpu.memory_space<vmem>> -> memref<1x128x16xf32, #tpu.memory_space<vmem>>
      %dma_start3A_78 = tpu.memref_squeeze %dma_start3A_77 : memref<1x128x16xf32, #tpu.memory_space<vmem>> -> memref<128x16xf32, #tpu.memory_space<vmem>>
      %dma_start3A_79 = tpu.memref_slice %arg5[%mul3A_73] : memref<8192xi32, #tpu.memory_space<vmem>> -> memref<128xi32, #tpu.memory_space<vmem>>
      %dma_start3A_80 = arith.constant 0 : i32
      %dma_start3A_81 = arith.constant 0 : i32
      %dma_start3A_82 = tpu.memref_slice %arg2[%dma_start3A_80, %dma_start3A_81] : memref<8192x16xf32, #tpu.memory_space<hbm>> -> memref<8192x16xf32, #tpu.memory_space<hbm>>
      tpu.enqueue_indirect_dma source(%dma_start3A_82 : memref<8192x16xf32, #tpu.memory_space<hbm>>) target(%dma_start3A_78 : memref<128x16xf32, #tpu.memory_space<vmem>>) offsets(%dma_start3A_79 : memref<128xi32, #tpu.memory_space<vmem>>) semaphore(%arg7 : memref<!tpu.dma_semaphore, #tpu.memory_space<semaphore_mem>>)
      %mul3A_83 = arith.constant 8 : i32
      %mul3A_84 = arith.muli %scan3A_8, %mul3A_83 : i32
      %add3A_85 = arith.constant 5 : i32
      %add3A_86 = arith.addi %mul3A_84, %add3A_85 : i32
      %mul3A_87 = arith.constant 128 : i32
      %mul3A_88 = arith.muli %add3A_86, %mul3A_87 : i32
      %dma_start3A_89 = arith.constant 5 : i32
      %dma_start3A_90 = arith.constant 0 : i32
      %dma_start3A_91 = arith.constant 0 : i32
      %dma_start3A_92 = tpu.memref_slice %arg6[%dma_start3A_89, %dma_start3A_90, %dma_start3A_91] : memref<8x128x16xf32, #tpu.memory_space<vmem>> -> memref<1x128x16xf32, #tpu.memory_space<vmem>>
      %dma_start3A_93 = tpu.memref_squeeze %dma_start3A_92 : memref<1x128x16xf32, #tpu.memory_space<vmem>> -> memref<128x16xf32, #tpu.memory_space<vmem>>
      %dma_start3A_94 = tpu.memref_slice %arg5[%mul3A_88] : memref<8192xi32, #tpu.memory_space<vmem>> -> memref<128xi32, #tpu.memory_space<vmem>>
      %dma_start3A_95 = arith.constant 0 : i32
      %dma_start3A_96 = arith.constant 0 : i32
      %dma_start3A_97 = tpu.memref_slice %arg2[%dma_start3A_95, %dma_start3A_96] : memref<8192x16xf32, #tpu.memory_space<hbm>> -> memref<8192x16xf32, #tpu.memory_space<hbm>>
      tpu.enqueue_indirect_dma source(%dma_start3A_97 : memref<8192x16xf32, #tpu.memory_space<hbm>>) target(%dma_start3A_93 : memref<128x16xf32, #tpu.memory_space<vmem>>) offsets(%dma_start3A_94 : memref<128xi32, #tpu.memory_space<vmem>>) semaphore(%arg7 : memref<!tpu.dma_semaphore, #tpu.memory_space<semaphore_mem>>)
      %mul3A_98 = arith.constant 8 : i32
      %mul3A_99 = arith.muli %scan3A_8, %mul3A_98 : i32
      %add3A_100 = arith.constant 6 : i32
      %add3A_101 = arith.addi %mul3A_99, %add3A_100 : i32
      %mul3A_102 = arith.constant 128 : i32
      %mul3A_103 = arith.muli %add3A_101, %mul3A_102 : i32
      %dma_start3A_104 = arith.constant 6 : i32
      %dma_start3A_105 = arith.constant 0 : i32
      %dma_start3A_106 = arith.constant 0 : i32
      %dma_start3A_107 = tpu.memref_slice %arg6[%dma_start3A_104, %dma_start3A_105, %dma_start3A_106] : memref<8x128x16xf32, #tpu.memory_space<vmem>> -> memref<1x128x16xf32, #tpu.memory_space<vmem>>
      %dma_start3A_108 = tpu.memref_squeeze %dma_start3A_107 : memref<1x128x16xf32, #tpu.memory_space<vmem>> -> memref<128x16xf32, #tpu.memory_space<vmem>>
      %dma_start3A_109 = tpu.memref_slice %arg5[%mul3A_103] : memref<8192xi32, #tpu.memory_space<vmem>> -> memref<128xi32, #tpu.memory_space<vmem>>
      %dma_start3A_110 = arith.constant 0 : i32
      %dma_start3A_111 = arith.constant 0 : i32
      %dma_start3A_112 = tpu.memref_slice %arg2[%dma_start3A_110, %dma_start3A_111] : memref<8192x16xf32, #tpu.memory_space<hbm>> -> memref<8192x16xf32, #tpu.memory_space<hbm>>
      tpu.enqueue_indirect_dma source(%dma_start3A_112 : memref<8192x16xf32, #tpu.memory_space<hbm>>) target(%dma_start3A_108 : memref<128x16xf32, #tpu.memory_space<vmem>>) offsets(%dma_start3A_109 : memref<128xi32, #tpu.memory_space<vmem>>) semaphore(%arg7 : memref<!tpu.dma_semaphore, #tpu.memory_space<semaphore_mem>>)
      %mul3A_113 = arith.constant 8 : i32
      %mul3A_114 = arith.muli %scan3A_8, %mul3A_113 : i32
      %add3A_115 = arith.constant 7 : i32
      %add3A_116 = arith.addi %mul3A_114, %add3A_115 : i32
      %mul3A_117 = arith.constant 128 : i32
      %mul3A_118 = arith.muli %add3A_116, %mul3A_117 : i32
      %dma_start3A_119 = arith.constant 7 : i32
      %dma_start3A_120 = arith.constant 0 : i32
      %dma_start3A_121 = arith.constant 0 : i32
      %dma_start3A_122 = tpu.memref_slice %arg6[%dma_start3A_119, %dma_start3A_120, %dma_start3A_121] : memref<8x128x16xf32, #tpu.memory_space<vmem>> -> memref<1x128x16xf32, #tpu.memory_space<vmem>>
      %dma_start3A_123 = tpu.memref_squeeze %dma_start3A_122 : memref<1x128x16xf32, #tpu.memory_space<vmem>> -> memref<128x16xf32, #tpu.memory_space<vmem>>
      %dma_start3A_124 = tpu.memref_slice %arg5[%mul3A_118] : memref<8192xi32, #tpu.memory_space<vmem>> -> memref<128xi32, #tpu.memory_space<vmem>>
      %dma_start3A_125 = arith.constant 0 : i32
      %dma_start3A_126 = arith.constant 0 : i32
      %dma_start3A_127 = tpu.memref_slice %arg2[%dma_start3A_125, %dma_start3A_126] : memref<8192x16xf32, #tpu.memory_space<hbm>> -> memref<8192x16xf32, #tpu.memory_space<hbm>>
      tpu.enqueue_indirect_dma source(%dma_start3A_127 : memref<8192x16xf32, #tpu.memory_space<hbm>>) target(%dma_start3A_123 : memref<128x16xf32, #tpu.memory_space<vmem>>) offsets(%dma_start3A_124 : memref<128xi32, #tpu.memory_space<vmem>>) semaphore(%arg7 : memref<!tpu.dma_semaphore, #tpu.memory_space<semaphore_mem>>)
      %dma_wait3A = arith.constant 0 : i32
      %dma_wait3A_128 = arith.constant 0 : i32
      %dma_wait3A_129 = arith.constant 0 : i32
      %dma_wait3A_130 = tpu.memref_slice %arg6[%dma_wait3A, %dma_wait3A_128, %dma_wait3A_129] : memref<8x128x16xf32, #tpu.memory_space<vmem>> -> memref<1x128x16xf32, #tpu.memory_space<vmem>>
      %dma_wait3A_131 = tpu.memref_squeeze %dma_wait3A_130 : memref<1x128x16xf32, #tpu.memory_space<vmem>> -> memref<128x16xf32, #tpu.memory_space<vmem>>
      %dma_wait3A_132 = tpu.memref_slice %arg5[%mul3A_14] : memref<8192xi32, #tpu.memory_space<vmem>> -> memref<128xi32, #tpu.memory_space<vmem>>
      %dma_wait3A_133 = arith.constant 0 : i32
      %dma_wait3A_134 = arith.constant 0 : i32
      %dma_wait3A_135 = tpu.memref_slice %arg2[%dma_wait3A_133, %dma_wait3A_134] : memref<8192x16xf32, #tpu.memory_space<hbm>> -> memref<8192x16xf32, #tpu.memory_space<hbm>>
      tpu.wait_indirect_dma semaphore(%arg7 : memref<!tpu.dma_semaphore, #tpu.memory_space<semaphore_mem>>) src(%dma_wait3A_135 : memref<8192x16xf32, #tpu.memory_space<hbm>>) dst(%dma_wait3A_131 : memref<128x16xf32, #tpu.memory_space<vmem>>)
      %dma_wait3A_136 = arith.constant 1 : i32
      %dma_wait3A_137 = arith.constant 0 : i32
      %dma_wait3A_138 = arith.constant 0 : i32
      %dma_wait3A_139 = tpu.memref_slice %arg6[%dma_wait3A_136, %dma_wait3A_137, %dma_wait3A_138] : memref<8x128x16xf32, #tpu.memory_space<vmem>> -> memref<1x128x16xf32, #tpu.memory_space<vmem>>
      %dma_wait3A_140 = tpu.memref_squeeze %dma_wait3A_139 : memref<1x128x16xf32, #tpu.memory_space<vmem>> -> memref<128x16xf32, #tpu.memory_space<vmem>>
      %dma_wait3A_141 = tpu.memref_slice %arg5[%mul3A_28] : memref<8192xi32, #tpu.memory_space<vmem>> -> memref<128xi32, #tpu.memory_space<vmem>>
      %dma_wait3A_142 = arith.constant 0 : i32
      %dma_wait3A_143 = arith.constant 0 : i32
      %dma_wait3A_144 = tpu.memref_slice %arg2[%dma_wait3A_142, %dma_wait3A_143] : memref<8192x16xf32, #tpu.memory_space<hbm>> -> memref<8192x16xf32, #tpu.memory_space<hbm>>
      tpu.wait_indirect_dma semaphore(%arg7 : memref<!tpu.dma_semaphore, #tpu.memory_space<semaphore_mem>>) src(%dma_wait3A_144 : memref<8192x16xf32, #tpu.memory_space<hbm>>) dst(%dma_wait3A_140 : memref<128x16xf32, #tpu.memory_space<vmem>>)
      %dma_wait3A_145 = arith.constant 2 : i32
      %dma_wait3A_146 = arith.constant 0 : i32
      %dma_wait3A_147 = arith.constant 0 : i32
      %dma_wait3A_148 = tpu.memref_slice %arg6[%dma_wait3A_145, %dma_wait3A_146, %dma_wait3A_147] : memref<8x128x16xf32, #tpu.memory_space<vmem>> -> memref<1x128x16xf32, #tpu.memory_space<vmem>>
      %dma_wait3A_149 = tpu.memref_squeeze %dma_wait3A_148 : memref<1x128x16xf32, #tpu.memory_space<vmem>> -> memref<128x16xf32, #tpu.memory_space<vmem>>
      %dma_wait3A_150 = tpu.memref_slice %arg5[%mul3A_43] : memref<8192xi32, #tpu.memory_space<vmem>> -> memref<128xi32, #tpu.memory_space<vmem>>
      %dma_wait3A_151 = arith.constant 0 : i32
      %dma_wait3A_152 = arith.constant 0 : i32
      %dma_wait3A_153 = tpu.memref_slice %arg2[%dma_wait3A_151, %dma_wait3A_152] : memref<8192x16xf32, #tpu.memory_space<hbm>> -> memref<8192x16xf32, #tpu.memory_space<hbm>>
      tpu.wait_indirect_dma semaphore(%arg7 : memref<!tpu.dma_semaphore, #tpu.memory_space<semaphore_mem>>) src(%dma_wait3A_153 : memref<8192x16xf32, #tpu.memory_space<hbm>>) dst(%dma_wait3A_149 : memref<128x16xf32, #tpu.memory_space<vmem>>)
      %dma_wait3A_154 = arith.constant 3 : i32
      %dma_wait3A_155 = arith.constant 0 : i32
      %dma_wait3A_156 = arith.constant 0 : i32
      %dma_wait3A_157 = tpu.memref_slice %arg6[%dma_wait3A_154, %dma_wait3A_155, %dma_wait3A_156] : memref<8x128x16xf32, #tpu.memory_space<vmem>> -> memref<1x128x16xf32, #tpu.memory_space<vmem>>
      %dma_wait3A_158 = tpu.memref_squeeze %dma_wait3A_157 : memref<1x128x16xf32, #tpu.memory_space<vmem>> -> memref<128x16xf32, #tpu.memory_space<vmem>>
      %dma_wait3A_159 = tpu.memref_slice %arg5[%mul3A_58] : memref<8192xi32, #tpu.memory_space<vmem>> -> memref<128xi32, #tpu.memory_space<vmem>>
      %dma_wait3A_160 = arith.constant 0 : i32
      %dma_wait3A_161 = arith.constant 0 : i32
      %dma_wait3A_162 = tpu.memref_slice %arg2[%dma_wait3A_160, %dma_wait3A_161] : memref<8192x16xf32, #tpu.memory_space<hbm>> -> memref<8192x16xf32, #tpu.memory_space<hbm>>
      tpu.wait_indirect_dma semaphore(%arg7 : memref<!tpu.dma_semaphore, #tpu.memory_space<semaphore_mem>>) src(%dma_wait3A_162 : memref<8192x16xf32, #tpu.memory_space<hbm>>) dst(%dma_wait3A_158 : memref<128x16xf32, #tpu.memory_space<vmem>>)
      %dma_wait3A_163 = arith.constant 4 : i32
      %dma_wait3A_164 = arith.constant 0 : i32
      %dma_wait3A_165 = arith.constant 0 : i32
      %dma_wait3A_166 = tpu.memref_slice %arg6[%dma_wait3A_163, %dma_wait3A_164, %dma_wait3A_165] : memref<8x128x16xf32, #tpu.memory_space<vmem>> -> memref<1x128x16xf32, #tpu.memory_space<vmem>>
      %dma_wait3A_167 = tpu.memref_squeeze %dma_wait3A_166 : memref<1x128x16xf32, #tpu.memory_space<vmem>> -> memref<128x16xf32, #tpu.memory_space<vmem>>
      %dma_wait3A_168 = tpu.memref_slice %arg5[%mul3A_73] : memref<8192xi32, #tpu.memory_space<vmem>> -> memref<128xi32, #tpu.memory_space<vmem>>
      %dma_wait3A_169 = arith.constant 0 : i32
      %dma_wait3A_170 = arith.constant 0 : i32
      %dma_wait3A_171 = tpu.memref_slice %arg2[%dma_wait3A_169, %dma_wait3A_170] : memref<8192x16xf32, #tpu.memory_space<hbm>> -> memref<8192x16xf32, #tpu.memory_space<hbm>>
      tpu.wait_indirect_dma semaphore(%arg7 : memref<!tpu.dma_semaphore, #tpu.memory_space<semaphore_mem>>) src(%dma_wait3A_171 : memref<8192x16xf32, #tpu.memory_space<hbm>>) dst(%dma_wait3A_167 : memref<128x16xf32, #tpu.memory_space<vmem>>)
      %dma_wait3A_172 = arith.constant 5 : i32
      %dma_wait3A_173 = arith.constant 0 : i32
      %dma_wait3A_174 = arith.constant 0 : i32
      %dma_wait3A_175 = tpu.memref_slice %arg6[%dma_wait3A_172, %dma_wait3A_173, %dma_wait3A_174] : memref<8x128x16xf32, #tpu.memory_space<vmem>> -> memref<1x128x16xf32, #tpu.memory_space<vmem>>
      %dma_wait3A_176 = tpu.memref_squeeze %dma_wait3A_175 : memref<1x128x16xf32, #tpu.memory_space<vmem>> -> memref<128x16xf32, #tpu.memory_space<vmem>>
      %dma_wait3A_177 = tpu.memref_slice %arg5[%mul3A_88] : memref<8192xi32, #tpu.memory_space<vmem>> -> memref<128xi32, #tpu.memory_space<vmem>>
      %dma_wait3A_178 = arith.constant 0 : i32
      %dma_wait3A_179 = arith.constant 0 : i32
      %dma_wait3A_180 = tpu.memref_slice %arg2[%dma_wait3A_178, %dma_wait3A_179] : memref<8192x16xf32, #tpu.memory_space<hbm>> -> memref<8192x16xf32, #tpu.memory_space<hbm>>
      tpu.wait_indirect_dma semaphore(%arg7 : memref<!tpu.dma_semaphore, #tpu.memory_space<semaphore_mem>>) src(%dma_wait3A_180 : memref<8192x16xf32, #tpu.memory_space<hbm>>) dst(%dma_wait3A_176 : memref<128x16xf32, #tpu.memory_space<vmem>>)
      %dma_wait3A_181 = arith.constant 6 : i32
      %dma_wait3A_182 = arith.constant 0 : i32
      %dma_wait3A_183 = arith.constant 0 : i32
      %dma_wait3A_184 = tpu.memref_slice %arg6[%dma_wait3A_181, %dma_wait3A_182, %dma_wait3A_183] : memref<8x128x16xf32, #tpu.memory_space<vmem>> -> memref<1x128x16xf32, #tpu.memory_space<vmem>>
      %dma_wait3A_185 = tpu.memref_squeeze %dma_wait3A_184 : memref<1x128x16xf32, #tpu.memory_space<vmem>> -> memref<128x16xf32, #tpu.memory_space<vmem>>
      %dma_wait3A_186 = tpu.memref_slice %arg5[%mul3A_103] : memref<8192xi32, #tpu.memory_space<vmem>> -> memref<128xi32, #tpu.memory_space<vmem>>
      %dma_wait3A_187 = arith.constant 0 : i32
      %dma_wait3A_188 = arith.constant 0 : i32
      %dma_wait3A_189 = tpu.memref_slice %arg2[%dma_wait3A_187, %dma_wait3A_188] : memref<8192x16xf32, #tpu.memory_space<hbm>> -> memref<8192x16xf32, #tpu.memory_space<hbm>>
      tpu.wait_indirect_dma semaphore(%arg7 : memref<!tpu.dma_semaphore, #tpu.memory_space<semaphore_mem>>) src(%dma_wait3A_189 : memref<8192x16xf32, #tpu.memory_space<hbm>>) dst(%dma_wait3A_185 : memref<128x16xf32, #tpu.memory_space<vmem>>)
      %dma_wait3A_190 = arith.constant 7 : i32
      %dma_wait3A_191 = arith.constant 0 : i32
      %dma_wait3A_192 = arith.constant 0 : i32
      %dma_wait3A_193 = tpu.memref_slice %arg6[%dma_wait3A_190, %dma_wait3A_191, %dma_wait3A_192] : memref<8x128x16xf32, #tpu.memory_space<vmem>> -> memref<1x128x16xf32, #tpu.memory_space<vmem>>
      %dma_wait3A_194 = tpu.memref_squeeze %dma_wait3A_193 : memref<1x128x16xf32, #tpu.memory_space<vmem>> -> memref<128x16xf32, #tpu.memory_space<vmem>>
      %dma_wait3A_195 = tpu.memref_slice %arg5[%mul3A_118] : memref<8192xi32, #tpu.memory_space<vmem>> -> memref<128xi32, #tpu.memory_space<vmem>>
      %dma_wait3A_196 = arith.constant 0 : i32
      %dma_wait3A_197 = arith.constant 0 : i32
      %dma_wait3A_198 = tpu.memref_slice %arg2[%dma_wait3A_196, %dma_wait3A_197] : memref<8192x16xf32, #tpu.memory_space<hbm>> -> memref<8192x16xf32, #tpu.memory_space<hbm>>
      tpu.wait_indirect_dma semaphore(%arg7 : memref<!tpu.dma_semaphore, #tpu.memory_space<semaphore_mem>>) src(%dma_wait3A_198 : memref<8192x16xf32, #tpu.memory_space<hbm>>) dst(%dma_wait3A_194 : memref<128x16xf32, #tpu.memory_space<vmem>>)
      %mul3A_199 = arith.constant 8 : i32
      %mul3A_200 = arith.muli %scan3A_8, %mul3A_199 : i32
      %add3A_201 = arith.constant 0 : i32
      %add3A_202 = arith.addi %mul3A_200, %add3A_201 : i32
      %mul3A_203 = arith.constant 128 : i32
      %mul3A_204 = arith.muli %add3A_202, %mul3A_203 : i32
      %add3A_205 = arith.addi %mul3A_2, %mul3A_204 : i32
      %run_scoped3A = arith.constant 0 : i32
      "tpu.region"() ({
        %run_scoped3A_262 = tpu.sem_alloc : memref<!tpu.dma_semaphore, #tpu.memory_space<semaphore_mem>>
        %dma_start3A_263 = arith.constant 0 : i32
        %dma_start3A_264 = arith.constant 0 : i32
        %dma_start3A_265 = tpu.memref_slice %arg6[%run_scoped3A, %dma_start3A_263, %dma_start3A_264] : memref<8x128x16xf32, #tpu.memory_space<vmem>> -> memref<1x128x16xf32, #tpu.memory_space<vmem>>
        %dma_start3A_266 = tpu.memref_squeeze %dma_start3A_265 : memref<1x128x16xf32, #tpu.memory_space<vmem>> -> memref<128x16xf32, #tpu.memory_space<vmem>>
        %dma_start3A_267 = arith.constant 0 : i32
        %dma_start3A_268 = tpu.memref_slice %arg4[%add3A_205, %dma_start3A_267] : memref<262144x16xf32, #tpu.memory_space<hbm>> -> memref<128x16xf32, #tpu.memory_space<hbm>>
        %dma_start3A_269 = arith.constant 0 : i32
        %dma_start3A_270 = tpu.memref_slice %arg4[%add3A_205, %dma_start3A_269] : memref<262144x16xf32, #tpu.memory_space<hbm>> -> memref<128x16xf32, #tpu.memory_space<hbm>>
        %dma_start3A_271 = arith.constant 0 : i32
        %dma_start3A_272 = arith.constant 0 : i32
        %dma_start3A_273 = tpu.memref_slice %arg6[%run_scoped3A, %dma_start3A_271, %dma_start3A_272] : memref<8x128x16xf32, #tpu.memory_space<vmem>> -> memref<1x128x16xf32, #tpu.memory_space<vmem>>
        %dma_start3A_274 = tpu.memref_squeeze %dma_start3A_273 : memref<1x128x16xf32, #tpu.memory_space<vmem>> -> memref<128x16xf32, #tpu.memory_space<vmem>>
        tpu.enqueue_dma source(%dma_start3A_274 : memref<128x16xf32, #tpu.memory_space<vmem>>) target(%dma_start3A_270 : memref<128x16xf32, #tpu.memory_space<hbm>>) target_semaphore(%run_scoped3A_262 : memref<!tpu.dma_semaphore, #tpu.memory_space<semaphore_mem>>)
        %dma_wait3A_275 = arith.constant 0 : i32
        %dma_wait3A_276 = arith.constant 0 : i32
        %dma_wait3A_277 = tpu.memref_slice %arg6[%run_scoped3A, %dma_wait3A_275, %dma_wait3A_276] : memref<8x128x16xf32, #tpu.memory_space<vmem>> -> memref<1x128x16xf32, #tpu.memory_space<vmem>>
        %dma_wait3A_278 = tpu.memref_squeeze %dma_wait3A_277 : memref<1x128x16xf32, #tpu.memory_space<vmem>> -> memref<128x16xf32, #tpu.memory_space<vmem>>
        %dma_wait3A_279 = arith.constant 0 : i32
        %dma_wait3A_280 = tpu.memref_slice %arg4[%add3A_205, %dma_wait3A_279] : memref<262144x16xf32, #tpu.memory_space<hbm>> -> memref<128x16xf32, #tpu.memory_space<hbm>>
        %dma_wait3A_281 = arith.constant 0 : i32
        %dma_wait3A_282 = tpu.memref_slice %arg4[%add3A_205, %dma_wait3A_281] : memref<262144x16xf32, #tpu.memory_space<hbm>> -> memref<128x16xf32, #tpu.memory_space<hbm>>
        %dma_wait3A_283 = arith.constant 0 : i32
        %dma_wait3A_284 = arith.constant 0 : i32
        %dma_wait3A_285 = tpu.memref_slice %arg6[%run_scoped3A, %dma_wait3A_283, %dma_wait3A_284] : memref<8x128x16xf32, #tpu.memory_space<vmem>> -> memref<1x128x16xf32, #tpu.memory_space<vmem>>
        %dma_wait3A_286 = tpu.memref_squeeze %dma_wait3A_285 : memref<1x128x16xf32, #tpu.memory_space<vmem>> -> memref<128x16xf32, #tpu.memory_space<vmem>>
        tpu.wait_dma2 semaphore(%run_scoped3A_262 : memref<!tpu.dma_semaphore, #tpu.memory_space<semaphore_mem>>) src(%dma_wait3A_286 : memref<128x16xf32, #tpu.memory_space<vmem>>) dst(%dma_wait3A_282 : memref<128x16xf32, #tpu.memory_space<hbm>>)
        tpu.yield
      }) : () -> ()
      %mul3A_206 = arith.constant 8 : i32
      %mul3A_207 = arith.muli %scan3A_8, %mul3A_206 : i32
      %add3A_208 = arith.constant 1 : i32
      %add3A_209 = arith.addi %mul3A_207, %add3A_208 : i32
      %mul3A_210 = arith.constant 128 : i32
      %mul3A_211 = arith.muli %add3A_209, %mul3A_210 : i32
      %add3A_212 = arith.addi %mul3A_2, %mul3A_211 : i32
      %run_scoped3A_213 = arith.constant 1 : i32
      "tpu.region"() ({
        %run_scoped3A_262 = tpu.sem_alloc : memref<!tpu.dma_semaphore, #tpu.memory_space<semaphore_mem>>
        %dma_start3A_263 = arith.constant 0 : i32
        %dma_start3A_264 = arith.constant 0 : i32
        %dma_start3A_265 = tpu.memref_slice %arg6[%run_scoped3A_213, %dma_start3A_263, %dma_start3A_264] : memref<8x128x16xf32, #tpu.memory_space<vmem>> -> memref<1x128x16xf32, #tpu.memory_space<vmem>>
        %dma_start3A_266 = tpu.memref_squeeze %dma_start3A_265 : memref<1x128x16xf32, #tpu.memory_space<vmem>> -> memref<128x16xf32, #tpu.memory_space<vmem>>
        %dma_start3A_267 = arith.constant 0 : i32
        %dma_start3A_268 = tpu.memref_slice %arg4[%add3A_212, %dma_start3A_267] : memref<262144x16xf32, #tpu.memory_space<hbm>> -> memref<128x16xf32, #tpu.memory_space<hbm>>
        %dma_start3A_269 = arith.constant 0 : i32
        %dma_start3A_270 = tpu.memref_slice %arg4[%add3A_212, %dma_start3A_269] : memref<262144x16xf32, #tpu.memory_space<hbm>> -> memref<128x16xf32, #tpu.memory_space<hbm>>
        %dma_start3A_271 = arith.constant 0 : i32
        %dma_start3A_272 = arith.constant 0 : i32
        %dma_start3A_273 = tpu.memref_slice %arg6[%run_scoped3A_213, %dma_start3A_271, %dma_start3A_272] : memref<8x128x16xf32, #tpu.memory_space<vmem>> -> memref<1x128x16xf32, #tpu.memory_space<vmem>>
        %dma_start3A_274 = tpu.memref_squeeze %dma_start3A_273 : memref<1x128x16xf32, #tpu.memory_space<vmem>> -> memref<128x16xf32, #tpu.memory_space<vmem>>
        tpu.enqueue_dma source(%dma_start3A_274 : memref<128x16xf32, #tpu.memory_space<vmem>>) target(%dma_start3A_270 : memref<128x16xf32, #tpu.memory_space<hbm>>) target_semaphore(%run_scoped3A_262 : memref<!tpu.dma_semaphore, #tpu.memory_space<semaphore_mem>>)
        %dma_wait3A_275 = arith.constant 0 : i32
        %dma_wait3A_276 = arith.constant 0 : i32
        %dma_wait3A_277 = tpu.memref_slice %arg6[%run_scoped3A_213, %dma_wait3A_275, %dma_wait3A_276] : memref<8x128x16xf32, #tpu.memory_space<vmem>> -> memref<1x128x16xf32, #tpu.memory_space<vmem>>
        %dma_wait3A_278 = tpu.memref_squeeze %dma_wait3A_277 : memref<1x128x16xf32, #tpu.memory_space<vmem>> -> memref<128x16xf32, #tpu.memory_space<vmem>>
        %dma_wait3A_279 = arith.constant 0 : i32
        %dma_wait3A_280 = tpu.memref_slice %arg4[%add3A_212, %dma_wait3A_279] : memref<262144x16xf32, #tpu.memory_space<hbm>> -> memref<128x16xf32, #tpu.memory_space<hbm>>
        %dma_wait3A_281 = arith.constant 0 : i32
        %dma_wait3A_282 = tpu.memref_slice %arg4[%add3A_212, %dma_wait3A_281] : memref<262144x16xf32, #tpu.memory_space<hbm>> -> memref<128x16xf32, #tpu.memory_space<hbm>>
        %dma_wait3A_283 = arith.constant 0 : i32
        %dma_wait3A_284 = arith.constant 0 : i32
        %dma_wait3A_285 = tpu.memref_slice %arg6[%run_scoped3A_213, %dma_wait3A_283, %dma_wait3A_284] : memref<8x128x16xf32, #tpu.memory_space<vmem>> -> memref<1x128x16xf32, #tpu.memory_space<vmem>>
        %dma_wait3A_286 = tpu.memref_squeeze %dma_wait3A_285 : memref<1x128x16xf32, #tpu.memory_space<vmem>> -> memref<128x16xf32, #tpu.memory_space<vmem>>
        tpu.wait_dma2 semaphore(%run_scoped3A_262 : memref<!tpu.dma_semaphore, #tpu.memory_space<semaphore_mem>>) src(%dma_wait3A_286 : memref<128x16xf32, #tpu.memory_space<vmem>>) dst(%dma_wait3A_282 : memref<128x16xf32, #tpu.memory_space<hbm>>)
        tpu.yield
      }) : () -> ()
      %mul3A_214 = arith.constant 8 : i32
      %mul3A_215 = arith.muli %scan3A_8, %mul3A_214 : i32
      %add3A_216 = arith.constant 2 : i32
      %add3A_217 = arith.addi %mul3A_215, %add3A_216 : i32
      %mul3A_218 = arith.constant 128 : i32
      %mul3A_219 = arith.muli %add3A_217, %mul3A_218 : i32
      %add3A_220 = arith.addi %mul3A_2, %mul3A_219 : i32
      %run_scoped3A_221 = arith.constant 2 : i32
      "tpu.region"() ({
        %run_scoped3A_262 = tpu.sem_alloc : memref<!tpu.dma_semaphore, #tpu.memory_space<semaphore_mem>>
        %dma_start3A_263 = arith.constant 0 : i32
        %dma_start3A_264 = arith.constant 0 : i32
        %dma_start3A_265 = tpu.memref_slice %arg6[%run_scoped3A_221, %dma_start3A_263, %dma_start3A_264] : memref<8x128x16xf32, #tpu.memory_space<vmem>> -> memref<1x128x16xf32, #tpu.memory_space<vmem>>
        %dma_start3A_266 = tpu.memref_squeeze %dma_start3A_265 : memref<1x128x16xf32, #tpu.memory_space<vmem>> -> memref<128x16xf32, #tpu.memory_space<vmem>>
        %dma_start3A_267 = arith.constant 0 : i32
        %dma_start3A_268 = tpu.memref_slice %arg4[%add3A_220, %dma_start3A_267] : memref<262144x16xf32, #tpu.memory_space<hbm>> -> memref<128x16xf32, #tpu.memory_space<hbm>>
        %dma_start3A_269 = arith.constant 0 : i32
        %dma_start3A_270 = tpu.memref_slice %arg4[%add3A_220, %dma_start3A_269] : memref<262144x16xf32, #tpu.memory_space<hbm>> -> memref<128x16xf32, #tpu.memory_space<hbm>>
        %dma_start3A_271 = arith.constant 0 : i32
        %dma_start3A_272 = arith.constant 0 : i32
        %dma_start3A_273 = tpu.memref_slice %arg6[%run_scoped3A_221, %dma_start3A_271, %dma_start3A_272] : memref<8x128x16xf32, #tpu.memory_space<vmem>> -> memref<1x128x16xf32, #tpu.memory_space<vmem>>
        %dma_start3A_274 = tpu.memref_squeeze %dma_start3A_273 : memref<1x128x16xf32, #tpu.memory_space<vmem>> -> memref<128x16xf32, #tpu.memory_space<vmem>>
        tpu.enqueue_dma source(%dma_start3A_274 : memref<128x16xf32, #tpu.memory_space<vmem>>) target(%dma_start3A_270 : memref<128x16xf32, #tpu.memory_space<hbm>>) target_semaphore(%run_scoped3A_262 : memref<!tpu.dma_semaphore, #tpu.memory_space<semaphore_mem>>)
        %dma_wait3A_275 = arith.constant 0 : i32
        %dma_wait3A_276 = arith.constant 0 : i32
        %dma_wait3A_277 = tpu.memref_slice %arg6[%run_scoped3A_221, %dma_wait3A_275, %dma_wait3A_276] : memref<8x128x16xf32, #tpu.memory_space<vmem>> -> memref<1x128x16xf32, #tpu.memory_space<vmem>>
        %dma_wait3A_278 = tpu.memref_squeeze %dma_wait3A_277 : memref<1x128x16xf32, #tpu.memory_space<vmem>> -> memref<128x16xf32, #tpu.memory_space<vmem>>
        %dma_wait3A_279 = arith.constant 0 : i32
        %dma_wait3A_280 = tpu.memref_slice %arg4[%add3A_220, %dma_wait3A_279] : memref<262144x16xf32, #tpu.memory_space<hbm>> -> memref<128x16xf32, #tpu.memory_space<hbm>>
        %dma_wait3A_281 = arith.constant 0 : i32
        %dma_wait3A_282 = tpu.memref_slice %arg4[%add3A_220, %dma_wait3A_281] : memref<262144x16xf32, #tpu.memory_space<hbm>> -> memref<128x16xf32, #tpu.memory_space<hbm>>
        %dma_wait3A_283 = arith.constant 0 : i32
        %dma_wait3A_284 = arith.constant 0 : i32
        %dma_wait3A_285 = tpu.memref_slice %arg6[%run_scoped3A_221, %dma_wait3A_283, %dma_wait3A_284] : memref<8x128x16xf32, #tpu.memory_space<vmem>> -> memref<1x128x16xf32, #tpu.memory_space<vmem>>
        %dma_wait3A_286 = tpu.memref_squeeze %dma_wait3A_285 : memref<1x128x16xf32, #tpu.memory_space<vmem>> -> memref<128x16xf32, #tpu.memory_space<vmem>>
        tpu.wait_dma2 semaphore(%run_scoped3A_262 : memref<!tpu.dma_semaphore, #tpu.memory_space<semaphore_mem>>) src(%dma_wait3A_286 : memref<128x16xf32, #tpu.memory_space<vmem>>) dst(%dma_wait3A_282 : memref<128x16xf32, #tpu.memory_space<hbm>>)
        tpu.yield
      }) : () -> ()
      %mul3A_222 = arith.constant 8 : i32
      %mul3A_223 = arith.muli %scan3A_8, %mul3A_222 : i32
      %add3A_224 = arith.constant 3 : i32
      %add3A_225 = arith.addi %mul3A_223, %add3A_224 : i32
      %mul3A_226 = arith.constant 128 : i32
      %mul3A_227 = arith.muli %add3A_225, %mul3A_226 : i32
      %add3A_228 = arith.addi %mul3A_2, %mul3A_227 : i32
      %run_scoped3A_229 = arith.constant 3 : i32
      "tpu.region"() ({
        %run_scoped3A_262 = tpu.sem_alloc : memref<!tpu.dma_semaphore, #tpu.memory_space<semaphore_mem>>
        %dma_start3A_263 = arith.constant 0 : i32
        %dma_start3A_264 = arith.constant 0 : i32
        %dma_start3A_265 = tpu.memref_slice %arg6[%run_scoped3A_229, %dma_start3A_263, %dma_start3A_264] : memref<8x128x16xf32, #tpu.memory_space<vmem>> -> memref<1x128x16xf32, #tpu.memory_space<vmem>>
        %dma_start3A_266 = tpu.memref_squeeze %dma_start3A_265 : memref<1x128x16xf32, #tpu.memory_space<vmem>> -> memref<128x16xf32, #tpu.memory_space<vmem>>
        %dma_start3A_267 = arith.constant 0 : i32
        %dma_start3A_268 = tpu.memref_slice %arg4[%add3A_228, %dma_start3A_267] : memref<262144x16xf32, #tpu.memory_space<hbm>> -> memref<128x16xf32, #tpu.memory_space<hbm>>
        %dma_start3A_269 = arith.constant 0 : i32
        %dma_start3A_270 = tpu.memref_slice %arg4[%add3A_228, %dma_start3A_269] : memref<262144x16xf32, #tpu.memory_space<hbm>> -> memref<128x16xf32, #tpu.memory_space<hbm>>
        %dma_start3A_271 = arith.constant 0 : i32
        %dma_start3A_272 = arith.constant 0 : i32
        %dma_start3A_273 = tpu.memref_slice %arg6[%run_scoped3A_229, %dma_start3A_271, %dma_start3A_272] : memref<8x128x16xf32, #tpu.memory_space<vmem>> -> memref<1x128x16xf32, #tpu.memory_space<vmem>>
        %dma_start3A_274 = tpu.memref_squeeze %dma_start3A_273 : memref<1x128x16xf32, #tpu.memory_space<vmem>> -> memref<128x16xf32, #tpu.memory_space<vmem>>
        tpu.enqueue_dma source(%dma_start3A_274 : memref<128x16xf32, #tpu.memory_space<vmem>>) target(%dma_start3A_270 : memref<128x16xf32, #tpu.memory_space<hbm>>) target_semaphore(%run_scoped3A_262 : memref<!tpu.dma_semaphore, #tpu.memory_space<semaphore_mem>>)
        %dma_wait3A_275 = arith.constant 0 : i32
        %dma_wait3A_276 = arith.constant 0 : i32
        %dma_wait3A_277 = tpu.memref_slice %arg6[%run_scoped3A_229, %dma_wait3A_275, %dma_wait3A_276] : memref<8x128x16xf32, #tpu.memory_space<vmem>> -> memref<1x128x16xf32, #tpu.memory_space<vmem>>
        %dma_wait3A_278 = tpu.memref_squeeze %dma_wait3A_277 : memref<1x128x16xf32, #tpu.memory_space<vmem>> -> memref<128x16xf32, #tpu.memory_space<vmem>>
        %dma_wait3A_279 = arith.constant 0 : i32
        %dma_wait3A_280 = tpu.memref_slice %arg4[%add3A_228, %dma_wait3A_279] : memref<262144x16xf32, #tpu.memory_space<hbm>> -> memref<128x16xf32, #tpu.memory_space<hbm>>
        %dma_wait3A_281 = arith.constant 0 : i32
        %dma_wait3A_282 = tpu.memref_slice %arg4[%add3A_228, %dma_wait3A_281] : memref<262144x16xf32, #tpu.memory_space<hbm>> -> memref<128x16xf32, #tpu.memory_space<hbm>>
        %dma_wait3A_283 = arith.constant 0 : i32
        %dma_wait3A_284 = arith.constant 0 : i32
        %dma_wait3A_285 = tpu.memref_slice %arg6[%run_scoped3A_229, %dma_wait3A_283, %dma_wait3A_284] : memref<8x128x16xf32, #tpu.memory_space<vmem>> -> memref<1x128x16xf32, #tpu.memory_space<vmem>>
        %dma_wait3A_286 = tpu.memref_squeeze %dma_wait3A_285 : memref<1x128x16xf32, #tpu.memory_space<vmem>> -> memref<128x16xf32, #tpu.memory_space<vmem>>
        tpu.wait_dma2 semaphore(%run_scoped3A_262 : memref<!tpu.dma_semaphore, #tpu.memory_space<semaphore_mem>>) src(%dma_wait3A_286 : memref<128x16xf32, #tpu.memory_space<vmem>>) dst(%dma_wait3A_282 : memref<128x16xf32, #tpu.memory_space<hbm>>)
        tpu.yield
      }) : () -> ()
      %mul3A_230 = arith.constant 8 : i32
      %mul3A_231 = arith.muli %scan3A_8, %mul3A_230 : i32
      %add3A_232 = arith.constant 4 : i32
      %add3A_233 = arith.addi %mul3A_231, %add3A_232 : i32
      %mul3A_234 = arith.constant 128 : i32
      %mul3A_235 = arith.muli %add3A_233, %mul3A_234 : i32
      %add3A_236 = arith.addi %mul3A_2, %mul3A_235 : i32
      %run_scoped3A_237 = arith.constant 4 : i32
      "tpu.region"() ({
        %run_scoped3A_262 = tpu.sem_alloc : memref<!tpu.dma_semaphore, #tpu.memory_space<semaphore_mem>>
        %dma_start3A_263 = arith.constant 0 : i32
        %dma_start3A_264 = arith.constant 0 : i32
        %dma_start3A_265 = tpu.memref_slice %arg6[%run_scoped3A_237, %dma_start3A_263, %dma_start3A_264] : memref<8x128x16xf32, #tpu.memory_space<vmem>> -> memref<1x128x16xf32, #tpu.memory_space<vmem>>
        %dma_start3A_266 = tpu.memref_squeeze %dma_start3A_265 : memref<1x128x16xf32, #tpu.memory_space<vmem>> -> memref<128x16xf32, #tpu.memory_space<vmem>>
        %dma_start3A_267 = arith.constant 0 : i32
        %dma_start3A_268 = tpu.memref_slice %arg4[%add3A_236, %dma_start3A_267] : memref<262144x16xf32, #tpu.memory_space<hbm>> -> memref<128x16xf32, #tpu.memory_space<hbm>>
        %dma_start3A_269 = arith.constant 0 : i32
        %dma_start3A_270 = tpu.memref_slice %arg4[%add3A_236, %dma_start3A_269] : memref<262144x16xf32, #tpu.memory_space<hbm>> -> memref<128x16xf32, #tpu.memory_space<hbm>>
        %dma_start3A_271 = arith.constant 0 : i32
        %dma_start3A_272 = arith.constant 0 : i32
        %dma_start3A_273 = tpu.memref_slice %arg6[%run_scoped3A_237, %dma_start3A_271, %dma_start3A_272] : memref<8x128x16xf32, #tpu.memory_space<vmem>> -> memref<1x128x16xf32, #tpu.memory_space<vmem>>
        %dma_start3A_274 = tpu.memref_squeeze %dma_start3A_273 : memref<1x128x16xf32, #tpu.memory_space<vmem>> -> memref<128x16xf32, #tpu.memory_space<vmem>>
        tpu.enqueue_dma source(%dma_start3A_274 : memref<128x16xf32, #tpu.memory_space<vmem>>) target(%dma_start3A_270 : memref<128x16xf32, #tpu.memory_space<hbm>>) target_semaphore(%run_scoped3A_262 : memref<!tpu.dma_semaphore, #tpu.memory_space<semaphore_mem>>)
        %dma_wait3A_275 = arith.constant 0 : i32
        %dma_wait3A_276 = arith.constant 0 : i32
        %dma_wait3A_277 = tpu.memref_slice %arg6[%run_scoped3A_237, %dma_wait3A_275, %dma_wait3A_276] : memref<8x128x16xf32, #tpu.memory_space<vmem>> -> memref<1x128x16xf32, #tpu.memory_space<vmem>>
        %dma_wait3A_278 = tpu.memref_squeeze %dma_wait3A_277 : memref<1x128x16xf32, #tpu.memory_space<vmem>> -> memref<128x16xf32, #tpu.memory_space<vmem>>
        %dma_wait3A_279 = arith.constant 0 : i32
        %dma_wait3A_280 = tpu.memref_slice %arg4[%add3A_236, %dma_wait3A_279] : memref<262144x16xf32, #tpu.memory_space<hbm>> -> memref<128x16xf32, #tpu.memory_space<hbm>>
        %dma_wait3A_281 = arith.constant 0 : i32
        %dma_wait3A_282 = tpu.memref_slice %arg4[%add3A_236, %dma_wait3A_281] : memref<262144x16xf32, #tpu.memory_space<hbm>> -> memref<128x16xf32, #tpu.memory_space<hbm>>
        %dma_wait3A_283 = arith.constant 0 : i32
        %dma_wait3A_284 = arith.constant 0 : i32
        %dma_wait3A_285 = tpu.memref_slice %arg6[%run_scoped3A_237, %dma_wait3A_283, %dma_wait3A_284] : memref<8x128x16xf32, #tpu.memory_space<vmem>> -> memref<1x128x16xf32, #tpu.memory_space<vmem>>
        %dma_wait3A_286 = tpu.memref_squeeze %dma_wait3A_285 : memref<1x128x16xf32, #tpu.memory_space<vmem>> -> memref<128x16xf32, #tpu.memory_space<vmem>>
        tpu.wait_dma2 semaphore(%run_scoped3A_262 : memref<!tpu.dma_semaphore, #tpu.memory_space<semaphore_mem>>) src(%dma_wait3A_286 : memref<128x16xf32, #tpu.memory_space<vmem>>) dst(%dma_wait3A_282 : memref<128x16xf32, #tpu.memory_space<hbm>>)
        tpu.yield
      }) : () -> ()
      %mul3A_238 = arith.constant 8 : i32
      %mul3A_239 = arith.muli %scan3A_8, %mul3A_238 : i32
      %add3A_240 = arith.constant 5 : i32
      %add3A_241 = arith.addi %mul3A_239, %add3A_240 : i32
      %mul3A_242 = arith.constant 128 : i32
      %mul3A_243 = arith.muli %add3A_241, %mul3A_242 : i32
      %add3A_244 = arith.addi %mul3A_2, %mul3A_243 : i32
      %run_scoped3A_245 = arith.constant 5 : i32
      "tpu.region"() ({
        %run_scoped3A_262 = tpu.sem_alloc : memref<!tpu.dma_semaphore, #tpu.memory_space<semaphore_mem>>
        %dma_start3A_263 = arith.constant 0 : i32
        %dma_start3A_264 = arith.constant 0 : i32
        %dma_start3A_265 = tpu.memref_slice %arg6[%run_scoped3A_245, %dma_start3A_263, %dma_start3A_264] : memref<8x128x16xf32, #tpu.memory_space<vmem>> -> memref<1x128x16xf32, #tpu.memory_space<vmem>>
        %dma_start3A_266 = tpu.memref_squeeze %dma_start3A_265 : memref<1x128x16xf32, #tpu.memory_space<vmem>> -> memref<128x16xf32, #tpu.memory_space<vmem>>
        %dma_start3A_267 = arith.constant 0 : i32
        %dma_start3A_268 = tpu.memref_slice %arg4[%add3A_244, %dma_start3A_267] : memref<262144x16xf32, #tpu.memory_space<hbm>> -> memref<128x16xf32, #tpu.memory_space<hbm>>
        %dma_start3A_269 = arith.constant 0 : i32
        %dma_start3A_270 = tpu.memref_slice %arg4[%add3A_244, %dma_start3A_269] : memref<262144x16xf32, #tpu.memory_space<hbm>> -> memref<128x16xf32, #tpu.memory_space<hbm>>
        %dma_start3A_271 = arith.constant 0 : i32
        %dma_start3A_272 = arith.constant 0 : i32
        %dma_start3A_273 = tpu.memref_slice %arg6[%run_scoped3A_245, %dma_start3A_271, %dma_start3A_272] : memref<8x128x16xf32, #tpu.memory_space<vmem>> -> memref<1x128x16xf32, #tpu.memory_space<vmem>>
        %dma_start3A_274 = tpu.memref_squeeze %dma_start3A_273 : memref<1x128x16xf32, #tpu.memory_space<vmem>> -> memref<128x16xf32, #tpu.memory_space<vmem>>
        tpu.enqueue_dma source(%dma_start3A_274 : memref<128x16xf32, #tpu.memory_space<vmem>>) target(%dma_start3A_270 : memref<128x16xf32, #tpu.memory_space<hbm>>) target_semaphore(%run_scoped3A_262 : memref<!tpu.dma_semaphore, #tpu.memory_space<semaphore_mem>>)
        %dma_wait3A_275 = arith.constant 0 : i32
        %dma_wait3A_276 = arith.constant 0 : i32
        %dma_wait3A_277 = tpu.memref_slice %arg6[%run_scoped3A_245, %dma_wait3A_275, %dma_wait3A_276] : memref<8x128x16xf32, #tpu.memory_space<vmem>> -> memref<1x128x16xf32, #tpu.memory_space<vmem>>
        %dma_wait3A_278 = tpu.memref_squeeze %dma_wait3A_277 : memref<1x128x16xf32, #tpu.memory_space<vmem>> -> memref<128x16xf32, #tpu.memory_space<vmem>>
        %dma_wait3A_279 = arith.constant 0 : i32
        %dma_wait3A_280 = tpu.memref_slice %arg4[%add3A_244, %dma_wait3A_279] : memref<262144x16xf32, #tpu.memory_space<hbm>> -> memref<128x16xf32, #tpu.memory_space<hbm>>
        %dma_wait3A_281 = arith.constant 0 : i32
        %dma_wait3A_282 = tpu.memref_slice %arg4[%add3A_244, %dma_wait3A_281] : memref<262144x16xf32, #tpu.memory_space<hbm>> -> memref<128x16xf32, #tpu.memory_space<hbm>>
        %dma_wait3A_283 = arith.constant 0 : i32
        %dma_wait3A_284 = arith.constant 0 : i32
        %dma_wait3A_285 = tpu.memref_slice %arg6[%run_scoped3A_245, %dma_wait3A_283, %dma_wait3A_284] : memref<8x128x16xf32, #tpu.memory_space<vmem>> -> memref<1x128x16xf32, #tpu.memory_space<vmem>>
        %dma_wait3A_286 = tpu.memref_squeeze %dma_wait3A_285 : memref<1x128x16xf32, #tpu.memory_space<vmem>> -> memref<128x16xf32, #tpu.memory_space<vmem>>
        tpu.wait_dma2 semaphore(%run_scoped3A_262 : memref<!tpu.dma_semaphore, #tpu.memory_space<semaphore_mem>>) src(%dma_wait3A_286 : memref<128x16xf32, #tpu.memory_space<vmem>>) dst(%dma_wait3A_282 : memref<128x16xf32, #tpu.memory_space<hbm>>)
        tpu.yield
      }) : () -> ()
      %mul3A_246 = arith.constant 8 : i32
      %mul3A_247 = arith.muli %scan3A_8, %mul3A_246 : i32
      %add3A_248 = arith.constant 6 : i32
      %add3A_249 = arith.addi %mul3A_247, %add3A_248 : i32
      %mul3A_250 = arith.constant 128 : i32
      %mul3A_251 = arith.muli %add3A_249, %mul3A_250 : i32
      %add3A_252 = arith.addi %mul3A_2, %mul3A_251 : i32
      %run_scoped3A_253 = arith.constant 6 : i32
      "tpu.region"() ({
        %run_scoped3A_262 = tpu.sem_alloc : memref<!tpu.dma_semaphore, #tpu.memory_space<semaphore_mem>>
        %dma_start3A_263 = arith.constant 0 : i32
        %dma_start3A_264 = arith.constant 0 : i32
        %dma_start3A_265 = tpu.memref_slice %arg6[%run_scoped3A_253, %dma_start3A_263, %dma_start3A_264] : memref<8x128x16xf32, #tpu.memory_space<vmem>> -> memref<1x128x16xf32, #tpu.memory_space<vmem>>
        %dma_start3A_266 = tpu.memref_squeeze %dma_start3A_265 : memref<1x128x16xf32, #tpu.memory_space<vmem>> -> memref<128x16xf32, #tpu.memory_space<vmem>>
        %dma_start3A_267 = arith.constant 0 : i32
        %dma_start3A_268 = tpu.memref_slice %arg4[%add3A_252, %dma_start3A_267] : memref<262144x16xf32, #tpu.memory_space<hbm>> -> memref<128x16xf32, #tpu.memory_space<hbm>>
        %dma_start3A_269 = arith.constant 0 : i32
        %dma_start3A_270 = tpu.memref_slice %arg4[%add3A_252, %dma_start3A_269] : memref<262144x16xf32, #tpu.memory_space<hbm>> -> memref<128x16xf32, #tpu.memory_space<hbm>>
        %dma_start3A_271 = arith.constant 0 : i32
        %dma_start3A_272 = arith.constant 0 : i32
        %dma_start3A_273 = tpu.memref_slice %arg6[%run_scoped3A_253, %dma_start3A_271, %dma_start3A_272] : memref<8x128x16xf32, #tpu.memory_space<vmem>> -> memref<1x128x16xf32, #tpu.memory_space<vmem>>
        %dma_start3A_274 = tpu.memref_squeeze %dma_start3A_273 : memref<1x128x16xf32, #tpu.memory_space<vmem>> -> memref<128x16xf32, #tpu.memory_space<vmem>>
        tpu.enqueue_dma source(%dma_start3A_274 : memref<128x16xf32, #tpu.memory_space<vmem>>) target(%dma_start3A_270 : memref<128x16xf32, #tpu.memory_space<hbm>>) target_semaphore(%run_scoped3A_262 : memref<!tpu.dma_semaphore, #tpu.memory_space<semaphore_mem>>)
        %dma_wait3A_275 = arith.constant 0 : i32
        %dma_wait3A_276 = arith.constant 0 : i32
        %dma_wait3A_277 = tpu.memref_slice %arg6[%run_scoped3A_253, %dma_wait3A_275, %dma_wait3A_276] : memref<8x128x16xf32, #tpu.memory_space<vmem>> -> memref<1x128x16xf32, #tpu.memory_space<vmem>>
        %dma_wait3A_278 = tpu.memref_squeeze %dma_wait3A_277 : memref<1x128x16xf32, #tpu.memory_space<vmem>> -> memref<128x16xf32, #tpu.memory_space<vmem>>
        %dma_wait3A_279 = arith.constant 0 : i32
        %dma_wait3A_280 = tpu.memref_slice %arg4[%add3A_252, %dma_wait3A_279] : memref<262144x16xf32, #tpu.memory_space<hbm>> -> memref<128x16xf32, #tpu.memory_space<hbm>>
        %dma_wait3A_281 = arith.constant 0 : i32
        %dma_wait3A_282 = tpu.memref_slice %arg4[%add3A_252, %dma_wait3A_281] : memref<262144x16xf32, #tpu.memory_space<hbm>> -> memref<128x16xf32, #tpu.memory_space<hbm>>
        %dma_wait3A_283 = arith.constant 0 : i32
        %dma_wait3A_284 = arith.constant 0 : i32
        %dma_wait3A_285 = tpu.memref_slice %arg6[%run_scoped3A_253, %dma_wait3A_283, %dma_wait3A_284] : memref<8x128x16xf32, #tpu.memory_space<vmem>> -> memref<1x128x16xf32, #tpu.memory_space<vmem>>
        %dma_wait3A_286 = tpu.memref_squeeze %dma_wait3A_285 : memref<1x128x16xf32, #tpu.memory_space<vmem>> -> memref<128x16xf32, #tpu.memory_space<vmem>>
        tpu.wait_dma2 semaphore(%run_scoped3A_262 : memref<!tpu.dma_semaphore, #tpu.memory_space<semaphore_mem>>) src(%dma_wait3A_286 : memref<128x16xf32, #tpu.memory_space<vmem>>) dst(%dma_wait3A_282 : memref<128x16xf32, #tpu.memory_space<hbm>>)
        tpu.yield
      }) : () -> ()
      %mul3A_254 = arith.constant 8 : i32
      %mul3A_255 = arith.muli %scan3A_8, %mul3A_254 : i32
      %add3A_256 = arith.constant 7 : i32
      %add3A_257 = arith.addi %mul3A_255, %add3A_256 : i32
      %mul3A_258 = arith.constant 128 : i32
      %mul3A_259 = arith.muli %add3A_257, %mul3A_258 : i32
      %add3A_260 = arith.addi %mul3A_2, %mul3A_259 : i32
      %run_scoped3A_261 = arith.constant 7 : i32
      "tpu.region"() ({
        %run_scoped3A_262 = tpu.sem_alloc : memref<!tpu.dma_semaphore, #tpu.memory_space<semaphore_mem>>
        %dma_start3A_263 = arith.constant 0 : i32
        %dma_start3A_264 = arith.constant 0 : i32
        %dma_start3A_265 = tpu.memref_slice %arg6[%run_scoped3A_261, %dma_start3A_263, %dma_start3A_264] : memref<8x128x16xf32, #tpu.memory_space<vmem>> -> memref<1x128x16xf32, #tpu.memory_space<vmem>>
        %dma_start3A_266 = tpu.memref_squeeze %dma_start3A_265 : memref<1x128x16xf32, #tpu.memory_space<vmem>> -> memref<128x16xf32, #tpu.memory_space<vmem>>
        %dma_start3A_267 = arith.constant 0 : i32
        %dma_start3A_268 = tpu.memref_slice %arg4[%add3A_260, %dma_start3A_267] : memref<262144x16xf32, #tpu.memory_space<hbm>> -> memref<128x16xf32, #tpu.memory_space<hbm>>
        %dma_start3A_269 = arith.constant 0 : i32
        %dma_start3A_270 = tpu.memref_slice %arg4[%add3A_260, %dma_start3A_269] : memref<262144x16xf32, #tpu.memory_space<hbm>> -> memref<128x16xf32, #tpu.memory_space<hbm>>
        %dma_start3A_271 = arith.constant 0 : i32
        %dma_start3A_272 = arith.constant 0 : i32
        %dma_start3A_273 = tpu.memref_slice %arg6[%run_scoped3A_261, %dma_start3A_271, %dma_start3A_272] : memref<8x128x16xf32, #tpu.memory_space<vmem>> -> memref<1x128x16xf32, #tpu.memory_space<vmem>>
        %dma_start3A_274 = tpu.memref_squeeze %dma_start3A_273 : memref<1x128x16xf32, #tpu.memory_space<vmem>> -> memref<128x16xf32, #tpu.memory_space<vmem>>
        tpu.enqueue_dma source(%dma_start3A_274 : memref<128x16xf32, #tpu.memory_space<vmem>>) target(%dma_start3A_270 : memref<128x16xf32, #tpu.memory_space<hbm>>) target_semaphore(%run_scoped3A_262 : memref<!tpu.dma_semaphore, #tpu.memory_space<semaphore_mem>>)
        %dma_wait3A_275 = arith.constant 0 : i32
        %dma_wait3A_276 = arith.constant 0 : i32
        %dma_wait3A_277 = tpu.memref_slice %arg6[%run_scoped3A_261, %dma_wait3A_275, %dma_wait3A_276] : memref<8x128x16xf32, #tpu.memory_space<vmem>> -> memref<1x128x16xf32, #tpu.memory_space<vmem>>
        %dma_wait3A_278 = tpu.memref_squeeze %dma_wait3A_277 : memref<1x128x16xf32, #tpu.memory_space<vmem>> -> memref<128x16xf32, #tpu.memory_space<vmem>>
        %dma_wait3A_279 = arith.constant 0 : i32
        %dma_wait3A_280 = tpu.memref_slice %arg4[%add3A_260, %dma_wait3A_279] : memref<262144x16xf32, #tpu.memory_space<hbm>> -> memref<128x16xf32, #tpu.memory_space<hbm>>
        %dma_wait3A_281 = arith.constant 0 : i32
        %dma_wait3A_282 = tpu.memref_slice %arg4[%add3A_260, %dma_wait3A_281] : memref<262144x16xf32, #tpu.memory_space<hbm>> -> memref<128x16xf32, #tpu.memory_space<hbm>>
        %dma_wait3A_283 = arith.constant 0 : i32
        %dma_wait3A_284 = arith.constant 0 : i32
        %dma_wait3A_285 = tpu.memref_slice %arg6[%run_scoped3A_261, %dma_wait3A_283, %dma_wait3A_284] : memref<8x128x16xf32, #tpu.memory_space<vmem>> -> memref<1x128x16xf32, #tpu.memory_space<vmem>>
        %dma_wait3A_286 = tpu.memref_squeeze %dma_wait3A_285 : memref<1x128x16xf32, #tpu.memory_space<vmem>> -> memref<128x16xf32, #tpu.memory_space<vmem>>
        tpu.wait_dma2 semaphore(%run_scoped3A_262 : memref<!tpu.dma_semaphore, #tpu.memory_space<semaphore_mem>>) src(%dma_wait3A_286 : memref<128x16xf32, #tpu.memory_space<vmem>>) dst(%dma_wait3A_282 : memref<128x16xf32, #tpu.memory_space<hbm>>)
        tpu.yield
      }) : () -> ()
    }
    %scan3A_7 = arith.constant 8 : i32
    return
  }
}

module attributes {stable_mosaic.version = 14 : i64} {
  func.func @_fps_body(%arg0: memref<8x3x1024xf32, #tpu.memory_space<vmem>>, %arg1: memref<512x8x3xf32, #tpu.memory_space<vmem>>) attributes {dimension_semantics = [], scalar_prefetch = 0 : i64, scratch_operands = 0 : i64, tpu.core_type = #tpu.core_type<tc>} {
    %get3A = arith.constant 0 : index
    %get3A_0 = arith.constant 0 : index
    %get3A_1 = arith.constant 0 : index
    %get3A_2 = vector.load %arg0[%get3A, %get3A_0, %get3A_1] : memref<8x3x1024xf32, #tpu.memory_space<vmem>>, vector<8x1x1024xf32>
    %get3A_3 = vector.shape_cast %get3A_2 : vector<8x1x1024xf32> to vector<8x1024xf32>
    %get3A_4 = arith.constant 0 : index
    %get3A_5 = arith.constant 1 : index
    %get3A_6 = arith.constant 0 : index
    %get3A_7 = vector.load %arg0[%get3A_4, %get3A_5, %get3A_6] : memref<8x3x1024xf32, #tpu.memory_space<vmem>>, vector<8x1x1024xf32>
    %get3A_8 = vector.shape_cast %get3A_7 : vector<8x1x1024xf32> to vector<8x1024xf32>
    %get3A_9 = arith.constant 0 : index
    %get3A_10 = arith.constant 2 : index
    %get3A_11 = arith.constant 0 : index
    %get3A_12 = vector.load %arg0[%get3A_9, %get3A_10, %get3A_11] : memref<8x3x1024xf32, #tpu.memory_space<vmem>>, vector<8x1x1024xf32>
    %get3A_13 = vector.shape_cast %get3A_12 : vector<8x1x1024xf32> to vector<8x1024xf32>
    %iota3A = tpu.iota {dimensions = array<i32: 1>} : vector<8x1024xi32>
    %slice3A = vector.extract_strided_slice %get3A_3 {offsets = [0, 0], sizes = [8, 1], strides = [1, 1]} : vector<8x1024xf32> to vector<8x1xf32>
    %slice3A_14 = vector.extract_strided_slice %get3A_8 {offsets = [0, 0], sizes = [8, 1], strides = [1, 1]} : vector<8x1024xf32> to vector<8x1xf32>
    %slice3A_15 = vector.extract_strided_slice %get3A_13 {offsets = [0, 0], sizes = [8, 1], strides = [1, 1]} : vector<8x1024xf32> to vector<8x1xf32>
    %concatenate3A = tpu.concatenate %slice3A, %slice3A_14, %slice3A_15 in 1 : vector<8x1xf32>, vector<8x1xf32>, vector<8x1xf32> -> vector<8x3xf32>
    %broadcast_in_dim3A = vector.shape_cast %concatenate3A : vector<8x3xf32> to vector<1x8x3xf32>
    %swap3A = arith.constant 0 : index
    %swap3A_16 = arith.constant 0 : index
    %swap3A_17 = arith.constant 0 : index
    %swap3A_18 = vector.load %arg1[%swap3A, %swap3A_16, %swap3A_17] : memref<512x8x3xf32, #tpu.memory_space<vmem>>, vector<1x8x3xf32>
    tpu.vector_store %arg1[%swap3A, %swap3A_16, %swap3A_17], %broadcast_in_dim3A {strides = array<i32>} : memref<512x8x3xf32, #tpu.memory_space<vmem>>, vector<1x8x3xf32>,
    %slice3A_19 = vector.extract_strided_slice %get3A_3 {offsets = [0, 0], sizes = [8, 1], strides = [1, 1]} : vector<8x1024xf32> to vector<8x1xf32>
    %sub3A = vector.broadcast %slice3A_19 : vector<8x1xf32> to vector<8x1024xf32>
    %sub3A_20 = arith.subf %get3A_3, %sub3A : vector<8x1024xf32>
    %slice3A_21 = vector.extract_strided_slice %get3A_8 {offsets = [0, 0], sizes = [8, 1], strides = [1, 1]} : vector<8x1024xf32> to vector<8x1xf32>
    %sub3A_22 = vector.broadcast %slice3A_21 : vector<8x1xf32> to vector<8x1024xf32>
    %sub3A_23 = arith.subf %get3A_8, %sub3A_22 : vector<8x1024xf32>
    %slice3A_24 = vector.extract_strided_slice %get3A_13 {offsets = [0, 0], sizes = [8, 1], strides = [1, 1]} : vector<8x1024xf32> to vector<8x1xf32>
    %sub3A_25 = vector.broadcast %slice3A_24 : vector<8x1xf32> to vector<8x1024xf32>
    %sub3A_26 = arith.subf %get3A_13, %sub3A_25 : vector<8x1024xf32>
    %mul3A = arith.mulf %sub3A_20, %sub3A_20 : vector<8x1024xf32>
    %mul3A_27 = arith.mulf %sub3A_23, %sub3A_23 : vector<8x1024xf32>
    %add3A = arith.addf %mul3A, %mul3A_27 : vector<8x1024xf32>
    %mul3A_28 = arith.mulf %sub3A_26, %sub3A_26 : vector<8x1024xf32>
    %add3A_29 = arith.addf %add3A, %mul3A_28 : vector<8x1024xf32>
    %scan3A = arith.constant 1 : i32
    %scan3A_30 = arith.constant 511 : i32
    %scan3A_31 = arith.addi %scan3A, %scan3A_30 : i32
    %scan3A_32 = arith.constant 1 : i32
    %scan3A_33 = scf.for %scan3A_35 = %scan3A to %scan3A_31 step %scan3A_32 iter_args(%scan3A_36 = %add3A_29) -> (vector<8x1024xf32>)  : i32 {
      %reduce_max3A = arith.constant dense<0xFF800000> : vector<8xf32>
      %reduce_max3A_37 = vector.multi_reduction <maximumf>, %scan3A_36, %reduce_max3A [1] : vector<8x1024xf32> to vector<8xf32>
      %broadcast_in_dim3A_38 = vector.shape_cast %reduce_max3A_37 : vector<8xf32> to vector<8x1xf32>
      %eq3A = vector.broadcast %broadcast_in_dim3A_38 : vector<8x1xf32> to vector<8x1024xf32>
      %eq3A_39 = arith.cmpf oeq, %scan3A_36, %eq3A : vector<8x1024xf32>
      %jit3A = arith.constant 1024 : i32
      %broadcast_in_dim3A_40 = vector.broadcast %jit3A : i32 to vector<8x1024xi32>
      %select_n3A = arith.select %eq3A_39, %iota3A, %broadcast_in_dim3A_40 : vector<8x1024xi1>, vector<8x1024xi32>
      %reduce_min3A = arith.constant dense<2147483647> : vector<8xi32>
      %reduce_min3A_41 = vector.multi_reduction <minsi>, %select_n3A, %reduce_min3A [1] : vector<8x1024xi32> to vector<8xi32>
      %broadcast_in_dim3A_42 = vector.shape_cast %reduce_min3A_41 : vector<8xi32> to vector<8x1xi32>
      %eq3A_43 = vector.broadcast %broadcast_in_dim3A_42 : vector<8x1xi32> to vector<8x1024xi32>
      %eq3A_44 = arith.cmpi eq, %iota3A, %eq3A_43 : vector<8x1024xi32>
      %jit3A_45 = arith.constant 0.000000e+00 : f32
      %broadcast_in_dim3A_46 = vector.broadcast %jit3A_45 : f32 to vector<8x1024xf32>
      %select_n3A_47 = arith.select %eq3A_44, %get3A_3, %broadcast_in_dim3A_46 : vector<8x1024xi1>, vector<8x1024xf32>
      %reduce_sum3A = arith.constant dense<0.000000e+00> : vector<8xf32>
      %reduce_sum3A_48 = vector.multi_reduction <add>, %select_n3A_47, %reduce_sum3A [1] : vector<8x1024xf32> to vector<8xf32>
      %broadcast_in_dim3A_49 = vector.shape_cast %reduce_sum3A_48 : vector<8xf32> to vector<8x1xf32>
      %jit3A_50 = arith.constant 0.000000e+00 : f32
      %broadcast_in_dim3A_51 = vector.broadcast %jit3A_50 : f32 to vector<8x1024xf32>
      %select_n3A_52 = arith.select %eq3A_44, %get3A_8, %broadcast_in_dim3A_51 : vector<8x1024xi1>, vector<8x1024xf32>
      %reduce_sum3A_53 = arith.constant dense<0.000000e+00> : vector<8xf32>
      %reduce_sum3A_54 = vector.multi_reduction <add>, %select_n3A_52, %reduce_sum3A_53 [1] : vector<8x1024xf32> to vector<8xf32>
      %broadcast_in_dim3A_55 = vector.shape_cast %reduce_sum3A_54 : vector<8xf32> to vector<8x1xf32>
      %jit3A_56 = arith.constant 0.000000e+00 : f32
      %broadcast_in_dim3A_57 = vector.broadcast %jit3A_56 : f32 to vector<8x1024xf32>
      %select_n3A_58 = arith.select %eq3A_44, %get3A_13, %broadcast_in_dim3A_57 : vector<8x1024xi1>, vector<8x1024xf32>
      %reduce_sum3A_59 = arith.constant dense<0.000000e+00> : vector<8xf32>
      %reduce_sum3A_60 = vector.multi_reduction <add>, %select_n3A_58, %reduce_sum3A_59 [1] : vector<8x1024xf32> to vector<8xf32>
      %broadcast_in_dim3A_61 = vector.shape_cast %reduce_sum3A_60 : vector<8xf32> to vector<8x1xf32>
      %concatenate3A_62 = tpu.concatenate %broadcast_in_dim3A_49, %broadcast_in_dim3A_55, %broadcast_in_dim3A_61 in 1 : vector<8x1xf32>, vector<8x1xf32>, vector<8x1xf32> -> vector<8x3xf32>
      %broadcast_in_dim3A_63 = vector.shape_cast %concatenate3A_62 : vector<8x3xf32> to vector<1x8x3xf32>
      %swap3A_64 = arith.index_cast %scan3A_35 : i32 to index
      %swap3A_65 = arith.constant 0 : index
      %swap3A_66 = arith.constant 0 : index
      %swap3A_67 = vector.load %arg1[%swap3A_64, %swap3A_65, %swap3A_66] : memref<512x8x3xf32, #tpu.memory_space<vmem>>, vector<1x8x3xf32>
      tpu.vector_store %arg1[%swap3A_64, %swap3A_65, %swap3A_66], %broadcast_in_dim3A_63 {strides = array<i32>} : memref<512x8x3xf32, #tpu.memory_space<vmem>>, vector<1x8x3xf32>,
      %sub3A_68 = vector.broadcast %broadcast_in_dim3A_49 : vector<8x1xf32> to vector<8x1024xf32>
      %sub3A_69 = arith.subf %get3A_3, %sub3A_68 : vector<8x1024xf32>
      %sub3A_70 = vector.broadcast %broadcast_in_dim3A_55 : vector<8x1xf32> to vector<8x1024xf32>
      %sub3A_71 = arith.subf %get3A_8, %sub3A_70 : vector<8x1024xf32>
      %sub3A_72 = vector.broadcast %broadcast_in_dim3A_61 : vector<8x1xf32> to vector<8x1024xf32>
      %sub3A_73 = arith.subf %get3A_13, %sub3A_72 : vector<8x1024xf32>
      %mul3A_74 = arith.mulf %sub3A_69, %sub3A_69 : vector<8x1024xf32>
      %mul3A_75 = arith.mulf %sub3A_71, %sub3A_71 : vector<8x1024xf32>
      %add3A_76 = arith.addf %mul3A_74, %mul3A_75 : vector<8x1024xf32>
      %mul3A_77 = arith.mulf %sub3A_73, %sub3A_73 : vector<8x1024xf32>
      %add3A_78 = arith.addf %add3A_76, %mul3A_77 : vector<8x1024xf32>
      %min3A = arith.minimumf %scan3A_36, %add3A_78 : vector<8x1024xf32>
      scf.yield %min3A : vector<8x1024xf32>
    }
    %scan3A_34 = arith.constant 511 : i32
    return
  }
}

module attributes {stable_mosaic.version = 14 : i64} {
  func.func @_sel_body(%arg0: i32, %arg1: i32, %arg2: memref<1x3x1024xf32, #tpu.memory_space<vmem>>, %arg3: memref<1x32x3xf32, #tpu.memory_space<vmem>>, %arg4: memref<1x32x64xi32, #tpu.memory_space<vmem>>, %arg5: memref<1x32x1xi32, #tpu.memory_space<vmem>>) attributes {dimension_semantics = [#tpu.dimension_semantics<arbitrary>, #tpu.dimension_semantics<arbitrary>], iteration_bounds = array<i64: 8, 16>, scalar_prefetch = 0 : i64, scratch_operands = 0 : i64, tpu.core_type = #tpu.core_type<tc>, window_params = [{transform_indices = @transform_0, window_bounds = array<i64: 1, 3, 1024>}, {transform_indices = @transform_1, window_bounds = array<i64: 1, 32, 3>}, {transform_indices = @transform_2, window_bounds = array<i64: 1, 32, 64>}, {transform_indices = @transform_3, window_bounds = array<i64: 1, 32, 1>}]} {
    %get3A = arith.constant 0 : index
    %get3A_0 = arith.constant 0 : index
    %get3A_1 = arith.constant 0 : index
    %get3A_2 = vector.load %arg3[%get3A, %get3A_0, %get3A_1] : memref<1x32x3xf32, #tpu.memory_space<vmem>>, vector<1x32x3xf32>
    %get3A_3 = vector.shape_cast %get3A_2 : vector<1x32x3xf32> to vector<32x3xf32>
    %get3A_4 = arith.constant 0 : index
    %get3A_5 = arith.constant 0 : index
    %get3A_6 = arith.constant 0 : index
    %get3A_7 = vector.load %arg2[%get3A_4, %get3A_5, %get3A_6] : memref<1x3x1024xf32, #tpu.memory_space<vmem>>, vector<1x1x1024xf32>
    %get3A_8 = vector.shape_cast %get3A_7 : vector<1x1x1024xf32> to vector<1x1024xf32>
    %slice3A = vector.extract_strided_slice %get3A_3 {offsets = [0, 0], sizes = [32, 1], strides = [1, 1]} : vector<32x3xf32> to vector<32x1xf32>
    %sub3A = vector.broadcast %slice3A : vector<32x1xf32> to vector<32x1024xf32>
    %sub3A_9 = vector.broadcast %get3A_8 : vector<1x1024xf32> to vector<32x1024xf32>
    %sub3A_10 = arith.subf %sub3A, %sub3A_9 : vector<32x1024xf32>
    %mul3A = arith.mulf %sub3A_10, %sub3A_10 : vector<32x1024xf32>
    %get3A_11 = arith.constant 0 : index
    %get3A_12 = arith.constant 1 : index
    %get3A_13 = arith.constant 0 : index
    %get3A_14 = vector.load %arg2[%get3A_11, %get3A_12, %get3A_13] : memref<1x3x1024xf32, #tpu.memory_space<vmem>>, vector<1x1x1024xf32>
    %get3A_15 = vector.shape_cast %get3A_14 : vector<1x1x1024xf32> to vector<1x1024xf32>
    %slice3A_16 = vector.extract_strided_slice %get3A_3 {offsets = [0, 1], sizes = [32, 1], strides = [1, 1]} : vector<32x3xf32> to vector<32x1xf32>
    %sub3A_17 = vector.broadcast %slice3A_16 : vector<32x1xf32> to vector<32x1024xf32>
    %sub3A_18 = vector.broadcast %get3A_15 : vector<1x1024xf32> to vector<32x1024xf32>
    %sub3A_19 = arith.subf %sub3A_17, %sub3A_18 : vector<32x1024xf32>
    %mul3A_20 = arith.mulf %sub3A_19, %sub3A_19 : vector<32x1024xf32>
    %add3A = arith.addf %mul3A, %mul3A_20 : vector<32x1024xf32>
    %get3A_21 = arith.constant 0 : index
    %get3A_22 = arith.constant 2 : index
    %get3A_23 = arith.constant 0 : index
    %get3A_24 = vector.load %arg2[%get3A_21, %get3A_22, %get3A_23] : memref<1x3x1024xf32, #tpu.memory_space<vmem>>, vector<1x1x1024xf32>
    %get3A_25 = vector.shape_cast %get3A_24 : vector<1x1x1024xf32> to vector<1x1024xf32>
    %slice3A_26 = vector.extract_strided_slice %get3A_3 {offsets = [0, 2], sizes = [32, 1], strides = [1, 1]} : vector<32x3xf32> to vector<32x1xf32>
    %sub3A_27 = vector.broadcast %slice3A_26 : vector<32x1xf32> to vector<32x1024xf32>
    %sub3A_28 = vector.broadcast %get3A_25 : vector<1x1024xf32> to vector<32x1024xf32>
    %sub3A_29 = arith.subf %sub3A_27, %sub3A_28 : vector<32x1024xf32>
    %mul3A_30 = arith.mulf %sub3A_29, %sub3A_29 : vector<32x1024xf32>
    %add3A_31 = arith.addf %add3A, %mul3A_30 : vector<32x1024xf32>
    %le3A = arith.constant 4.000000e-02 : f32
    %le3A_32 = vector.broadcast %le3A : f32 to vector<32x1024xf32>
    %le3A_33 = arith.cmpf ole, %add3A_31, %le3A_32 : vector<32x1024xf32>
    %convert_element_type3A = arith.extui %le3A_33 : vector<32x1024xi1> to vector<32x1024xi32>
    %iota3A = tpu.iota {dimensions = array<i32: 1>} : vector<32x1024xi32>
    %roll3A = arith.constant 1 : i32
    %roll3A_34 = tpu.dynamic_rotate %convert_element_type3A by %roll3A dim 1 : vector<32x1024xi32>, i32 -> vector<32x1024xi32>
    %ge3A = arith.constant 1 : i32
    %ge3A_35 = vector.broadcast %ge3A : i32 to vector<32x1024xi32>
    %ge3A_36 = arith.cmpi sge, %iota3A, %ge3A_35 : vector<32x1024xi32>
    %jit3A = arith.constant 0 : i32
    %broadcast_in_dim3A = vector.broadcast %jit3A : i32 to vector<32x1024xi32>
    %select_n3A = arith.select %ge3A_36, %roll3A_34, %broadcast_in_dim3A : vector<32x1024xi1>, vector<32x1024xi32>
    %add3A_37 = arith.addi %convert_element_type3A, %select_n3A : vector<32x1024xi32>
    %roll3A_38 = arith.constant 2 : i32
    %roll3A_39 = tpu.dynamic_rotate %add3A_37 by %roll3A_38 dim 1 : vector<32x1024xi32>, i32 -> vector<32x1024xi32>
    %ge3A_40 = arith.constant 2 : i32
    %ge3A_41 = vector.broadcast %ge3A_40 : i32 to vector<32x1024xi32>
    %ge3A_42 = arith.cmpi sge, %iota3A, %ge3A_41 : vector<32x1024xi32>
    %jit3A_43 = arith.constant 0 : i32
    %broadcast_in_dim3A_44 = vector.broadcast %jit3A_43 : i32 to vector<32x1024xi32>
    %select_n3A_45 = arith.select %ge3A_42, %roll3A_39, %broadcast_in_dim3A_44 : vector<32x1024xi1>, vector<32x1024xi32>
    %add3A_46 = arith.addi %add3A_37, %select_n3A_45 : vector<32x1024xi32>
    %roll3A_47 = arith.constant 4 : i32
    %roll3A_48 = tpu.dynamic_rotate %add3A_46 by %roll3A_47 dim 1 : vector<32x1024xi32>, i32 -> vector<32x1024xi32>
    %ge3A_49 = arith.constant 4 : i32
    %ge3A_50 = vector.broadcast %ge3A_49 : i32 to vector<32x1024xi32>
    %ge3A_51 = arith.cmpi sge, %iota3A, %ge3A_50 : vector<32x1024xi32>
    %jit3A_52 = arith.constant 0 : i32
    %broadcast_in_dim3A_53 = vector.broadcast %jit3A_52 : i32 to vector<32x1024xi32>
    %select_n3A_54 = arith.select %ge3A_51, %roll3A_48, %broadcast_in_dim3A_53 : vector<32x1024xi1>, vector<32x1024xi32>
    %add3A_55 = arith.addi %add3A_46, %select_n3A_54 : vector<32x1024xi32>
    %roll3A_56 = arith.constant 8 : i32
    %roll3A_57 = tpu.dynamic_rotate %add3A_55 by %roll3A_56 dim 1 : vector<32x1024xi32>, i32 -> vector<32x1024xi32>
    %ge3A_58 = arith.constant 8 : i32
    %ge3A_59 = vector.broadcast %ge3A_58 : i32 to vector<32x1024xi32>
    %ge3A_60 = arith.cmpi sge, %iota3A, %ge3A_59 : vector<32x1024xi32>
    %jit3A_61 = arith.constant 0 : i32
    %broadcast_in_dim3A_62 = vector.broadcast %jit3A_61 : i32 to vector<32x1024xi32>
    %select_n3A_63 = arith.select %ge3A_60, %roll3A_57, %broadcast_in_dim3A_62 : vector<32x1024xi1>, vector<32x1024xi32>
    %add3A_64 = arith.addi %add3A_55, %select_n3A_63 : vector<32x1024xi32>
    %roll3A_65 = arith.constant 16 : i32
    %roll3A_66 = tpu.dynamic_rotate %add3A_64 by %roll3A_65 dim 1 : vector<32x1024xi32>, i32 -> vector<32x1024xi32>
    %ge3A_67 = arith.constant 16 : i32
    %ge3A_68 = vector.broadcast %ge3A_67 : i32 to vector<32x1024xi32>
    %ge3A_69 = arith.cmpi sge, %iota3A, %ge3A_68 : vector<32x1024xi32>
    %jit3A_70 = arith.constant 0 : i32
    %broadcast_in_dim3A_71 = vector.broadcast %jit3A_70 : i32 to vector<32x1024xi32>
    %select_n3A_72 = arith.select %ge3A_69, %roll3A_66, %broadcast_in_dim3A_71 : vector<32x1024xi1>, vector<32x1024xi32>
    %add3A_73 = arith.addi %add3A_64, %select_n3A_72 : vector<32x1024xi32>
    %roll3A_74 = arith.constant 32 : i32
    %roll3A_75 = tpu.dynamic_rotate %add3A_73 by %roll3A_74 dim 1 : vector<32x1024xi32>, i32 -> vector<32x1024xi32>
    %ge3A_76 = arith.constant 32 : i32
    %ge3A_77 = vector.broadcast %ge3A_76 : i32 to vector<32x1024xi32>
    %ge3A_78 = arith.cmpi sge, %iota3A, %ge3A_77 : vector<32x1024xi32>
    %jit3A_79 = arith.constant 0 : i32
    %broadcast_in_dim3A_80 = vector.broadcast %jit3A_79 : i32 to vector<32x1024xi32>
    %select_n3A_81 = arith.select %ge3A_78, %roll3A_75, %broadcast_in_dim3A_80 : vector<32x1024xi1>, vector<32x1024xi32>
    %add3A_82 = arith.addi %add3A_73, %select_n3A_81 : vector<32x1024xi32>
    %roll3A_83 = arith.constant 64 : i32
    %roll3A_84 = tpu.dynamic_rotate %add3A_82 by %roll3A_83 dim 1 : vector<32x1024xi32>, i32 -> vector<32x1024xi32>
    %ge3A_85 = arith.constant 64 : i32
    %ge3A_86 = vector.broadcast %ge3A_85 : i32 to vector<32x1024xi32>
    %ge3A_87 = arith.cmpi sge, %iota3A, %ge3A_86 : vector<32x1024xi32>
    %jit3A_88 = arith.constant 0 : i32
    %broadcast_in_dim3A_89 = vector.broadcast %jit3A_88 : i32 to vector<32x1024xi32>
    %select_n3A_90 = arith.select %ge3A_87, %roll3A_84, %broadcast_in_dim3A_89 : vector<32x1024xi1>, vector<32x1024xi32>
    %add3A_91 = arith.addi %add3A_82, %select_n3A_90 : vector<32x1024xi32>
    %roll3A_92 = arith.constant 128 : i32
    %roll3A_93 = tpu.dynamic_rotate %add3A_91 by %roll3A_92 dim 1 : vector<32x1024xi32>, i32 -> vector<32x1024xi32>
    %ge3A_94 = arith.constant 128 : i32
    %ge3A_95 = vector.broadcast %ge3A_94 : i32 to vector<32x1024xi32>
    %ge3A_96 = arith.cmpi sge, %iota3A, %ge3A_95 : vector<32x1024xi32>
    %jit3A_97 = arith.constant 0 : i32
    %broadcast_in_dim3A_98 = vector.broadcast %jit3A_97 : i32 to vector<32x1024xi32>
    %select_n3A_99 = arith.select %ge3A_96, %roll3A_93, %broadcast_in_dim3A_98 : vector<32x1024xi1>, vector<32x1024xi32>
    %add3A_100 = arith.addi %add3A_91, %select_n3A_99 : vector<32x1024xi32>
    %roll3A_101 = arith.constant 256 : i32
    %roll3A_102 = tpu.dynamic_rotate %add3A_100 by %roll3A_101 dim 1 : vector<32x1024xi32>, i32 -> vector<32x1024xi32>
    %ge3A_103 = arith.constant 256 : i32
    %ge3A_104 = vector.broadcast %ge3A_103 : i32 to vector<32x1024xi32>
    %ge3A_105 = arith.cmpi sge, %iota3A, %ge3A_104 : vector<32x1024xi32>
    %jit3A_106 = arith.constant 0 : i32
    %broadcast_in_dim3A_107 = vector.broadcast %jit3A_106 : i32 to vector<32x1024xi32>
    %select_n3A_108 = arith.select %ge3A_105, %roll3A_102, %broadcast_in_dim3A_107 : vector<32x1024xi1>, vector<32x1024xi32>
    %add3A_109 = arith.addi %add3A_100, %select_n3A_108 : vector<32x1024xi32>
    %roll3A_110 = arith.constant 512 : i32
    %roll3A_111 = tpu.dynamic_rotate %add3A_109 by %roll3A_110 dim 1 : vector<32x1024xi32>, i32 -> vector<32x1024xi32>
    %ge3A_112 = arith.constant 512 : i32
    %ge3A_113 = vector.broadcast %ge3A_112 : i32 to vector<32x1024xi32>
    %ge3A_114 = arith.cmpi sge, %iota3A, %ge3A_113 : vector<32x1024xi32>
    %jit3A_115 = arith.constant 0 : i32
    %broadcast_in_dim3A_116 = vector.broadcast %jit3A_115 : i32 to vector<32x1024xi32>
    %select_n3A_117 = arith.select %ge3A_114, %roll3A_111, %broadcast_in_dim3A_116 : vector<32x1024xi1>, vector<32x1024xi32>
    %add3A_118 = arith.addi %add3A_109, %select_n3A_117 : vector<32x1024xi32>
    %sub3A_119 = arith.subi %add3A_118, %convert_element_type3A : vector<32x1024xi32>
    %slice3A_120 = vector.extract_strided_slice %add3A_118 {offsets = [0, 1023], sizes = [32, 1], strides = [1, 1]} : vector<32x1024xi32> to vector<32x1xi32>
    %swap3A = arith.constant 0 : index
    %swap3A_121 = arith.constant 0 : index
    %swap3A_122 = arith.constant 0 : index
    %swap3A_123 = vector.load %arg5[%swap3A, %swap3A_121, %swap3A_122] : memref<1x32x1xi32, #tpu.memory_space<vmem>>, vector<1x32x1xi32>
    %swap3A_124 = vector.shape_cast %swap3A_123 : vector<1x32x1xi32> to vector<32x1xi32>
    %swap3A_125 = vector.shape_cast %slice3A_120 : vector<32x1xi32> to vector<1x32x1xi32>
    tpu.vector_store %arg5[%swap3A, %swap3A_121, %swap3A_122], %swap3A_125 {strides = array<i32>} : memref<1x32x1xi32, #tpu.memory_space<vmem>>, vector<1x32x1xi32>,
    %jit3A_126 = arith.constant -1 : i32
    %broadcast_in_dim3A_127 = vector.broadcast %jit3A_126 : i32 to vector<32x1024xi32>
    %select_n3A_128 = arith.select %le3A_33, %sub3A_119, %broadcast_in_dim3A_127 : vector<32x1024xi1>, vector<32x1024xi32>
    %iota3A_129 = tpu.iota {dimensions = array<i32: 1>} : vector<32x64x1024xi32>
    %iota3A_130 = tpu.iota {dimensions = array<i32: 2>} : vector<32x64x1024xi32>
    %broadcast_in_dim3A_131 = vector.shape_cast %select_n3A_128 : vector<32x1024xi32> to vector<32x1x1024xi32>
    %eq3A = vector.broadcast %broadcast_in_dim3A_131 : vector<32x1x1024xi32> to vector<32x64x1024xi32>
    %eq3A_132 = arith.cmpi eq, %eq3A, %iota3A_129 : vector<32x64x1024xi32>
    %jit3A_133 = arith.constant 0 : i32
    %broadcast_in_dim3A_134 = vector.broadcast %jit3A_133 : i32 to vector<32x64x1024xi32>
    %select_n3A_135 = arith.select %eq3A_132, %iota3A_130, %broadcast_in_dim3A_134 : vector<32x64x1024xi1>, vector<32x64x1024xi32>
    %reduce_max3A = arith.constant dense<-2147483648> : vector<32x64xi32>
    %reduce_max3A_136 = vector.multi_reduction <maxsi>, %select_n3A_135, %reduce_max3A [2] : vector<32x64x1024xi32> to vector<32x64xi32>
    %mul3A_137 = arith.constant 1024 : i32
    %mul3A_138 = arith.muli %arg0, %mul3A_137 : i32
    %add3A_139 = vector.broadcast %mul3A_138 : i32 to vector<32x64xi32>
    %add3A_140 = arith.addi %reduce_max3A_136, %add3A_139 : vector<32x64xi32>
    %swap3A_141 = arith.constant 0 : index
    %swap3A_142 = arith.constant 0 : index
    %swap3A_143 = arith.constant 0 : index
    %swap3A_144 = vector.load %arg4[%swap3A_141, %swap3A_142, %swap3A_143] : memref<1x32x64xi32, #tpu.memory_space<vmem>>, vector<1x32x64xi32>
    %swap3A_145 = vector.shape_cast %swap3A_144 : vector<1x32x64xi32> to vector<32x64xi32>
    %swap3A_146 = vector.shape_cast %add3A_140 : vector<32x64xi32> to vector<1x32x64xi32>
    tpu.vector_store %arg4[%swap3A_141, %swap3A_142, %swap3A_143], %swap3A_146 {strides = array<i32>} : memref<1x32x64xi32, #tpu.memory_space<vmem>>, vector<1x32x64xi32>,
    return
  }
  func.func @transform_0(%arg0: i32, %arg1: i32) -> (i32, i32, i32) {
    %c0_i32 = arith.constant 0 : i32
    %c0_i32_0 = arith.constant 0 : i32
    %c0_i32_1 = arith.constant 0 : i32
    return %arg0, %c0_i32, %c0_i32_0 : i32, i32, i32
  }
  func.func @transform_1(%arg0: i32, %arg1: i32) -> (i32, i32, i32) {
    %c0_i32 = arith.constant 0 : i32
    %c0_i32_0 = arith.constant 0 : i32
    return %arg0, %arg1, %c0_i32 : i32, i32, i32
  }
  func.func @transform_2(%arg0: i32, %arg1: i32) -> (i32, i32, i32) {
    %c0_i32 = arith.constant 0 : i32
    %c0_i32_0 = arith.constant 0 : i32
    return %arg0, %arg1, %c0_i32 : i32, i32, i32
  }
  func.func @transform_3(%arg0: i32, %arg1: i32) -> (i32, i32, i32) {
    %c0_i32 = arith.constant 0 : i32
    %c0_i32_0 = arith.constant 0 : i32
    return %arg0, %arg1, %c0_i32 : i32, i32, i32
  }
}

module attributes {stable_mosaic.version = 14 : i64} {
  func.func @_fps_body(%arg0: memref<8x3x512xf32, #tpu.memory_space<vmem>>, %arg1: memref<128x8x3xf32, #tpu.memory_space<vmem>>) attributes {dimension_semantics = [], scalar_prefetch = 0 : i64, scratch_operands = 0 : i64, tpu.core_type = #tpu.core_type<tc>} {
    %get3A = arith.constant 0 : index
    %get3A_0 = arith.constant 0 : index
    %get3A_1 = arith.constant 0 : index
    %get3A_2 = vector.load %arg0[%get3A, %get3A_0, %get3A_1] : memref<8x3x512xf32, #tpu.memory_space<vmem>>, vector<8x1x512xf32>
    %get3A_3 = vector.shape_cast %get3A_2 : vector<8x1x512xf32> to vector<8x512xf32>
    %get3A_4 = arith.constant 0 : index
    %get3A_5 = arith.constant 1 : index
    %get3A_6 = arith.constant 0 : index
    %get3A_7 = vector.load %arg0[%get3A_4, %get3A_5, %get3A_6] : memref<8x3x512xf32, #tpu.memory_space<vmem>>, vector<8x1x512xf32>
    %get3A_8 = vector.shape_cast %get3A_7 : vector<8x1x512xf32> to vector<8x512xf32>
    %get3A_9 = arith.constant 0 : index
    %get3A_10 = arith.constant 2 : index
    %get3A_11 = arith.constant 0 : index
    %get3A_12 = vector.load %arg0[%get3A_9, %get3A_10, %get3A_11] : memref<8x3x512xf32, #tpu.memory_space<vmem>>, vector<8x1x512xf32>
    %get3A_13 = vector.shape_cast %get3A_12 : vector<8x1x512xf32> to vector<8x512xf32>
    %iota3A = tpu.iota {dimensions = array<i32: 1>} : vector<8x512xi32>
    %slice3A = vector.extract_strided_slice %get3A_3 {offsets = [0, 0], sizes = [8, 1], strides = [1, 1]} : vector<8x512xf32> to vector<8x1xf32>
    %slice3A_14 = vector.extract_strided_slice %get3A_8 {offsets = [0, 0], sizes = [8, 1], strides = [1, 1]} : vector<8x512xf32> to vector<8x1xf32>
    %slice3A_15 = vector.extract_strided_slice %get3A_13 {offsets = [0, 0], sizes = [8, 1], strides = [1, 1]} : vector<8x512xf32> to vector<8x1xf32>
    %concatenate3A = tpu.concatenate %slice3A, %slice3A_14, %slice3A_15 in 1 : vector<8x1xf32>, vector<8x1xf32>, vector<8x1xf32> -> vector<8x3xf32>
    %broadcast_in_dim3A = vector.shape_cast %concatenate3A : vector<8x3xf32> to vector<1x8x3xf32>
    %swap3A = arith.constant 0 : index
    %swap3A_16 = arith.constant 0 : index
    %swap3A_17 = arith.constant 0 : index
    %swap3A_18 = vector.load %arg1[%swap3A, %swap3A_16, %swap3A_17] : memref<128x8x3xf32, #tpu.memory_space<vmem>>, vector<1x8x3xf32>
    tpu.vector_store %arg1[%swap3A, %swap3A_16, %swap3A_17], %broadcast_in_dim3A {strides = array<i32>} : memref<128x8x3xf32, #tpu.memory_space<vmem>>, vector<1x8x3xf32>,
    %slice3A_19 = vector.extract_strided_slice %get3A_3 {offsets = [0, 0], sizes = [8, 1], strides = [1, 1]} : vector<8x512xf32> to vector<8x1xf32>
    %sub3A = vector.broadcast %slice3A_19 : vector<8x1xf32> to vector<8x512xf32>
    %sub3A_20 = arith.subf %get3A_3, %sub3A : vector<8x512xf32>
    %slice3A_21 = vector.extract_strided_slice %get3A_8 {offsets = [0, 0], sizes = [8, 1], strides = [1, 1]} : vector<8x512xf32> to vector<8x1xf32>
    %sub3A_22 = vector.broadcast %slice3A_21 : vector<8x1xf32> to vector<8x512xf32>
    %sub3A_23 = arith.subf %get3A_8, %sub3A_22 : vector<8x512xf32>
    %slice3A_24 = vector.extract_strided_slice %get3A_13 {offsets = [0, 0], sizes = [8, 1], strides = [1, 1]} : vector<8x512xf32> to vector<8x1xf32>
    %sub3A_25 = vector.broadcast %slice3A_24 : vector<8x1xf32> to vector<8x512xf32>
    %sub3A_26 = arith.subf %get3A_13, %sub3A_25 : vector<8x512xf32>
    %mul3A = arith.mulf %sub3A_20, %sub3A_20 : vector<8x512xf32>
    %mul3A_27 = arith.mulf %sub3A_23, %sub3A_23 : vector<8x512xf32>
    %add3A = arith.addf %mul3A, %mul3A_27 : vector<8x512xf32>
    %mul3A_28 = arith.mulf %sub3A_26, %sub3A_26 : vector<8x512xf32>
    %add3A_29 = arith.addf %add3A, %mul3A_28 : vector<8x512xf32>
    %scan3A = arith.constant 1 : i32
    %scan3A_30 = arith.constant 127 : i32
    %scan3A_31 = arith.addi %scan3A, %scan3A_30 : i32
    %scan3A_32 = arith.constant 1 : i32
    %scan3A_33 = scf.for %scan3A_35 = %scan3A to %scan3A_31 step %scan3A_32 iter_args(%scan3A_36 = %add3A_29) -> (vector<8x512xf32>)  : i32 {
      %reduce_max3A = arith.constant dense<0xFF800000> : vector<8xf32>
      %reduce_max3A_37 = vector.multi_reduction <maximumf>, %scan3A_36, %reduce_max3A [1] : vector<8x512xf32> to vector<8xf32>
      %broadcast_in_dim3A_38 = vector.shape_cast %reduce_max3A_37 : vector<8xf32> to vector<8x1xf32>
      %eq3A = vector.broadcast %broadcast_in_dim3A_38 : vector<8x1xf32> to vector<8x512xf32>
      %eq3A_39 = arith.cmpf oeq, %scan3A_36, %eq3A : vector<8x512xf32>
      %jit3A = arith.constant 512 : i32
      %broadcast_in_dim3A_40 = vector.broadcast %jit3A : i32 to vector<8x512xi32>
      %select_n3A = arith.select %eq3A_39, %iota3A, %broadcast_in_dim3A_40 : vector<8x512xi1>, vector<8x512xi32>
      %reduce_min3A = arith.constant dense<2147483647> : vector<8xi32>
      %reduce_min3A_41 = vector.multi_reduction <minsi>, %select_n3A, %reduce_min3A [1] : vector<8x512xi32> to vector<8xi32>
      %broadcast_in_dim3A_42 = vector.shape_cast %reduce_min3A_41 : vector<8xi32> to vector<8x1xi32>
      %eq3A_43 = vector.broadcast %broadcast_in_dim3A_42 : vector<8x1xi32> to vector<8x512xi32>
      %eq3A_44 = arith.cmpi eq, %iota3A, %eq3A_43 : vector<8x512xi32>
      %jit3A_45 = arith.constant 0.000000e+00 : f32
      %broadcast_in_dim3A_46 = vector.broadcast %jit3A_45 : f32 to vector<8x512xf32>
      %select_n3A_47 = arith.select %eq3A_44, %get3A_3, %broadcast_in_dim3A_46 : vector<8x512xi1>, vector<8x512xf32>
      %reduce_sum3A = arith.constant dense<0.000000e+00> : vector<8xf32>
      %reduce_sum3A_48 = vector.multi_reduction <add>, %select_n3A_47, %reduce_sum3A [1] : vector<8x512xf32> to vector<8xf32>
      %broadcast_in_dim3A_49 = vector.shape_cast %reduce_sum3A_48 : vector<8xf32> to vector<8x1xf32>
      %jit3A_50 = arith.constant 0.000000e+00 : f32
      %broadcast_in_dim3A_51 = vector.broadcast %jit3A_50 : f32 to vector<8x512xf32>
      %select_n3A_52 = arith.select %eq3A_44, %get3A_8, %broadcast_in_dim3A_51 : vector<8x512xi1>, vector<8x512xf32>
      %reduce_sum3A_53 = arith.constant dense<0.000000e+00> : vector<8xf32>
      %reduce_sum3A_54 = vector.multi_reduction <add>, %select_n3A_52, %reduce_sum3A_53 [1] : vector<8x512xf32> to vector<8xf32>
      %broadcast_in_dim3A_55 = vector.shape_cast %reduce_sum3A_54 : vector<8xf32> to vector<8x1xf32>
      %jit3A_56 = arith.constant 0.000000e+00 : f32
      %broadcast_in_dim3A_57 = vector.broadcast %jit3A_56 : f32 to vector<8x512xf32>
      %select_n3A_58 = arith.select %eq3A_44, %get3A_13, %broadcast_in_dim3A_57 : vector<8x512xi1>, vector<8x512xf32>
      %reduce_sum3A_59 = arith.constant dense<0.000000e+00> : vector<8xf32>
      %reduce_sum3A_60 = vector.multi_reduction <add>, %select_n3A_58, %reduce_sum3A_59 [1] : vector<8x512xf32> to vector<8xf32>
      %broadcast_in_dim3A_61 = vector.shape_cast %reduce_sum3A_60 : vector<8xf32> to vector<8x1xf32>
      %concatenate3A_62 = tpu.concatenate %broadcast_in_dim3A_49, %broadcast_in_dim3A_55, %broadcast_in_dim3A_61 in 1 : vector<8x1xf32>, vector<8x1xf32>, vector<8x1xf32> -> vector<8x3xf32>
      %broadcast_in_dim3A_63 = vector.shape_cast %concatenate3A_62 : vector<8x3xf32> to vector<1x8x3xf32>
      %swap3A_64 = arith.index_cast %scan3A_35 : i32 to index
      %swap3A_65 = arith.constant 0 : index
      %swap3A_66 = arith.constant 0 : index
      %swap3A_67 = vector.load %arg1[%swap3A_64, %swap3A_65, %swap3A_66] : memref<128x8x3xf32, #tpu.memory_space<vmem>>, vector<1x8x3xf32>
      tpu.vector_store %arg1[%swap3A_64, %swap3A_65, %swap3A_66], %broadcast_in_dim3A_63 {strides = array<i32>} : memref<128x8x3xf32, #tpu.memory_space<vmem>>, vector<1x8x3xf32>,
      %sub3A_68 = vector.broadcast %broadcast_in_dim3A_49 : vector<8x1xf32> to vector<8x512xf32>
      %sub3A_69 = arith.subf %get3A_3, %sub3A_68 : vector<8x512xf32>
      %sub3A_70 = vector.broadcast %broadcast_in_dim3A_55 : vector<8x1xf32> to vector<8x512xf32>
      %sub3A_71 = arith.subf %get3A_8, %sub3A_70 : vector<8x512xf32>
      %sub3A_72 = vector.broadcast %broadcast_in_dim3A_61 : vector<8x1xf32> to vector<8x512xf32>
      %sub3A_73 = arith.subf %get3A_13, %sub3A_72 : vector<8x512xf32>
      %mul3A_74 = arith.mulf %sub3A_69, %sub3A_69 : vector<8x512xf32>
      %mul3A_75 = arith.mulf %sub3A_71, %sub3A_71 : vector<8x512xf32>
      %add3A_76 = arith.addf %mul3A_74, %mul3A_75 : vector<8x512xf32>
      %mul3A_77 = arith.mulf %sub3A_73, %sub3A_73 : vector<8x512xf32>
      %add3A_78 = arith.addf %add3A_76, %mul3A_77 : vector<8x512xf32>
      %min3A = arith.minimumf %scan3A_36, %add3A_78 : vector<8x512xf32>
      scf.yield %min3A : vector<8x512xf32>
    }
    %scan3A_34 = arith.constant 127 : i32
    return
  }
}

module attributes {stable_mosaic.version = 14 : i64} {
  func.func @_sel_body(%arg0: i32, %arg1: i32, %arg2: memref<1x3x512xf32, #tpu.memory_space<vmem>>, %arg3: memref<1x32x3xf32, #tpu.memory_space<vmem>>, %arg4: memref<1x32x64xi32, #tpu.memory_space<vmem>>, %arg5: memref<1x32x1xi32, #tpu.memory_space<vmem>>) attributes {dimension_semantics = [#tpu.dimension_semantics<arbitrary>, #tpu.dimension_semantics<arbitrary>], iteration_bounds = array<i64: 8, 4>, scalar_prefetch = 0 : i64, scratch_operands = 0 : i64, tpu.core_type = #tpu.core_type<tc>, window_params = [{transform_indices = @transform_0, window_bounds = array<i64: 1, 3, 512>}, {transform_indices = @transform_1, window_bounds = array<i64: 1, 32, 3>}, {transform_indices = @transform_2, window_bounds = array<i64: 1, 32, 64>}, {transform_indices = @transform_3, window_bounds = array<i64: 1, 32, 1>}]} {
    %get3A = arith.constant 0 : index
    %get3A_0 = arith.constant 0 : index
    %get3A_1 = arith.constant 0 : index
    %get3A_2 = vector.load %arg3[%get3A, %get3A_0, %get3A_1] : memref<1x32x3xf32, #tpu.memory_space<vmem>>, vector<1x32x3xf32>
    %get3A_3 = vector.shape_cast %get3A_2 : vector<1x32x3xf32> to vector<32x3xf32>
    %get3A_4 = arith.constant 0 : index
    %get3A_5 = arith.constant 0 : index
    %get3A_6 = arith.constant 0 : index
    %get3A_7 = vector.load %arg2[%get3A_4, %get3A_5, %get3A_6] : memref<1x3x512xf32, #tpu.memory_space<vmem>>, vector<1x1x512xf32>
    %get3A_8 = vector.shape_cast %get3A_7 : vector<1x1x512xf32> to vector<1x512xf32>
    %slice3A = vector.extract_strided_slice %get3A_3 {offsets = [0, 0], sizes = [32, 1], strides = [1, 1]} : vector<32x3xf32> to vector<32x1xf32>
    %sub3A = vector.broadcast %slice3A : vector<32x1xf32> to vector<32x512xf32>
    %sub3A_9 = vector.broadcast %get3A_8 : vector<1x512xf32> to vector<32x512xf32>
    %sub3A_10 = arith.subf %sub3A, %sub3A_9 : vector<32x512xf32>
    %mul3A = arith.mulf %sub3A_10, %sub3A_10 : vector<32x512xf32>
    %get3A_11 = arith.constant 0 : index
    %get3A_12 = arith.constant 1 : index
    %get3A_13 = arith.constant 0 : index
    %get3A_14 = vector.load %arg2[%get3A_11, %get3A_12, %get3A_13] : memref<1x3x512xf32, #tpu.memory_space<vmem>>, vector<1x1x512xf32>
    %get3A_15 = vector.shape_cast %get3A_14 : vector<1x1x512xf32> to vector<1x512xf32>
    %slice3A_16 = vector.extract_strided_slice %get3A_3 {offsets = [0, 1], sizes = [32, 1], strides = [1, 1]} : vector<32x3xf32> to vector<32x1xf32>
    %sub3A_17 = vector.broadcast %slice3A_16 : vector<32x1xf32> to vector<32x512xf32>
    %sub3A_18 = vector.broadcast %get3A_15 : vector<1x512xf32> to vector<32x512xf32>
    %sub3A_19 = arith.subf %sub3A_17, %sub3A_18 : vector<32x512xf32>
    %mul3A_20 = arith.mulf %sub3A_19, %sub3A_19 : vector<32x512xf32>
    %add3A = arith.addf %mul3A, %mul3A_20 : vector<32x512xf32>
    %get3A_21 = arith.constant 0 : index
    %get3A_22 = arith.constant 2 : index
    %get3A_23 = arith.constant 0 : index
    %get3A_24 = vector.load %arg2[%get3A_21, %get3A_22, %get3A_23] : memref<1x3x512xf32, #tpu.memory_space<vmem>>, vector<1x1x512xf32>
    %get3A_25 = vector.shape_cast %get3A_24 : vector<1x1x512xf32> to vector<1x512xf32>
    %slice3A_26 = vector.extract_strided_slice %get3A_3 {offsets = [0, 2], sizes = [32, 1], strides = [1, 1]} : vector<32x3xf32> to vector<32x1xf32>
    %sub3A_27 = vector.broadcast %slice3A_26 : vector<32x1xf32> to vector<32x512xf32>
    %sub3A_28 = vector.broadcast %get3A_25 : vector<1x512xf32> to vector<32x512xf32>
    %sub3A_29 = arith.subf %sub3A_27, %sub3A_28 : vector<32x512xf32>
    %mul3A_30 = arith.mulf %sub3A_29, %sub3A_29 : vector<32x512xf32>
    %add3A_31 = arith.addf %add3A, %mul3A_30 : vector<32x512xf32>
    %le3A = arith.constant 1.600000e-01 : f32
    %le3A_32 = vector.broadcast %le3A : f32 to vector<32x512xf32>
    %le3A_33 = arith.cmpf ole, %add3A_31, %le3A_32 : vector<32x512xf32>
    %convert_element_type3A = arith.extui %le3A_33 : vector<32x512xi1> to vector<32x512xi32>
    %iota3A = tpu.iota {dimensions = array<i32: 1>} : vector<32x512xi32>
    %roll3A = arith.constant 1 : i32
    %roll3A_34 = tpu.dynamic_rotate %convert_element_type3A by %roll3A dim 1 : vector<32x512xi32>, i32 -> vector<32x512xi32>
    %ge3A = arith.constant 1 : i32
    %ge3A_35 = vector.broadcast %ge3A : i32 to vector<32x512xi32>
    %ge3A_36 = arith.cmpi sge, %iota3A, %ge3A_35 : vector<32x512xi32>
    %jit3A = arith.constant 0 : i32
    %broadcast_in_dim3A = vector.broadcast %jit3A : i32 to vector<32x512xi32>
    %select_n3A = arith.select %ge3A_36, %roll3A_34, %broadcast_in_dim3A : vector<32x512xi1>, vector<32x512xi32>
    %add3A_37 = arith.addi %convert_element_type3A, %select_n3A : vector<32x512xi32>
    %roll3A_38 = arith.constant 2 : i32
    %roll3A_39 = tpu.dynamic_rotate %add3A_37 by %roll3A_38 dim 1 : vector<32x512xi32>, i32 -> vector<32x512xi32>
    %ge3A_40 = arith.constant 2 : i32
    %ge3A_41 = vector.broadcast %ge3A_40 : i32 to vector<32x512xi32>
    %ge3A_42 = arith.cmpi sge, %iota3A, %ge3A_41 : vector<32x512xi32>
    %jit3A_43 = arith.constant 0 : i32
    %broadcast_in_dim3A_44 = vector.broadcast %jit3A_43 : i32 to vector<32x512xi32>
    %select_n3A_45 = arith.select %ge3A_42, %roll3A_39, %broadcast_in_dim3A_44 : vector<32x512xi1>, vector<32x512xi32>
    %add3A_46 = arith.addi %add3A_37, %select_n3A_45 : vector<32x512xi32>
    %roll3A_47 = arith.constant 4 : i32
    %roll3A_48 = tpu.dynamic_rotate %add3A_46 by %roll3A_47 dim 1 : vector<32x512xi32>, i32 -> vector<32x512xi32>
    %ge3A_49 = arith.constant 4 : i32
    %ge3A_50 = vector.broadcast %ge3A_49 : i32 to vector<32x512xi32>
    %ge3A_51 = arith.cmpi sge, %iota3A, %ge3A_50 : vector<32x512xi32>
    %jit3A_52 = arith.constant 0 : i32
    %broadcast_in_dim3A_53 = vector.broadcast %jit3A_52 : i32 to vector<32x512xi32>
    %select_n3A_54 = arith.select %ge3A_51, %roll3A_48, %broadcast_in_dim3A_53 : vector<32x512xi1>, vector<32x512xi32>
    %add3A_55 = arith.addi %add3A_46, %select_n3A_54 : vector<32x512xi32>
    %roll3A_56 = arith.constant 8 : i32
    %roll3A_57 = tpu.dynamic_rotate %add3A_55 by %roll3A_56 dim 1 : vector<32x512xi32>, i32 -> vector<32x512xi32>
    %ge3A_58 = arith.constant 8 : i32
    %ge3A_59 = vector.broadcast %ge3A_58 : i32 to vector<32x512xi32>
    %ge3A_60 = arith.cmpi sge, %iota3A, %ge3A_59 : vector<32x512xi32>
    %jit3A_61 = arith.constant 0 : i32
    %broadcast_in_dim3A_62 = vector.broadcast %jit3A_61 : i32 to vector<32x512xi32>
    %select_n3A_63 = arith.select %ge3A_60, %roll3A_57, %broadcast_in_dim3A_62 : vector<32x512xi1>, vector<32x512xi32>
    %add3A_64 = arith.addi %add3A_55, %select_n3A_63 : vector<32x512xi32>
    %roll3A_65 = arith.constant 16 : i32
    %roll3A_66 = tpu.dynamic_rotate %add3A_64 by %roll3A_65 dim 1 : vector<32x512xi32>, i32 -> vector<32x512xi32>
    %ge3A_67 = arith.constant 16 : i32
    %ge3A_68 = vector.broadcast %ge3A_67 : i32 to vector<32x512xi32>
    %ge3A_69 = arith.cmpi sge, %iota3A, %ge3A_68 : vector<32x512xi32>
    %jit3A_70 = arith.constant 0 : i32
    %broadcast_in_dim3A_71 = vector.broadcast %jit3A_70 : i32 to vector<32x512xi32>
    %select_n3A_72 = arith.select %ge3A_69, %roll3A_66, %broadcast_in_dim3A_71 : vector<32x512xi1>, vector<32x512xi32>
    %add3A_73 = arith.addi %add3A_64, %select_n3A_72 : vector<32x512xi32>
    %roll3A_74 = arith.constant 32 : i32
    %roll3A_75 = tpu.dynamic_rotate %add3A_73 by %roll3A_74 dim 1 : vector<32x512xi32>, i32 -> vector<32x512xi32>
    %ge3A_76 = arith.constant 32 : i32
    %ge3A_77 = vector.broadcast %ge3A_76 : i32 to vector<32x512xi32>
    %ge3A_78 = arith.cmpi sge, %iota3A, %ge3A_77 : vector<32x512xi32>
    %jit3A_79 = arith.constant 0 : i32
    %broadcast_in_dim3A_80 = vector.broadcast %jit3A_79 : i32 to vector<32x512xi32>
    %select_n3A_81 = arith.select %ge3A_78, %roll3A_75, %broadcast_in_dim3A_80 : vector<32x512xi1>, vector<32x512xi32>
    %add3A_82 = arith.addi %add3A_73, %select_n3A_81 : vector<32x512xi32>
    %roll3A_83 = arith.constant 64 : i32
    %roll3A_84 = tpu.dynamic_rotate %add3A_82 by %roll3A_83 dim 1 : vector<32x512xi32>, i32 -> vector<32x512xi32>
    %ge3A_85 = arith.constant 64 : i32
    %ge3A_86 = vector.broadcast %ge3A_85 : i32 to vector<32x512xi32>
    %ge3A_87 = arith.cmpi sge, %iota3A, %ge3A_86 : vector<32x512xi32>
    %jit3A_88 = arith.constant 0 : i32
    %broadcast_in_dim3A_89 = vector.broadcast %jit3A_88 : i32 to vector<32x512xi32>
    %select_n3A_90 = arith.select %ge3A_87, %roll3A_84, %broadcast_in_dim3A_89 : vector<32x512xi1>, vector<32x512xi32>
    %add3A_91 = arith.addi %add3A_82, %select_n3A_90 : vector<32x512xi32>
    %roll3A_92 = arith.constant 128 : i32
    %roll3A_93 = tpu.dynamic_rotate %add3A_91 by %roll3A_92 dim 1 : vector<32x512xi32>, i32 -> vector<32x512xi32>
    %ge3A_94 = arith.constant 128 : i32
    %ge3A_95 = vector.broadcast %ge3A_94 : i32 to vector<32x512xi32>
    %ge3A_96 = arith.cmpi sge, %iota3A, %ge3A_95 : vector<32x512xi32>
    %jit3A_97 = arith.constant 0 : i32
    %broadcast_in_dim3A_98 = vector.broadcast %jit3A_97 : i32 to vector<32x512xi32>
    %select_n3A_99 = arith.select %ge3A_96, %roll3A_93, %broadcast_in_dim3A_98 : vector<32x512xi1>, vector<32x512xi32>
    %add3A_100 = arith.addi %add3A_91, %select_n3A_99 : vector<32x512xi32>
    %roll3A_101 = arith.constant 256 : i32
    %roll3A_102 = tpu.dynamic_rotate %add3A_100 by %roll3A_101 dim 1 : vector<32x512xi32>, i32 -> vector<32x512xi32>
    %ge3A_103 = arith.constant 256 : i32
    %ge3A_104 = vector.broadcast %ge3A_103 : i32 to vector<32x512xi32>
    %ge3A_105 = arith.cmpi sge, %iota3A, %ge3A_104 : vector<32x512xi32>
    %jit3A_106 = arith.constant 0 : i32
    %broadcast_in_dim3A_107 = vector.broadcast %jit3A_106 : i32 to vector<32x512xi32>
    %select_n3A_108 = arith.select %ge3A_105, %roll3A_102, %broadcast_in_dim3A_107 : vector<32x512xi1>, vector<32x512xi32>
    %add3A_109 = arith.addi %add3A_100, %select_n3A_108 : vector<32x512xi32>
    %sub3A_110 = arith.subi %add3A_109, %convert_element_type3A : vector<32x512xi32>
    %slice3A_111 = vector.extract_strided_slice %add3A_109 {offsets = [0, 511], sizes = [32, 1], strides = [1, 1]} : vector<32x512xi32> to vector<32x1xi32>
    %swap3A = arith.constant 0 : index
    %swap3A_112 = arith.constant 0 : index
    %swap3A_113 = arith.constant 0 : index
    %swap3A_114 = vector.load %arg5[%swap3A, %swap3A_112, %swap3A_113] : memref<1x32x1xi32, #tpu.memory_space<vmem>>, vector<1x32x1xi32>
    %swap3A_115 = vector.shape_cast %swap3A_114 : vector<1x32x1xi32> to vector<32x1xi32>
    %swap3A_116 = vector.shape_cast %slice3A_111 : vector<32x1xi32> to vector<1x32x1xi32>
    tpu.vector_store %arg5[%swap3A, %swap3A_112, %swap3A_113], %swap3A_116 {strides = array<i32>} : memref<1x32x1xi32, #tpu.memory_space<vmem>>, vector<1x32x1xi32>,
    %jit3A_117 = arith.constant -1 : i32
    %broadcast_in_dim3A_118 = vector.broadcast %jit3A_117 : i32 to vector<32x512xi32>
    %select_n3A_119 = arith.select %le3A_33, %sub3A_110, %broadcast_in_dim3A_118 : vector<32x512xi1>, vector<32x512xi32>
    %iota3A_120 = tpu.iota {dimensions = array<i32: 1>} : vector<32x64x512xi32>
    %iota3A_121 = tpu.iota {dimensions = array<i32: 2>} : vector<32x64x512xi32>
    %broadcast_in_dim3A_122 = vector.shape_cast %select_n3A_119 : vector<32x512xi32> to vector<32x1x512xi32>
    %eq3A = vector.broadcast %broadcast_in_dim3A_122 : vector<32x1x512xi32> to vector<32x64x512xi32>
    %eq3A_123 = arith.cmpi eq, %eq3A, %iota3A_120 : vector<32x64x512xi32>
    %jit3A_124 = arith.constant 0 : i32
    %broadcast_in_dim3A_125 = vector.broadcast %jit3A_124 : i32 to vector<32x64x512xi32>
    %select_n3A_126 = arith.select %eq3A_123, %iota3A_121, %broadcast_in_dim3A_125 : vector<32x64x512xi1>, vector<32x64x512xi32>
    %reduce_max3A = arith.constant dense<-2147483648> : vector<32x64xi32>
    %reduce_max3A_127 = vector.multi_reduction <maxsi>, %select_n3A_126, %reduce_max3A [2] : vector<32x64x512xi32> to vector<32x64xi32>
    %mul3A_128 = arith.constant 512 : i32
    %mul3A_129 = arith.muli %arg0, %mul3A_128 : i32
    %add3A_130 = vector.broadcast %mul3A_129 : i32 to vector<32x64xi32>
    %add3A_131 = arith.addi %reduce_max3A_127, %add3A_130 : vector<32x64xi32>
    %swap3A_132 = arith.constant 0 : index
    %swap3A_133 = arith.constant 0 : index
    %swap3A_134 = arith.constant 0 : index
    %swap3A_135 = vector.load %arg4[%swap3A_132, %swap3A_133, %swap3A_134] : memref<1x32x64xi32, #tpu.memory_space<vmem>>, vector<1x32x64xi32>
    %swap3A_136 = vector.shape_cast %swap3A_135 : vector<1x32x64xi32> to vector<32x64xi32>
    %swap3A_137 = vector.shape_cast %add3A_131 : vector<32x64xi32> to vector<1x32x64xi32>
    tpu.vector_store %arg4[%swap3A_132, %swap3A_133, %swap3A_134], %swap3A_137 {strides = array<i32>} : memref<1x32x64xi32, #tpu.memory_space<vmem>>, vector<1x32x64xi32>,
    return
  }
  func.func @transform_0(%arg0: i32, %arg1: i32) -> (i32, i32, i32) {
    %c0_i32 = arith.constant 0 : i32
    %c0_i32_0 = arith.constant 0 : i32
    %c0_i32_1 = arith.constant 0 : i32
    return %arg0, %c0_i32, %c0_i32_0 : i32, i32, i32
  }
  func.func @transform_1(%arg0: i32, %arg1: i32) -> (i32, i32, i32) {
    %c0_i32 = arith.constant 0 : i32
    %c0_i32_0 = arith.constant 0 : i32
    return %arg0, %arg1, %c0_i32 : i32, i32, i32
  }
  func.func @transform_2(%arg0: i32, %arg1: i32) -> (i32, i32, i32) {
    %c0_i32 = arith.constant 0 : i32
    %c0_i32_0 = arith.constant 0 : i32
    return %arg0, %arg1, %c0_i32 : i32, i32, i32
  }
  func.func @transform_3(%arg0: i32, %arg1: i32) -> (i32, i32, i32) {
    %c0_i32 = arith.constant 0 : i32
    %c0_i32_0 = arith.constant 0 : i32
    return %arg0, %arg1, %c0_i32 : i32, i32, i32
  }
}

module attributes {stable_mosaic.version = 14 : i64} {
  func.func @_mlp_body(%arg0: i32, %arg1: i32, %arg2: memref<1x2048x16xf32, #tpu.memory_space<vmem>>, %arg3: memref<1x32x3xf32, #tpu.memory_space<vmem>>, %arg4: memref<1x32x1xi32, #tpu.memory_space<vmem>>, %arg5: memref<3x64xf32, #tpu.memory_space<vmem>>, %arg6: memref<3x64xf32, #tpu.memory_space<vmem>>, %arg7: memref<1x64xf32, #tpu.memory_space<vmem>>, %arg8: memref<1x64xf32, #tpu.memory_space<vmem>>, %arg9: memref<1x64xf32, #tpu.memory_space<vmem>>, %arg10: memref<64x64xf32, #tpu.memory_space<vmem>>, %arg11: memref<1x64xf32, #tpu.memory_space<vmem>>, %arg12: memref<1x64xf32, #tpu.memory_space<vmem>>, %arg13: memref<1x64xf32, #tpu.memory_space<vmem>>, %arg14: memref<64x128xf32, #tpu.memory_space<vmem>>, %arg15: memref<1x128xf32, #tpu.memory_space<vmem>>, %arg16: memref<1x128xf32, #tpu.memory_space<vmem>>, %arg17: memref<1x128xf32, #tpu.memory_space<vmem>>, %arg18: memref<1x32x128xf32, #tpu.memory_space<vmem>>) attributes {dimension_semantics = [#tpu.dimension_semantics<arbitrary>, #tpu.dimension_semantics<arbitrary>], iteration_bounds = array<i64: 8, 16>, scalar_prefetch = 0 : i64, scratch_operands = 0 : i64, tpu.core_type = #tpu.core_type<tc>, window_params = [{transform_indices = @transform_0, window_bounds = array<i64: 1, 2048, 16>}, {transform_indices = @transform_1, window_bounds = array<i64: 1, 32, 3>}, {transform_indices = @transform_2, window_bounds = array<i64: 1, 32, 1>}, {pipeline_mode = #tpu.pipeline_mode<synchronous>, transform_indices = @transform_3, window_bounds = array<i64: 3, 64>}, {pipeline_mode = #tpu.pipeline_mode<synchronous>, transform_indices = @transform_4, window_bounds = array<i64: 3, 64>}, {pipeline_mode = #tpu.pipeline_mode<synchronous>, transform_indices = @transform_5, window_bounds = array<i64: 1, 64>}, {pipeline_mode = #tpu.pipeline_mode<synchronous>, transform_indices = @transform_6, window_bounds = array<i64: 1, 64>}, {pipeline_mode = #tpu.pipeline_mode<synchronous>, transform_indices = @transform_7, window_bounds = array<i64: 1, 64>}, {pipeline_mode = #tpu.pipeline_mode<synchronous>, transform_indices = @transform_8, window_bounds = array<i64: 64, 64>}, {pipeline_mode = #tpu.pipeline_mode<synchronous>, transform_indices = @transform_9, window_bounds = array<i64: 1, 64>}, {pipeline_mode = #tpu.pipeline_mode<synchronous>, transform_indices = @transform_10, window_bounds = array<i64: 1, 64>}, {pipeline_mode = #tpu.pipeline_mode<synchronous>, transform_indices = @transform_11, window_bounds = array<i64: 1, 64>}, {pipeline_mode = #tpu.pipeline_mode<synchronous>, transform_indices = @transform_12, window_bounds = array<i64: 64, 128>}, {pipeline_mode = #tpu.pipeline_mode<synchronous>, transform_indices = @transform_13, window_bounds = array<i64: 1, 128>}, {pipeline_mode = #tpu.pipeline_mode<synchronous>, transform_indices = @transform_14, window_bounds = array<i64: 1, 128>}, {pipeline_mode = #tpu.pipeline_mode<synchronous>, transform_indices = @transform_15, window_bounds = array<i64: 1, 128>}, {transform_indices = @transform_16, window_bounds = array<i64: 1, 32, 128>}]} {
    %get3A = arith.constant 0 : index
    %get3A_0 = arith.constant 0 : index
    %get3A_1 = arith.constant 0 : index
    %get3A_2 = vector.load %arg2[%get3A, %get3A_0, %get3A_1] : memref<1x2048x16xf32, #tpu.memory_space<vmem>>, vector<1x2048x16xf32>
    %get3A_3 = vector.shape_cast %get3A_2 : vector<1x2048x16xf32> to vector<2048x16xf32>
    %slice3A = vector.extract_strided_slice %get3A_3 {offsets = [0, 0], sizes = [2048, 3], strides = [1, 1]} : vector<2048x16xf32> to vector<2048x3xf32>
    %slice3A_4 = vector.extract_strided_slice %get3A_3 {offsets = [0, 3], sizes = [2048, 3], strides = [1, 1]} : vector<2048x16xf32> to vector<2048x3xf32>
    %get3A_5 = arith.constant 0 : index
    %get3A_6 = arith.constant 0 : index
    %get3A_7 = arith.constant 0 : index
    %get3A_8 = vector.load %arg3[%get3A_5, %get3A_6, %get3A_7] : memref<1x32x3xf32, #tpu.memory_space<vmem>>, vector<1x32x3xf32>
    %get3A_9 = vector.shape_cast %get3A_8 : vector<1x32x3xf32> to vector<32x3xf32>
    %broadcast_in_dim3A = vector.shape_cast %get3A_9 : vector<32x3xf32> to vector<32x1x3xf32>
    %broadcast_in_dim3A_10 = vector.shape_cast %broadcast_in_dim3A : vector<32x1x3xf32> to vector<32x1x3xf32>
    %broadcast_in_dim3A_11 = vector.broadcast %broadcast_in_dim3A_10 : vector<32x1x3xf32> to vector<32x64x3xf32>
    %reshape3A = vector.shape_cast %broadcast_in_dim3A_11 : vector<32x64x3xf32> to vector<2048x3xf32>
    %sub3A = arith.subf %slice3A_4, %reshape3A : vector<2048x3xf32>
    %get3A_12 = arith.constant 0 : index
    %get3A_13 = arith.constant 0 : index
    %get3A_14 = vector.load %arg5[%get3A_12, %get3A_13] : memref<3x64xf32, #tpu.memory_space<vmem>>, vector<3x64xf32>
    %dot_general3A = arith.constant dense<0.000000e+00> : vector<2048x64xf32>
    %dot_general3A_15 = tpu.matmul %slice3A, %get3A_14, %dot_general3A {dimension_numbers = #tpu.dot_dimension_numbers<[1], [0], [0], [1], [0, 0, 1, 1], [], []>, transpose_lhs_hint = false} : vector<2048x3xf32>, vector<3x64xf32>, vector<2048x64xf32> -> vector<2048x64xf32>
    %get3A_16 = arith.constant 0 : index
    %get3A_17 = arith.constant 0 : index
    %get3A_18 = vector.load %arg6[%get3A_16, %get3A_17] : memref<3x64xf32, #tpu.memory_space<vmem>>, vector<3x64xf32>
    %dot_general3A_19 = arith.constant dense<0.000000e+00> : vector<2048x64xf32>
    %dot_general3A_20 = tpu.matmul %sub3A, %get3A_18, %dot_general3A_19 {dimension_numbers = #tpu.dot_dimension_numbers<[1], [0], [0], [1], [0, 0, 1, 1], [], []>, transpose_lhs_hint = false} : vector<2048x3xf32>, vector<3x64xf32>, vector<2048x64xf32> -> vector<2048x64xf32>
    %add3A = arith.addf %dot_general3A_15, %dot_general3A_20 : vector<2048x64xf32>
    %get3A_21 = arith.constant 0 : index
    %get3A_22 = arith.constant 0 : index
    %get3A_23 = vector.load %arg7[%get3A_21, %get3A_22] : memref<1x64xf32, #tpu.memory_space<vmem>>, vector<1x64xf32>
    %add3A_24 = vector.broadcast %get3A_23 : vector<1x64xf32> to vector<2048x64xf32>
    %add3A_25 = arith.addf %add3A, %add3A_24 : vector<2048x64xf32>
    %max3A = arith.constant 0.000000e+00 : f32
    %max3A_26 = vector.broadcast %max3A : f32 to vector<2048x64xf32>
    %max3A_27 = arith.maximumf %add3A_25, %max3A_26 : vector<2048x64xf32>
    %get3A_28 = arith.constant 0 : index
    %get3A_29 = arith.constant 0 : index
    %get3A_30 = vector.load %arg8[%get3A_28, %get3A_29] : memref<1x64xf32, #tpu.memory_space<vmem>>, vector<1x64xf32>
    %mul3A = vector.broadcast %get3A_30 : vector<1x64xf32> to vector<2048x64xf32>
    %mul3A_31 = arith.mulf %mul3A, %max3A_27 : vector<2048x64xf32>
    %div3A = arith.constant 1.00000501 : f32
    %div3A_32 = vector.broadcast %div3A : f32 to vector<2048x64xf32>
    %div3A_33 = arith.divf %mul3A_31, %div3A_32 : vector<2048x64xf32>
    %get3A_34 = arith.constant 0 : index
    %get3A_35 = arith.constant 0 : index
    %get3A_36 = vector.load %arg9[%get3A_34, %get3A_35] : memref<1x64xf32, #tpu.memory_space<vmem>>, vector<1x64xf32>
    %add3A_37 = vector.broadcast %get3A_36 : vector<1x64xf32> to vector<2048x64xf32>
    %add3A_38 = arith.addf %div3A_33, %add3A_37 : vector<2048x64xf32>
    %get3A_39 = arith.constant 0 : index
    %get3A_40 = arith.constant 0 : index
    %get3A_41 = vector.load %arg10[%get3A_39, %get3A_40] : memref<64x64xf32, #tpu.memory_space<vmem>>, vector<64x64xf32>
    %dot_general3A_42 = arith.constant dense<0.000000e+00> : vector<2048x64xf32>
    %dot_general3A_43 = tpu.matmul %add3A_38, %get3A_41, %dot_general3A_42 {dimension_numbers = #tpu.dot_dimension_numbers<[1], [0], [0], [1], [0, 0, 1, 1], [], []>, transpose_lhs_hint = false} : vector<2048x64xf32>, vector<64x64xf32>, vector<2048x64xf32> -> vector<2048x64xf32>
    %get3A_44 = arith.constant 0 : index
    %get3A_45 = arith.constant 0 : index
    %get3A_46 = vector.load %arg11[%get3A_44, %get3A_45] : memref<1x64xf32, #tpu.memory_space<vmem>>, vector<1x64xf32>
    %add3A_47 = vector.broadcast %get3A_46 : vector<1x64xf32> to vector<2048x64xf32>
    %add3A_48 = arith.addf %dot_general3A_43, %add3A_47 : vector<2048x64xf32>
    %max3A_49 = arith.constant 0.000000e+00 : f32
    %max3A_50 = vector.broadcast %max3A_49 : f32 to vector<2048x64xf32>
    %max3A_51 = arith.maximumf %add3A_48, %max3A_50 : vector<2048x64xf32>
    %get3A_52 = arith.constant 0 : index
    %get3A_53 = arith.constant 0 : index
    %get3A_54 = vector.load %arg12[%get3A_52, %get3A_53] : memref<1x64xf32, #tpu.memory_space<vmem>>, vector<1x64xf32>
    %mul3A_55 = vector.broadcast %get3A_54 : vector<1x64xf32> to vector<2048x64xf32>
    %mul3A_56 = arith.mulf %mul3A_55, %max3A_51 : vector<2048x64xf32>
    %div3A_57 = arith.constant 1.00000501 : f32
    %div3A_58 = vector.broadcast %div3A_57 : f32 to vector<2048x64xf32>
    %div3A_59 = arith.divf %mul3A_56, %div3A_58 : vector<2048x64xf32>
    %get3A_60 = arith.constant 0 : index
    %get3A_61 = arith.constant 0 : index
    %get3A_62 = vector.load %arg13[%get3A_60, %get3A_61] : memref<1x64xf32, #tpu.memory_space<vmem>>, vector<1x64xf32>
    %add3A_63 = vector.broadcast %get3A_62 : vector<1x64xf32> to vector<2048x64xf32>
    %add3A_64 = arith.addf %div3A_59, %add3A_63 : vector<2048x64xf32>
    %get3A_65 = arith.constant 0 : index
    %get3A_66 = arith.constant 0 : index
    %get3A_67 = vector.load %arg14[%get3A_65, %get3A_66] : memref<64x128xf32, #tpu.memory_space<vmem>>, vector<64x128xf32>
    %dot_general3A_68 = arith.constant dense<0.000000e+00> : vector<2048x128xf32>
    %dot_general3A_69 = tpu.matmul %add3A_64, %get3A_67, %dot_general3A_68 {dimension_numbers = #tpu.dot_dimension_numbers<[1], [0], [0], [1], [0, 0, 1, 1], [], []>, transpose_lhs_hint = false} : vector<2048x64xf32>, vector<64x128xf32>, vector<2048x128xf32> -> vector<2048x128xf32>
    %get3A_70 = arith.constant 0 : index
    %get3A_71 = arith.constant 0 : index
    %get3A_72 = vector.load %arg15[%get3A_70, %get3A_71] : memref<1x128xf32, #tpu.memory_space<vmem>>, vector<1x128xf32>
    %add3A_73 = vector.broadcast %get3A_72 : vector<1x128xf32> to vector<2048x128xf32>
    %add3A_74 = arith.addf %dot_general3A_69, %add3A_73 : vector<2048x128xf32>
    %max3A_75 = arith.constant 0.000000e+00 : f32
    %max3A_76 = vector.broadcast %max3A_75 : f32 to vector<2048x128xf32>
    %max3A_77 = arith.maximumf %add3A_74, %max3A_76 : vector<2048x128xf32>
    %get3A_78 = arith.constant 0 : index
    %get3A_79 = arith.constant 0 : index
    %get3A_80 = vector.load %arg16[%get3A_78, %get3A_79] : memref<1x128xf32, #tpu.memory_space<vmem>>, vector<1x128xf32>
    %mul3A_81 = vector.broadcast %get3A_80 : vector<1x128xf32> to vector<2048x128xf32>
    %mul3A_82 = arith.mulf %mul3A_81, %max3A_77 : vector<2048x128xf32>
    %div3A_83 = arith.constant 1.00000501 : f32
    %div3A_84 = vector.broadcast %div3A_83 : f32 to vector<2048x128xf32>
    %div3A_85 = arith.divf %mul3A_82, %div3A_84 : vector<2048x128xf32>
    %get3A_86 = arith.constant 0 : index
    %get3A_87 = arith.constant 0 : index
    %get3A_88 = vector.load %arg17[%get3A_86, %get3A_87] : memref<1x128xf32, #tpu.memory_space<vmem>>, vector<1x128xf32>
    %add3A_89 = vector.broadcast %get3A_88 : vector<1x128xf32> to vector<2048x128xf32>
    %add3A_90 = arith.addf %div3A_85, %add3A_89 : vector<2048x128xf32>
    %reshape3A_91 = vector.shape_cast %add3A_90 : vector<2048x128xf32> to vector<32x64x128xf32>
    %iota3A = tpu.iota {dimensions = array<i32: 1>} : vector<32x64x128xi32>
    %get3A_92 = arith.constant 0 : index
    %get3A_93 = arith.constant 0 : index
    %get3A_94 = arith.constant 0 : index
    %get3A_95 = vector.load %arg4[%get3A_92, %get3A_93, %get3A_94] : memref<1x32x1xi32, #tpu.memory_space<vmem>>, vector<1x32x1xi32>
    %get3A_96 = vector.shape_cast %get3A_95 : vector<1x32x1xi32> to vector<32x1xi32>
    %broadcast_in_dim3A_97 = vector.shape_cast %get3A_96 : vector<32x1xi32> to vector<32x1x1xi32>
    %lt3A = vector.broadcast %broadcast_in_dim3A_97 : vector<32x1x1xi32> to vector<32x64x128xi32>
    %lt3A_98 = arith.cmpi slt, %iota3A, %lt3A : vector<32x64x128xi32>
    %jit3A = arith.constant 0xFF800000 : f32
    %broadcast_in_dim3A_99 = vector.broadcast %jit3A : f32 to vector<32x64x128xf32>
    %select_n3A = arith.select %lt3A_98, %reshape3A_91, %broadcast_in_dim3A_99 : vector<32x64x128xi1>, vector<32x64x128xf32>
    %reduce_max3A = arith.constant dense<0xFF800000> : vector<32x128xf32>
    %reduce_max3A_100 = vector.multi_reduction <maximumf>, %select_n3A, %reduce_max3A [1] : vector<32x64x128xf32> to vector<32x128xf32>
    %swap3A = arith.constant 0 : index
    %swap3A_101 = arith.constant 0 : index
    %swap3A_102 = arith.constant 0 : index
    %swap3A_103 = vector.load %arg18[%swap3A, %swap3A_101, %swap3A_102] : memref<1x32x128xf32, #tpu.memory_space<vmem>>, vector<1x32x128xf32>
    %swap3A_104 = vector.shape_cast %swap3A_103 : vector<1x32x128xf32> to vector<32x128xf32>
    %swap3A_105 = vector.shape_cast %reduce_max3A_100 : vector<32x128xf32> to vector<1x32x128xf32>
    tpu.vector_store %arg18[%swap3A, %swap3A_101, %swap3A_102], %swap3A_105 {strides = array<i32>} : memref<1x32x128xf32, #tpu.memory_space<vmem>>, vector<1x32x128xf32>,
    return
  }
  func.func @transform_0(%arg0: i32, %arg1: i32) -> (i32, i32, i32) {
    %c0_i32 = arith.constant 0 : i32
    %c0_i32_0 = arith.constant 0 : i32
    return %arg0, %arg1, %c0_i32 : i32, i32, i32
  }
  func.func @transform_1(%arg0: i32, %arg1: i32) -> (i32, i32, i32) {
    %c0_i32 = arith.constant 0 : i32
    %c0_i32_0 = arith.constant 0 : i32
    return %arg0, %arg1, %c0_i32 : i32, i32, i32
  }
  func.func @transform_2(%arg0: i32, %arg1: i32) -> (i32, i32, i32) {
    %c0_i32 = arith.constant 0 : i32
    %c0_i32_0 = arith.constant 0 : i32
    return %arg0, %arg1, %c0_i32 : i32, i32, i32
  }
  func.func @transform_3(%arg0: i32, %arg1: i32) -> (i32, i32) {
    %c0_i32 = arith.constant 0 : i32
    %c0_i32_0 = arith.constant 0 : i32
    %c0_i32_1 = arith.constant 0 : i32
    return %c0_i32, %c0_i32_0 : i32, i32
  }
  func.func @transform_4(%arg0: i32, %arg1: i32) -> (i32, i32) {
    %c0_i32 = arith.constant 0 : i32
    %c0_i32_0 = arith.constant 0 : i32
    %c0_i32_1 = arith.constant 0 : i32
    return %c0_i32, %c0_i32_0 : i32, i32
  }
  func.func @transform_5(%arg0: i32, %arg1: i32) -> (i32, i32) {
    %c0_i32 = arith.constant 0 : i32
    %c0_i32_0 = arith.constant 0 : i32
    %c0_i32_1 = arith.constant 0 : i32
    return %c0_i32, %c0_i32_0 : i32, i32
  }
  func.func @transform_6(%arg0: i32, %arg1: i32) -> (i32, i32) {
    %c0_i32 = arith.constant 0 : i32
    %c0_i32_0 = arith.constant 0 : i32
    %c0_i32_1 = arith.constant 0 : i32
    return %c0_i32, %c0_i32_0 : i32, i32
  }
  func.func @transform_7(%arg0: i32, %arg1: i32) -> (i32, i32) {
    %c0_i32 = arith.constant 0 : i32
    %c0_i32_0 = arith.constant 0 : i32
    %c0_i32_1 = arith.constant 0 : i32
    return %c0_i32, %c0_i32_0 : i32, i32
  }
  func.func @transform_8(%arg0: i32, %arg1: i32) -> (i32, i32) {
    %c0_i32 = arith.constant 0 : i32
    %c0_i32_0 = arith.constant 0 : i32
    %c0_i32_1 = arith.constant 0 : i32
    return %c0_i32, %c0_i32_0 : i32, i32
  }
  func.func @transform_9(%arg0: i32, %arg1: i32) -> (i32, i32) {
    %c0_i32 = arith.constant 0 : i32
    %c0_i32_0 = arith.constant 0 : i32
    %c0_i32_1 = arith.constant 0 : i32
    return %c0_i32, %c0_i32_0 : i32, i32
  }
  func.func @transform_10(%arg0: i32, %arg1: i32) -> (i32, i32) {
    %c0_i32 = arith.constant 0 : i32
    %c0_i32_0 = arith.constant 0 : i32
    %c0_i32_1 = arith.constant 0 : i32
    return %c0_i32, %c0_i32_0 : i32, i32
  }
  func.func @transform_11(%arg0: i32, %arg1: i32) -> (i32, i32) {
    %c0_i32 = arith.constant 0 : i32
    %c0_i32_0 = arith.constant 0 : i32
    %c0_i32_1 = arith.constant 0 : i32
    return %c0_i32, %c0_i32_0 : i32, i32
  }
  func.func @transform_12(%arg0: i32, %arg1: i32) -> (i32, i32) {
    %c0_i32 = arith.constant 0 : i32
    %c0_i32_0 = arith.constant 0 : i32
    %c0_i32_1 = arith.constant 0 : i32
    return %c0_i32, %c0_i32_0 : i32, i32
  }
  func.func @transform_13(%arg0: i32, %arg1: i32) -> (i32, i32) {
    %c0_i32 = arith.constant 0 : i32
    %c0_i32_0 = arith.constant 0 : i32
    %c0_i32_1 = arith.constant 0 : i32
    return %c0_i32, %c0_i32_0 : i32, i32
  }
  func.func @transform_14(%arg0: i32, %arg1: i32) -> (i32, i32) {
    %c0_i32 = arith.constant 0 : i32
    %c0_i32_0 = arith.constant 0 : i32
    %c0_i32_1 = arith.constant 0 : i32
    return %c0_i32, %c0_i32_0 : i32, i32
  }
  func.func @transform_15(%arg0: i32, %arg1: i32) -> (i32, i32) {
    %c0_i32 = arith.constant 0 : i32
    %c0_i32_0 = arith.constant 0 : i32
    %c0_i32_1 = arith.constant 0 : i32
    return %c0_i32, %c0_i32_0 : i32, i32
  }
  func.func @transform_16(%arg0: i32, %arg1: i32) -> (i32, i32, i32) {
    %c0_i32 = arith.constant 0 : i32
    %c0_i32_0 = arith.constant 0 : i32
    return %arg0, %arg1, %c0_i32 : i32, i32, i32
  }
}

module attributes {stable_mosaic.version = 14 : i64} {
  func.func @_mlp_body(%arg0: i32, %arg1: i32, %arg2: memref<1x2048x144xf32, #tpu.memory_space<vmem>>, %arg3: memref<1x32x3xf32, #tpu.memory_space<vmem>>, %arg4: memref<1x32x1xi32, #tpu.memory_space<vmem>>, %arg5: memref<128x128xf32, #tpu.memory_space<vmem>>, %arg6: memref<3x128xf32, #tpu.memory_space<vmem>>, %arg7: memref<1x128xf32, #tpu.memory_space<vmem>>, %arg8: memref<1x128xf32, #tpu.memory_space<vmem>>, %arg9: memref<1x128xf32, #tpu.memory_space<vmem>>, %arg10: memref<128x128xf32, #tpu.memory_space<vmem>>, %arg11: memref<1x128xf32, #tpu.memory_space<vmem>>, %arg12: memref<1x128xf32, #tpu.memory_space<vmem>>, %arg13: memref<1x128xf32, #tpu.memory_space<vmem>>, %arg14: memref<128x256xf32, #tpu.memory_space<vmem>>, %arg15: memref<1x256xf32, #tpu.memory_space<vmem>>, %arg16: memref<1x256xf32, #tpu.memory_space<vmem>>, %arg17: memref<1x256xf32, #tpu.memory_space<vmem>>, %arg18: memref<1x32x256xf32, #tpu.memory_space<vmem>>) attributes {dimension_semantics = [#tpu.dimension_semantics<arbitrary>, #tpu.dimension_semantics<arbitrary>], iteration_bounds = array<i64: 8, 4>, scalar_prefetch = 0 : i64, scratch_operands = 0 : i64, tpu.core_type = #tpu.core_type<tc>, window_params = [{transform_indices = @transform_0, window_bounds = array<i64: 1, 2048, 144>}, {transform_indices = @transform_1, window_bounds = array<i64: 1, 32, 3>}, {transform_indices = @transform_2, window_bounds = array<i64: 1, 32, 1>}, {pipeline_mode = #tpu.pipeline_mode<synchronous>, transform_indices = @transform_3, window_bounds = array<i64: 128, 128>}, {pipeline_mode = #tpu.pipeline_mode<synchronous>, transform_indices = @transform_4, window_bounds = array<i64: 3, 128>}, {pipeline_mode = #tpu.pipeline_mode<synchronous>, transform_indices = @transform_5, window_bounds = array<i64: 1, 128>}, {pipeline_mode = #tpu.pipeline_mode<synchronous>, transform_indices = @transform_6, window_bounds = array<i64: 1, 128>}, {pipeline_mode = #tpu.pipeline_mode<synchronous>, transform_indices = @transform_7, window_bounds = array<i64: 1, 128>}, {pipeline_mode = #tpu.pipeline_mode<synchronous>, transform_indices = @transform_8, window_bounds = array<i64: 128, 128>}, {pipeline_mode = #tpu.pipeline_mode<synchronous>, transform_indices = @transform_9, window_bounds = array<i64: 1, 128>}, {pipeline_mode = #tpu.pipeline_mode<synchronous>, transform_indices = @transform_10, window_bounds = array<i64: 1, 128>}, {pipeline_mode = #tpu.pipeline_mode<synchronous>, transform_indices = @transform_11, window_bounds = array<i64: 1, 128>}, {pipeline_mode = #tpu.pipeline_mode<synchronous>, transform_indices = @transform_12, window_bounds = array<i64: 128, 256>}, {pipeline_mode = #tpu.pipeline_mode<synchronous>, transform_indices = @transform_13, window_bounds = array<i64: 1, 256>}, {pipeline_mode = #tpu.pipeline_mode<synchronous>, transform_indices = @transform_14, window_bounds = array<i64: 1, 256>}, {pipeline_mode = #tpu.pipeline_mode<synchronous>, transform_indices = @transform_15, window_bounds = array<i64: 1, 256>}, {transform_indices = @transform_16, window_bounds = array<i64: 1, 32, 256>}]} {
    %get3A = arith.constant 0 : index
    %get3A_0 = arith.constant 0 : index
    %get3A_1 = arith.constant 0 : index
    %get3A_2 = vector.load %arg2[%get3A, %get3A_0, %get3A_1] : memref<1x2048x144xf32, #tpu.memory_space<vmem>>, vector<1x2048x144xf32>
    %get3A_3 = vector.shape_cast %get3A_2 : vector<1x2048x144xf32> to vector<2048x144xf32>
    %slice3A = vector.extract_strided_slice %get3A_3 {offsets = [0, 0], sizes = [2048, 128], strides = [1, 1]} : vector<2048x144xf32> to vector<2048x128xf32>
    %slice3A_4 = vector.extract_strided_slice %get3A_3 {offsets = [0, 128], sizes = [2048, 3], strides = [1, 1]} : vector<2048x144xf32> to vector<2048x3xf32>
    %get3A_5 = arith.constant 0 : index
    %get3A_6 = arith.constant 0 : index
    %get3A_7 = arith.constant 0 : index
    %get3A_8 = vector.load %arg3[%get3A_5, %get3A_6, %get3A_7] : memref<1x32x3xf32, #tpu.memory_space<vmem>>, vector<1x32x3xf32>
    %get3A_9 = vector.shape_cast %get3A_8 : vector<1x32x3xf32> to vector<32x3xf32>
    %broadcast_in_dim3A = vector.shape_cast %get3A_9 : vector<32x3xf32> to vector<32x1x3xf32>
    %broadcast_in_dim3A_10 = vector.shape_cast %broadcast_in_dim3A : vector<32x1x3xf32> to vector<32x1x3xf32>
    %broadcast_in_dim3A_11 = vector.broadcast %broadcast_in_dim3A_10 : vector<32x1x3xf32> to vector<32x64x3xf32>
    %reshape3A = vector.shape_cast %broadcast_in_dim3A_11 : vector<32x64x3xf32> to vector<2048x3xf32>
    %sub3A = arith.subf %slice3A_4, %reshape3A : vector<2048x3xf32>
    %get3A_12 = arith.constant 0 : index
    %get3A_13 = arith.constant 0 : index
    %get3A_14 = vector.load %arg5[%get3A_12, %get3A_13] : memref<128x128xf32, #tpu.memory_space<vmem>>, vector<128x128xf32>
    %dot_general3A = arith.constant dense<0.000000e+00> : vector<2048x128xf32>
    %dot_general3A_15 = tpu.matmul %slice3A, %get3A_14, %dot_general3A {dimension_numbers = #tpu.dot_dimension_numbers<[1], [0], [0], [1], [0, 0, 1, 1], [], []>, transpose_lhs_hint = false} : vector<2048x128xf32>, vector<128x128xf32>, vector<2048x128xf32> -> vector<2048x128xf32>
    %get3A_16 = arith.constant 0 : index
    %get3A_17 = arith.constant 0 : index
    %get3A_18 = vector.load %arg6[%get3A_16, %get3A_17] : memref<3x128xf32, #tpu.memory_space<vmem>>, vector<3x128xf32>
    %dot_general3A_19 = arith.constant dense<0.000000e+00> : vector<2048x128xf32>
    %dot_general3A_20 = tpu.matmul %sub3A, %get3A_18, %dot_general3A_19 {dimension_numbers = #tpu.dot_dimension_numbers<[1], [0], [0], [1], [0, 0, 1, 1], [], []>, transpose_lhs_hint = false} : vector<2048x3xf32>, vector<3x128xf32>, vector<2048x128xf32> -> vector<2048x128xf32>
    %add3A = arith.addf %dot_general3A_15, %dot_general3A_20 : vector<2048x128xf32>
    %get3A_21 = arith.constant 0 : index
    %get3A_22 = arith.constant 0 : index
    %get3A_23 = vector.load %arg7[%get3A_21, %get3A_22] : memref<1x128xf32, #tpu.memory_space<vmem>>, vector<1x128xf32>
    %add3A_24 = vector.broadcast %get3A_23 : vector<1x128xf32> to vector<2048x128xf32>
    %add3A_25 = arith.addf %add3A, %add3A_24 : vector<2048x128xf32>
    %max3A = arith.constant 0.000000e+00 : f32
    %max3A_26 = vector.broadcast %max3A : f32 to vector<2048x128xf32>
    %max3A_27 = arith.maximumf %add3A_25, %max3A_26 : vector<2048x128xf32>
    %get3A_28 = arith.constant 0 : index
    %get3A_29 = arith.constant 0 : index
    %get3A_30 = vector.load %arg8[%get3A_28, %get3A_29] : memref<1x128xf32, #tpu.memory_space<vmem>>, vector<1x128xf32>
    %mul3A = vector.broadcast %get3A_30 : vector<1x128xf32> to vector<2048x128xf32>
    %mul3A_31 = arith.mulf %mul3A, %max3A_27 : vector<2048x128xf32>
    %div3A = arith.constant 1.00000501 : f32
    %div3A_32 = vector.broadcast %div3A : f32 to vector<2048x128xf32>
    %div3A_33 = arith.divf %mul3A_31, %div3A_32 : vector<2048x128xf32>
    %get3A_34 = arith.constant 0 : index
    %get3A_35 = arith.constant 0 : index
    %get3A_36 = vector.load %arg9[%get3A_34, %get3A_35] : memref<1x128xf32, #tpu.memory_space<vmem>>, vector<1x128xf32>
    %add3A_37 = vector.broadcast %get3A_36 : vector<1x128xf32> to vector<2048x128xf32>
    %add3A_38 = arith.addf %div3A_33, %add3A_37 : vector<2048x128xf32>
    %get3A_39 = arith.constant 0 : index
    %get3A_40 = arith.constant 0 : index
    %get3A_41 = vector.load %arg10[%get3A_39, %get3A_40] : memref<128x128xf32, #tpu.memory_space<vmem>>, vector<128x128xf32>
    %dot_general3A_42 = arith.constant dense<0.000000e+00> : vector<2048x128xf32>
    %dot_general3A_43 = tpu.matmul %add3A_38, %get3A_41, %dot_general3A_42 {dimension_numbers = #tpu.dot_dimension_numbers<[1], [0], [0], [1], [0, 0, 1, 1], [], []>, transpose_lhs_hint = false} : vector<2048x128xf32>, vector<128x128xf32>, vector<2048x128xf32> -> vector<2048x128xf32>
    %get3A_44 = arith.constant 0 : index
    %get3A_45 = arith.constant 0 : index
    %get3A_46 = vector.load %arg11[%get3A_44, %get3A_45] : memref<1x128xf32, #tpu.memory_space<vmem>>, vector<1x128xf32>
    %add3A_47 = vector.broadcast %get3A_46 : vector<1x128xf32> to vector<2048x128xf32>
    %add3A_48 = arith.addf %dot_general3A_43, %add3A_47 : vector<2048x128xf32>
    %max3A_49 = arith.constant 0.000000e+00 : f32
    %max3A_50 = vector.broadcast %max3A_49 : f32 to vector<2048x128xf32>
    %max3A_51 = arith.maximumf %add3A_48, %max3A_50 : vector<2048x128xf32>
    %get3A_52 = arith.constant 0 : index
    %get3A_53 = arith.constant 0 : index
    %get3A_54 = vector.load %arg12[%get3A_52, %get3A_53] : memref<1x128xf32, #tpu.memory_space<vmem>>, vector<1x128xf32>
    %mul3A_55 = vector.broadcast %get3A_54 : vector<1x128xf32> to vector<2048x128xf32>
    %mul3A_56 = arith.mulf %mul3A_55, %max3A_51 : vector<2048x128xf32>
    %div3A_57 = arith.constant 1.00000501 : f32
    %div3A_58 = vector.broadcast %div3A_57 : f32 to vector<2048x128xf32>
    %div3A_59 = arith.divf %mul3A_56, %div3A_58 : vector<2048x128xf32>
    %get3A_60 = arith.constant 0 : index
    %get3A_61 = arith.constant 0 : index
    %get3A_62 = vector.load %arg13[%get3A_60, %get3A_61] : memref<1x128xf32, #tpu.memory_space<vmem>>, vector<1x128xf32>
    %add3A_63 = vector.broadcast %get3A_62 : vector<1x128xf32> to vector<2048x128xf32>
    %add3A_64 = arith.addf %div3A_59, %add3A_63 : vector<2048x128xf32>
    %get3A_65 = arith.constant 0 : index
    %get3A_66 = arith.constant 0 : index
    %get3A_67 = vector.load %arg14[%get3A_65, %get3A_66] : memref<128x256xf32, #tpu.memory_space<vmem>>, vector<128x256xf32>
    %dot_general3A_68 = arith.constant dense<0.000000e+00> : vector<2048x256xf32>
    %dot_general3A_69 = tpu.matmul %add3A_64, %get3A_67, %dot_general3A_68 {dimension_numbers = #tpu.dot_dimension_numbers<[1], [0], [0], [1], [0, 0, 1, 1], [], []>, transpose_lhs_hint = false} : vector<2048x128xf32>, vector<128x256xf32>, vector<2048x256xf32> -> vector<2048x256xf32>
    %get3A_70 = arith.constant 0 : index
    %get3A_71 = arith.constant 0 : index
    %get3A_72 = vector.load %arg15[%get3A_70, %get3A_71] : memref<1x256xf32, #tpu.memory_space<vmem>>, vector<1x256xf32>
    %add3A_73 = vector.broadcast %get3A_72 : vector<1x256xf32> to vector<2048x256xf32>
    %add3A_74 = arith.addf %dot_general3A_69, %add3A_73 : vector<2048x256xf32>
    %max3A_75 = arith.constant 0.000000e+00 : f32
    %max3A_76 = vector.broadcast %max3A_75 : f32 to vector<2048x256xf32>
    %max3A_77 = arith.maximumf %add3A_74, %max3A_76 : vector<2048x256xf32>
    %get3A_78 = arith.constant 0 : index
    %get3A_79 = arith.constant 0 : index
    %get3A_80 = vector.load %arg16[%get3A_78, %get3A_79] : memref<1x256xf32, #tpu.memory_space<vmem>>, vector<1x256xf32>
    %mul3A_81 = vector.broadcast %get3A_80 : vector<1x256xf32> to vector<2048x256xf32>
    %mul3A_82 = arith.mulf %mul3A_81, %max3A_77 : vector<2048x256xf32>
    %div3A_83 = arith.constant 1.00000501 : f32
    %div3A_84 = vector.broadcast %div3A_83 : f32 to vector<2048x256xf32>
    %div3A_85 = arith.divf %mul3A_82, %div3A_84 : vector<2048x256xf32>
    %get3A_86 = arith.constant 0 : index
    %get3A_87 = arith.constant 0 : index
    %get3A_88 = vector.load %arg17[%get3A_86, %get3A_87] : memref<1x256xf32, #tpu.memory_space<vmem>>, vector<1x256xf32>
    %add3A_89 = vector.broadcast %get3A_88 : vector<1x256xf32> to vector<2048x256xf32>
    %add3A_90 = arith.addf %div3A_85, %add3A_89 : vector<2048x256xf32>
    %reshape3A_91 = vector.shape_cast %add3A_90 : vector<2048x256xf32> to vector<32x64x256xf32>
    %iota3A = tpu.iota {dimensions = array<i32: 1>} : vector<32x64x256xi32>
    %get3A_92 = arith.constant 0 : index
    %get3A_93 = arith.constant 0 : index
    %get3A_94 = arith.constant 0 : index
    %get3A_95 = vector.load %arg4[%get3A_92, %get3A_93, %get3A_94] : memref<1x32x1xi32, #tpu.memory_space<vmem>>, vector<1x32x1xi32>
    %get3A_96 = vector.shape_cast %get3A_95 : vector<1x32x1xi32> to vector<32x1xi32>
    %broadcast_in_dim3A_97 = vector.shape_cast %get3A_96 : vector<32x1xi32> to vector<32x1x1xi32>
    %lt3A = vector.broadcast %broadcast_in_dim3A_97 : vector<32x1x1xi32> to vector<32x64x256xi32>
    %lt3A_98 = arith.cmpi slt, %iota3A, %lt3A : vector<32x64x256xi32>
    %jit3A = arith.constant 0xFF800000 : f32
    %broadcast_in_dim3A_99 = vector.broadcast %jit3A : f32 to vector<32x64x256xf32>
    %select_n3A = arith.select %lt3A_98, %reshape3A_91, %broadcast_in_dim3A_99 : vector<32x64x256xi1>, vector<32x64x256xf32>
    %reduce_max3A = arith.constant dense<0xFF800000> : vector<32x256xf32>
    %reduce_max3A_100 = vector.multi_reduction <maximumf>, %select_n3A, %reduce_max3A [1] : vector<32x64x256xf32> to vector<32x256xf32>
    %swap3A = arith.constant 0 : index
    %swap3A_101 = arith.constant 0 : index
    %swap3A_102 = arith.constant 0 : index
    %swap3A_103 = vector.load %arg18[%swap3A, %swap3A_101, %swap3A_102] : memref<1x32x256xf32, #tpu.memory_space<vmem>>, vector<1x32x256xf32>
    %swap3A_104 = vector.shape_cast %swap3A_103 : vector<1x32x256xf32> to vector<32x256xf32>
    %swap3A_105 = vector.shape_cast %reduce_max3A_100 : vector<32x256xf32> to vector<1x32x256xf32>
    tpu.vector_store %arg18[%swap3A, %swap3A_101, %swap3A_102], %swap3A_105 {strides = array<i32>} : memref<1x32x256xf32, #tpu.memory_space<vmem>>, vector<1x32x256xf32>,
    return
  }
  func.func @transform_0(%arg0: i32, %arg1: i32) -> (i32, i32, i32) {
    %c0_i32 = arith.constant 0 : i32
    %c0_i32_0 = arith.constant 0 : i32
    return %arg0, %arg1, %c0_i32 : i32, i32, i32
  }
  func.func @transform_1(%arg0: i32, %arg1: i32) -> (i32, i32, i32) {
    %c0_i32 = arith.constant 0 : i32
    %c0_i32_0 = arith.constant 0 : i32
    return %arg0, %arg1, %c0_i32 : i32, i32, i32
  }
  func.func @transform_2(%arg0: i32, %arg1: i32) -> (i32, i32, i32) {
    %c0_i32 = arith.constant 0 : i32
    %c0_i32_0 = arith.constant 0 : i32
    return %arg0, %arg1, %c0_i32 : i32, i32, i32
  }
  func.func @transform_3(%arg0: i32, %arg1: i32) -> (i32, i32) {
    %c0_i32 = arith.constant 0 : i32
    %c0_i32_0 = arith.constant 0 : i32
    %c0_i32_1 = arith.constant 0 : i32
    return %c0_i32, %c0_i32_0 : i32, i32
  }
  func.func @transform_4(%arg0: i32, %arg1: i32) -> (i32, i32) {
    %c0_i32 = arith.constant 0 : i32
    %c0_i32_0 = arith.constant 0 : i32
    %c0_i32_1 = arith.constant 0 : i32
    return %c0_i32, %c0_i32_0 : i32, i32
  }
  func.func @transform_5(%arg0: i32, %arg1: i32) -> (i32, i32) {
    %c0_i32 = arith.constant 0 : i32
    %c0_i32_0 = arith.constant 0 : i32
    %c0_i32_1 = arith.constant 0 : i32
    return %c0_i32, %c0_i32_0 : i32, i32
  }
  func.func @transform_6(%arg0: i32, %arg1: i32) -> (i32, i32) {
    %c0_i32 = arith.constant 0 : i32
    %c0_i32_0 = arith.constant 0 : i32
    %c0_i32_1 = arith.constant 0 : i32
    return %c0_i32, %c0_i32_0 : i32, i32
  }
  func.func @transform_7(%arg0: i32, %arg1: i32) -> (i32, i32) {
    %c0_i32 = arith.constant 0 : i32
    %c0_i32_0 = arith.constant 0 : i32
    %c0_i32_1 = arith.constant 0 : i32
    return %c0_i32, %c0_i32_0 : i32, i32
  }
  func.func @transform_8(%arg0: i32, %arg1: i32) -> (i32, i32) {
    %c0_i32 = arith.constant 0 : i32
    %c0_i32_0 = arith.constant 0 : i32
    %c0_i32_1 = arith.constant 0 : i32
    return %c0_i32, %c0_i32_0 : i32, i32
  }
  func.func @transform_9(%arg0: i32, %arg1: i32) -> (i32, i32) {
    %c0_i32 = arith.constant 0 : i32
    %c0_i32_0 = arith.constant 0 : i32
    %c0_i32_1 = arith.constant 0 : i32
    return %c0_i32, %c0_i32_0 : i32, i32
  }
  func.func @transform_10(%arg0: i32, %arg1: i32) -> (i32, i32) {
    %c0_i32 = arith.constant 0 : i32
    %c0_i32_0 = arith.constant 0 : i32
    %c0_i32_1 = arith.constant 0 : i32
    return %c0_i32, %c0_i32_0 : i32, i32
  }
  func.func @transform_11(%arg0: i32, %arg1: i32) -> (i32, i32) {
    %c0_i32 = arith.constant 0 : i32
    %c0_i32_0 = arith.constant 0 : i32
    %c0_i32_1 = arith.constant 0 : i32
    return %c0_i32, %c0_i32_0 : i32, i32
  }
  func.func @transform_12(%arg0: i32, %arg1: i32) -> (i32, i32) {
    %c0_i32 = arith.constant 0 : i32
    %c0_i32_0 = arith.constant 0 : i32
    %c0_i32_1 = arith.constant 0 : i32
    return %c0_i32, %c0_i32_0 : i32, i32
  }
  func.func @transform_13(%arg0: i32, %arg1: i32) -> (i32, i32) {
    %c0_i32 = arith.constant 0 : i32
    %c0_i32_0 = arith.constant 0 : i32
    %c0_i32_1 = arith.constant 0 : i32
    return %c0_i32, %c0_i32_0 : i32, i32
  }
  func.func @transform_14(%arg0: i32, %arg1: i32) -> (i32, i32) {
    %c0_i32 = arith.constant 0 : i32
    %c0_i32_0 = arith.constant 0 : i32
    %c0_i32_1 = arith.constant 0 : i32
    return %c0_i32, %c0_i32_0 : i32, i32
  }
  func.func @transform_15(%arg0: i32, %arg1: i32) -> (i32, i32) {
    %c0_i32 = arith.constant 0 : i32
    %c0_i32_0 = arith.constant 0 : i32
    %c0_i32_1 = arith.constant 0 : i32
    return %c0_i32, %c0_i32_0 : i32, i32
  }
  func.func @transform_16(%arg0: i32, %arg1: i32) -> (i32, i32, i32) {
    %c0_i32 = arith.constant 0 : i32
    %c0_i32_0 = arith.constant 0 : i32
    return %arg0, %arg1, %c0_i32 : i32, i32, i32
  }
}

module attributes {stable_mosaic.version = 14 : i64} {
  func.func @_head_body(%arg0: memref<1024x256xf32, #tpu.memory_space<vmem>>, %arg1: memref<1024x3xf32, #tpu.memory_space<vmem>>, %arg2: memref<256x256xf32, #tpu.memory_space<vmem>>, %arg3: memref<3x256xf32, #tpu.memory_space<vmem>>, %arg4: memref<1x256xf32, #tpu.memory_space<vmem>>, %arg5: memref<1x256xf32, #tpu.memory_space<vmem>>, %arg6: memref<1x256xf32, #tpu.memory_space<vmem>>, %arg7: memref<256x512xf32, #tpu.memory_space<vmem>>, %arg8: memref<1x512xf32, #tpu.memory_space<vmem>>, %arg9: memref<1x512xf32, #tpu.memory_space<vmem>>, %arg10: memref<1x512xf32, #tpu.memory_space<vmem>>, %arg11: memref<512x1024xf32, #tpu.memory_space<vmem>>, %arg12: memref<1x1024xf32, #tpu.memory_space<vmem>>, %arg13: memref<1x1024xf32, #tpu.memory_space<vmem>>, %arg14: memref<1x1024xf32, #tpu.memory_space<vmem>>, %arg15: memref<1024x512xf32, #tpu.memory_space<vmem>>, %arg16: memref<1x512xf32, #tpu.memory_space<vmem>>, %arg17: memref<512x256xf32, #tpu.memory_space<vmem>>, %arg18: memref<1x256xf32, #tpu.memory_space<vmem>>, %arg19: memref<256x40xf32, #tpu.memory_space<vmem>>, %arg20: memref<1x40xf32, #tpu.memory_space<vmem>>, %arg21: memref<8x40xf32, #tpu.memory_space<vmem>>) attributes {dimension_semantics = [], scalar_prefetch = 0 : i64, scratch_operands = 0 : i64, tpu.core_type = #tpu.core_type<tc>} {
    %get3A = arith.constant 0 : index
    %get3A_0 = arith.constant 0 : index
    %get3A_1 = vector.load %arg0[%get3A, %get3A_0] : memref<1024x256xf32, #tpu.memory_space<vmem>>, vector<1024x256xf32>
    %get3A_2 = arith.constant 0 : index
    %get3A_3 = arith.constant 0 : index
    %get3A_4 = vector.load %arg2[%get3A_2, %get3A_3] : memref<256x256xf32, #tpu.memory_space<vmem>>, vector<256x256xf32>
    %dot_general3A = arith.constant dense<0.000000e+00> : vector<1024x256xf32>
    %dot_general3A_5 = tpu.matmul %get3A_1, %get3A_4, %dot_general3A {dimension_numbers = #tpu.dot_dimension_numbers<[1], [0], [0], [1], [0, 0, 1, 1], [], []>, transpose_lhs_hint = false} : vector<1024x256xf32>, vector<256x256xf32>, vector<1024x256xf32> -> vector<1024x256xf32>
    %get3A_6 = arith.constant 0 : index
    %get3A_7 = arith.constant 0 : index
    %get3A_8 = vector.load %arg1[%get3A_6, %get3A_7] : memref<1024x3xf32, #tpu.memory_space<vmem>>, vector<1024x3xf32>
    %get3A_9 = arith.constant 0 : index
    %get3A_10 = arith.constant 0 : index
    %get3A_11 = vector.load %arg3[%get3A_9, %get3A_10] : memref<3x256xf32, #tpu.memory_space<vmem>>, vector<3x256xf32>
    %dot_general3A_12 = arith.constant dense<0.000000e+00> : vector<1024x256xf32>
    %dot_general3A_13 = tpu.matmul %get3A_8, %get3A_11, %dot_general3A_12 {dimension_numbers = #tpu.dot_dimension_numbers<[1], [0], [0], [1], [0, 0, 1, 1], [], []>, transpose_lhs_hint = false} : vector<1024x3xf32>, vector<3x256xf32>, vector<1024x256xf32> -> vector<1024x256xf32>
    %add3A = arith.addf %dot_general3A_5, %dot_general3A_13 : vector<1024x256xf32>
    %get3A_14 = arith.constant 0 : index
    %get3A_15 = arith.constant 0 : index
    %get3A_16 = vector.load %arg4[%get3A_14, %get3A_15] : memref<1x256xf32, #tpu.memory_space<vmem>>, vector<1x256xf32>
    %add3A_17 = vector.broadcast %get3A_16 : vector<1x256xf32> to vector<1024x256xf32>
    %add3A_18 = arith.addf %add3A, %add3A_17 : vector<1024x256xf32>
    %max3A = arith.constant 0.000000e+00 : f32
    %max3A_19 = vector.broadcast %max3A : f32 to vector<1024x256xf32>
    %max3A_20 = arith.maximumf %add3A_18, %max3A_19 : vector<1024x256xf32>
    %get3A_21 = arith.constant 0 : index
    %get3A_22 = arith.constant 0 : index
    %get3A_23 = vector.load %arg5[%get3A_21, %get3A_22] : memref<1x256xf32, #tpu.memory_space<vmem>>, vector<1x256xf32>
    %mul3A = vector.broadcast %get3A_23 : vector<1x256xf32> to vector<1024x256xf32>
    %mul3A_24 = arith.mulf %mul3A, %max3A_20 : vector<1024x256xf32>
    %div3A = arith.constant 1.00000501 : f32
    %div3A_25 = vector.broadcast %div3A : f32 to vector<1024x256xf32>
    %div3A_26 = arith.divf %mul3A_24, %div3A_25 : vector<1024x256xf32>
    %get3A_27 = arith.constant 0 : index
    %get3A_28 = arith.constant 0 : index
    %get3A_29 = vector.load %arg6[%get3A_27, %get3A_28] : memref<1x256xf32, #tpu.memory_space<vmem>>, vector<1x256xf32>
    %add3A_30 = vector.broadcast %get3A_29 : vector<1x256xf32> to vector<1024x256xf32>
    %add3A_31 = arith.addf %div3A_26, %add3A_30 : vector<1024x256xf32>
    %get3A_32 = arith.constant 0 : index
    %get3A_33 = arith.constant 0 : index
    %get3A_34 = vector.load %arg7[%get3A_32, %get3A_33] : memref<256x512xf32, #tpu.memory_space<vmem>>, vector<256x512xf32>
    %dot_general3A_35 = arith.constant dense<0.000000e+00> : vector<1024x512xf32>
    %dot_general3A_36 = tpu.matmul %add3A_31, %get3A_34, %dot_general3A_35 {dimension_numbers = #tpu.dot_dimension_numbers<[1], [0], [0], [1], [0, 0, 1, 1], [], []>, transpose_lhs_hint = false} : vector<1024x256xf32>, vector<256x512xf32>, vector<1024x512xf32> -> vector<1024x512xf32>
    %get3A_37 = arith.constant 0 : index
    %get3A_38 = arith.constant 0 : index
    %get3A_39 = vector.load %arg8[%get3A_37, %get3A_38] : memref<1x512xf32, #tpu.memory_space<vmem>>, vector<1x512xf32>
    %add3A_40 = vector.broadcast %get3A_39 : vector<1x512xf32> to vector<1024x512xf32>
    %add3A_41 = arith.addf %dot_general3A_36, %add3A_40 : vector<1024x512xf32>
    %max3A_42 = arith.constant 0.000000e+00 : f32
    %max3A_43 = vector.broadcast %max3A_42 : f32 to vector<1024x512xf32>
    %max3A_44 = arith.maximumf %add3A_41, %max3A_43 : vector<1024x512xf32>
    %get3A_45 = arith.constant 0 : index
    %get3A_46 = arith.constant 0 : index
    %get3A_47 = vector.load %arg9[%get3A_45, %get3A_46] : memref<1x512xf32, #tpu.memory_space<vmem>>, vector<1x512xf32>
    %mul3A_48 = vector.broadcast %get3A_47 : vector<1x512xf32> to vector<1024x512xf32>
    %mul3A_49 = arith.mulf %mul3A_48, %max3A_44 : vector<1024x512xf32>
    %div3A_50 = arith.constant 1.00000501 : f32
    %div3A_51 = vector.broadcast %div3A_50 : f32 to vector<1024x512xf32>
    %div3A_52 = arith.divf %mul3A_49, %div3A_51 : vector<1024x512xf32>
    %get3A_53 = arith.constant 0 : index
    %get3A_54 = arith.constant 0 : index
    %get3A_55 = vector.load %arg10[%get3A_53, %get3A_54] : memref<1x512xf32, #tpu.memory_space<vmem>>, vector<1x512xf32>
    %add3A_56 = vector.broadcast %get3A_55 : vector<1x512xf32> to vector<1024x512xf32>
    %add3A_57 = arith.addf %div3A_52, %add3A_56 : vector<1024x512xf32>
    %get3A_58 = arith.constant 0 : index
    %get3A_59 = arith.constant 0 : index
    %get3A_60 = vector.load %arg11[%get3A_58, %get3A_59] : memref<512x1024xf32, #tpu.memory_space<vmem>>, vector<512x1024xf32>
    %dot_general3A_61 = arith.constant dense<0.000000e+00> : vector<1024x1024xf32>
    %dot_general3A_62 = tpu.matmul %add3A_57, %get3A_60, %dot_general3A_61 {dimension_numbers = #tpu.dot_dimension_numbers<[1], [0], [0], [1], [0, 0, 1, 1], [], []>, transpose_lhs_hint = false} : vector<1024x512xf32>, vector<512x1024xf32>, vector<1024x1024xf32> -> vector<1024x1024xf32>
    %get3A_63 = arith.constant 0 : index
    %get3A_64 = arith.constant 0 : index
    %get3A_65 = vector.load %arg12[%get3A_63, %get3A_64] : memref<1x1024xf32, #tpu.memory_space<vmem>>, vector<1x1024xf32>
    %add3A_66 = vector.broadcast %get3A_65 : vector<1x1024xf32> to vector<1024x1024xf32>
    %add3A_67 = arith.addf %dot_general3A_62, %add3A_66 : vector<1024x1024xf32>
    %max3A_68 = arith.constant 0.000000e+00 : f32
    %max3A_69 = vector.broadcast %max3A_68 : f32 to vector<1024x1024xf32>
    %max3A_70 = arith.maximumf %add3A_67, %max3A_69 : vector<1024x1024xf32>
    %get3A_71 = arith.constant 0 : index
    %get3A_72 = arith.constant 0 : index
    %get3A_73 = vector.load %arg13[%get3A_71, %get3A_72] : memref<1x1024xf32, #tpu.memory_space<vmem>>, vector<1x1024xf32>
    %mul3A_74 = vector.broadcast %get3A_73 : vector<1x1024xf32> to vector<1024x1024xf32>
    %mul3A_75 = arith.mulf %mul3A_74, %max3A_70 : vector<1024x1024xf32>
    %div3A_76 = arith.constant 1.00000501 : f32
    %div3A_77 = vector.broadcast %div3A_76 : f32 to vector<1024x1024xf32>
    %div3A_78 = arith.divf %mul3A_75, %div3A_77 : vector<1024x1024xf32>
    %get3A_79 = arith.constant 0 : index
    %get3A_80 = arith.constant 0 : index
    %get3A_81 = vector.load %arg14[%get3A_79, %get3A_80] : memref<1x1024xf32, #tpu.memory_space<vmem>>, vector<1x1024xf32>
    %add3A_82 = vector.broadcast %get3A_81 : vector<1x1024xf32> to vector<1024x1024xf32>
    %add3A_83 = arith.addf %div3A_78, %add3A_82 : vector<1024x1024xf32>
    %slice3A = vector.extract_strided_slice %add3A_83 {offsets = [0, 0], sizes = [128, 1024], strides = [1, 1]} : vector<1024x1024xf32> to vector<128x1024xf32>
    %reduce_max3A = arith.constant dense<0xFF800000> : vector<1024xf32>
    %reduce_max3A_84 = vector.multi_reduction <maximumf>, %slice3A, %reduce_max3A [0] : vector<128x1024xf32> to vector<1024xf32>
    %broadcast_in_dim3A = vector.shape_cast %reduce_max3A_84 : vector<1024xf32> to vector<1x1024xf32>
    %slice3A_85 = vector.extract_strided_slice %add3A_83 {offsets = [128, 0], sizes = [128, 1024], strides = [1, 1]} : vector<1024x1024xf32> to vector<128x1024xf32>
    %reduce_max3A_86 = arith.constant dense<0xFF800000> : vector<1024xf32>
    %reduce_max3A_87 = vector.multi_reduction <maximumf>, %slice3A_85, %reduce_max3A_86 [0] : vector<128x1024xf32> to vector<1024xf32>
    %broadcast_in_dim3A_88 = vector.shape_cast %reduce_max3A_87 : vector<1024xf32> to vector<1x1024xf32>
    %slice3A_89 = vector.extract_strided_slice %add3A_83 {offsets = [256, 0], sizes = [128, 1024], strides = [1, 1]} : vector<1024x1024xf32> to vector<128x1024xf32>
    %reduce_max3A_90 = arith.constant dense<0xFF800000> : vector<1024xf32>
    %reduce_max3A_91 = vector.multi_reduction <maximumf>, %slice3A_89, %reduce_max3A_90 [0] : vector<128x1024xf32> to vector<1024xf32>
    %broadcast_in_dim3A_92 = vector.shape_cast %reduce_max3A_91 : vector<1024xf32> to vector<1x1024xf32>
    %slice3A_93 = vector.extract_strided_slice %add3A_83 {offsets = [384, 0], sizes = [128, 1024], strides = [1, 1]} : vector<1024x1024xf32> to vector<128x1024xf32>
    %reduce_max3A_94 = arith.constant dense<0xFF800000> : vector<1024xf32>
    %reduce_max3A_95 = vector.multi_reduction <maximumf>, %slice3A_93, %reduce_max3A_94 [0] : vector<128x1024xf32> to vector<1024xf32>
    %broadcast_in_dim3A_96 = vector.shape_cast %reduce_max3A_95 : vector<1024xf32> to vector<1x1024xf32>
    %slice3A_97 = vector.extract_strided_slice %add3A_83 {offsets = [512, 0], sizes = [128, 1024], strides = [1, 1]} : vector<1024x1024xf32> to vector<128x1024xf32>
    %reduce_max3A_98 = arith.constant dense<0xFF800000> : vector<1024xf32>
    %reduce_max3A_99 = vector.multi_reduction <maximumf>, %slice3A_97, %reduce_max3A_98 [0] : vector<128x1024xf32> to vector<1024xf32>
    %broadcast_in_dim3A_100 = vector.shape_cast %reduce_max3A_99 : vector<1024xf32> to vector<1x1024xf32>
    %slice3A_101 = vector.extract_strided_slice %add3A_83 {offsets = [640, 0], sizes = [128, 1024], strides = [1, 1]} : vector<1024x1024xf32> to vector<128x1024xf32>
    %reduce_max3A_102 = arith.constant dense<0xFF800000> : vector<1024xf32>
    %reduce_max3A_103 = vector.multi_reduction <maximumf>, %slice3A_101, %reduce_max3A_102 [0] : vector<128x1024xf32> to vector<1024xf32>
    %broadcast_in_dim3A_104 = vector.shape_cast %reduce_max3A_103 : vector<1024xf32> to vector<1x1024xf32>
    %slice3A_105 = vector.extract_strided_slice %add3A_83 {offsets = [768, 0], sizes = [128, 1024], strides = [1, 1]} : vector<1024x1024xf32> to vector<128x1024xf32>
    %reduce_max3A_106 = arith.constant dense<0xFF800000> : vector<1024xf32>
    %reduce_max3A_107 = vector.multi_reduction <maximumf>, %slice3A_105, %reduce_max3A_106 [0] : vector<128x1024xf32> to vector<1024xf32>
    %broadcast_in_dim3A_108 = vector.shape_cast %reduce_max3A_107 : vector<1024xf32> to vector<1x1024xf32>
    %slice3A_109 = vector.extract_strided_slice %add3A_83 {offsets = [896, 0], sizes = [128, 1024], strides = [1, 1]} : vector<1024x1024xf32> to vector<128x1024xf32>
    %reduce_max3A_110 = arith.constant dense<0xFF800000> : vector<1024xf32>
    %reduce_max3A_111 = vector.multi_reduction <maximumf>, %slice3A_109, %reduce_max3A_110 [0] : vector<128x1024xf32> to vector<1024xf32>
    %broadcast_in_dim3A_112 = vector.shape_cast %reduce_max3A_111 : vector<1024xf32> to vector<1x1024xf32>
    %concatenate3A = tpu.concatenate %broadcast_in_dim3A, %broadcast_in_dim3A_88, %broadcast_in_dim3A_92, %broadcast_in_dim3A_96, %broadcast_in_dim3A_100, %broadcast_in_dim3A_104, %broadcast_in_dim3A_108, %broadcast_in_dim3A_112 in 0 : vector<1x1024xf32>, vector<1x1024xf32>, vector<1x1024xf32>, vector<1x1024xf32>, vector<1x1024xf32>, vector<1x1024xf32>, vector<1x1024xf32>, vector<1x1024xf32> -> vector<8x1024xf32>
    %get3A_113 = arith.constant 0 : index
    %get3A_114 = arith.constant 0 : index
    %get3A_115 = vector.load %arg15[%get3A_113, %get3A_114] : memref<1024x512xf32, #tpu.memory_space<vmem>>, vector<1024x512xf32>
    %dot_general3A_116 = arith.constant dense<0.000000e+00> : vector<8x512xf32>
    %dot_general3A_117 = tpu.matmul %concatenate3A, %get3A_115, %dot_general3A_116 {dimension_numbers = #tpu.dot_dimension_numbers<[1], [0], [0], [1], [0, 0, 1, 1], [], []>, transpose_lhs_hint = false} : vector<8x1024xf32>, vector<1024x512xf32>, vector<8x512xf32> -> vector<8x512xf32>
    %get3A_118 = arith.constant 0 : index
    %get3A_119 = arith.constant 0 : index
    %get3A_120 = vector.load %arg16[%get3A_118, %get3A_119] : memref<1x512xf32, #tpu.memory_space<vmem>>, vector<1x512xf32>
    %add3A_121 = vector.broadcast %get3A_120 : vector<1x512xf32> to vector<8x512xf32>
    %add3A_122 = arith.addf %dot_general3A_117, %add3A_121 : vector<8x512xf32>
    %max3A_123 = arith.constant 0.000000e+00 : f32
    %max3A_124 = vector.broadcast %max3A_123 : f32 to vector<8x512xf32>
    %max3A_125 = arith.maximumf %add3A_122, %max3A_124 : vector<8x512xf32>
    %get3A_126 = arith.constant 0 : index
    %get3A_127 = arith.constant 0 : index
    %get3A_128 = vector.load %arg17[%get3A_126, %get3A_127] : memref<512x256xf32, #tpu.memory_space<vmem>>, vector<512x256xf32>
    %dot_general3A_129 = arith.constant dense<0.000000e+00> : vector<8x256xf32>
    %dot_general3A_130 = tpu.matmul %max3A_125, %get3A_128, %dot_general3A_129 {dimension_numbers = #tpu.dot_dimension_numbers<[1], [0], [0], [1], [0, 0, 1, 1], [], []>, transpose_lhs_hint = false} : vector<8x512xf32>, vector<512x256xf32>, vector<8x256xf32> -> vector<8x256xf32>
    %get3A_131 = arith.constant 0 : index
    %get3A_132 = arith.constant 0 : index
    %get3A_133 = vector.load %arg18[%get3A_131, %get3A_132] : memref<1x256xf32, #tpu.memory_space<vmem>>, vector<1x256xf32>
    %add3A_134 = vector.broadcast %get3A_133 : vector<1x256xf32> to vector<8x256xf32>
    %add3A_135 = arith.addf %dot_general3A_130, %add3A_134 : vector<8x256xf32>
    %max3A_136 = arith.constant 0.000000e+00 : f32
    %max3A_137 = vector.broadcast %max3A_136 : f32 to vector<8x256xf32>
    %max3A_138 = arith.maximumf %add3A_135, %max3A_137 : vector<8x256xf32>
    %get3A_139 = arith.constant 0 : index
    %get3A_140 = arith.constant 0 : index
    %get3A_141 = vector.load %arg19[%get3A_139, %get3A_140] : memref<256x40xf32, #tpu.memory_space<vmem>>, vector<256x40xf32>
    %dot_general3A_142 = arith.constant dense<0.000000e+00> : vector<8x40xf32>
    %dot_general3A_143 = tpu.matmul %max3A_138, %get3A_141, %dot_general3A_142 {dimension_numbers = #tpu.dot_dimension_numbers<[1], [0], [0], [1], [0, 0, 1, 1], [], []>, transpose_lhs_hint = false} : vector<8x256xf32>, vector<256x40xf32>, vector<8x40xf32> -> vector<8x40xf32>
    %get3A_144 = arith.constant 0 : index
    %get3A_145 = arith.constant 0 : index
    %get3A_146 = vector.load %arg20[%get3A_144, %get3A_145] : memref<1x40xf32, #tpu.memory_space<vmem>>, vector<1x40xf32>
    %add3A_147 = vector.broadcast %get3A_146 : vector<1x40xf32> to vector<8x40xf32>
    %add3A_148 = arith.addf %dot_general3A_143, %add3A_147 : vector<8x40xf32>
    %reduce_max3A_149 = arith.constant dense<0xFF800000> : vector<8xf32>
    %reduce_max3A_150 = vector.multi_reduction <maximumf>, %add3A_148, %reduce_max3A_149 [1] : vector<8x40xf32> to vector<8xf32>
    %broadcast_in_dim3A_151 = vector.shape_cast %reduce_max3A_150 : vector<8xf32> to vector<8x1xf32>
    %sub3A = vector.broadcast %broadcast_in_dim3A_151 : vector<8x1xf32> to vector<8x40xf32>
    %sub3A_152 = arith.subf %add3A_148, %sub3A : vector<8x40xf32>
    %exp3A = math.exp %sub3A_152 : vector<8x40xf32>
    %reduce_sum3A = arith.constant dense<0.000000e+00> : vector<8xf32>
    %reduce_sum3A_153 = vector.multi_reduction <add>, %exp3A, %reduce_sum3A [1] : vector<8x40xf32> to vector<8xf32>
    %broadcast_in_dim3A_154 = vector.shape_cast %reduce_sum3A_153 : vector<8xf32> to vector<8x1xf32>
    %log3A = math.log %broadcast_in_dim3A_154 : vector<8x1xf32>
    %sub3A_155 = vector.broadcast %log3A : vector<8x1xf32> to vector<8x40xf32>
    %sub3A_156 = arith.subf %sub3A_152, %sub3A_155 : vector<8x40xf32>
    %swap3A = arith.constant 0 : index
    %swap3A_157 = arith.constant 0 : index
    %swap3A_158 = vector.load %arg21[%swap3A, %swap3A_157] : memref<8x40xf32, #tpu.memory_space<vmem>>, vector<8x40xf32>
    tpu.vector_store %arg21[%swap3A, %swap3A_157], %sub3A_156 {strides = array<i32>} : memref<8x40xf32, #tpu.memory_space<vmem>>, vector<8x40xf32>,
    return
  }
}

</mosaic_0001>

<sc_bundles>
// kernel: kernel.11.cloned.1.call-start
scs
__scs_entry_jumppad:
0x0: {  	(pc) =	sbr.rel $0x88, $3  }
0x1: {  	(tag) =	ssettag $0x0;
	lr =	simm.s32 $0x1  }
0x2: {  	[smem:$0x3F75] =	sst lr;
	_ =	strace $0xD0000000  }
0x3: {  	_ = 	snop  }
0x4: {  	_ = 	snop  }
0x5: {  	_ = 	snop  }
0x6: {  	_ = 	snop  }
0x7: {  	_ = 	snop  }
__scs_overlays_trampoline_lowered:
0x8: {  	[smem:$0x3F84] =	sst s0  }
0x9: {  	[smem:$0x3F85] =	sst s1  }
0xa: {  	[smem:$0x3F86] =	sst s2  }
0xb: {  	[smem:$0x3F87] =	sst s3  }
0xc: {  	[smem:$0x3F88] =	sst s4  }
0xd: {  	[smem:$0x3F89] =	sst s5  }
0xe: {  	[smem:$0x3F8A] =	sst s6  }
0xf: {  	[smem:$0x3F8B] =	sst s7  }
0x10: {  	[smem:$0x3F8C] =	sst s8  }
0x11: {  	[smem:$0x3F8D] =	sst s9;
	s0 =	simm.s32 @!p0 $0x0  }
0x12: {  	s1 =	sld [smem:$0x3F73];
	s0 =	simm.s32 @p0 $0x1  }
0x13: {  	[smem:$0x3F8E] =	sst s0;
	s0 =	simm.s32 @!p1 $0x0  }
0x14: {  	s2 =	sld [smem:$0x3F72];
	s0 =	simm.s32 @p1 $0x1  }
0x15: {  	[smem:$0x3F8F] =	sst s0;
	s0 =	simm.s32 @!p2 $0x0  }
0x16: {  	s3 =	sld [smem:$0x3FDB];
	s0 =	simm.s32 @p2 $0x1  }
0x17: {  	s4 =	simm.s32 $0x1BF5;
	[smem:$0x3F91] =	sst s0  }
0x18: {  	s0 =	sld [smem:$0x3F74];
	_ =	swait.ge [sflag:s4], $0x0  }
0x19: {  	s7 =	sld [smem:$0x3F75]  }
0x1a: {  	s8 =	sadd.s32 $0xFFFFE003, lr  }
0x1b: {  	s9 =	sadd.s32 $0xFFFFFEF7, lr;
	s5 =	simm.s32 $0xFFFFFFFF;
	p2 =	slt.u32 s8, $0xFFFFF086  }
0x1c: {  	p1 =	slt.u32 s9, $0xF7A;
	s5 =	simm.s32 @!p2 $0x0  }
0x1d: {  	s5 =	simm.s32 @p1 $0x1;
	p0 =	seq.s32 s7, s2  }
0x1e: {  	s7 =	smul.u32 @!p0 $0xF7A, s2;
	p2 =	seq.s32 @!p0 s5, $0x0  }
0x1f: {  	s9 =	smul.u32 $0xF7A, s1;
	s8 =	simm.s32 @!p0 $0x1BF5;
	p2 =	por !p2, p0  }
0x20: {  	[sflag:s8] =	ssyncset.s32 @!p0 $0xFFFFF086;
	s6 =	sadd.s32 @!p0 s3, s7;
	s7 =	simm.s32 @!p0 $0x108  }
0x21: {  	s3 =	sadd.s32 s3, s9;
	s6 =	sadd.s32 @!p0 $0x88, s6;
	s7 =	simm.s32 @p2 $0x1082  }
0x22: {  	[simem:s7], [sflag:s8] =	dma.local @!p0 [hbm:s6], $0xF7A  }
0x23: {  	s9 =	sor.u32 $0xD0000000, s2;
	s6 =	simm.s32 $0x108;
	_ =	swait.ge @!p0 [sflag:s8], $0x0  }
0x24: {  	s3 =	sadd.s32 $0x88, s3;
	s6 =	simm.s32 @!p1 $0x1082;
	[sflag:s4] =	ssyncset.s32 $0xFFFFF086  }
0x25: {  	[simem:s6], [sflag:s4] =	dma.local [hbm:s3], $0xF7A  }
0x26: {  	[smem:$0x3F75] =	sst s1;
	(tag) =	ssettag s2;
	_ =	strace s9  }
0x27: {  	s1 =	sld [smem:$0x3F85]  }
0x28: {  	s2 =	sld [smem:$0x3F86]  }
0x29: {  	s4 =	sld [smem:$0x3F88]  }
0x2a: {  	p0 =	seq.s32 s5, $0x0;
	s5 =	sld [smem:$0x3F89]  }
0x2b: {  	s6 =	sld [smem:$0x3F8A]  }
0x2c: {  	s7 =	sld [smem:$0x3F8B]  }
0x2d: {  	s3 =	simm.s32 $0x108;
	s8 =	sld [smem:$0x3F8C]  }
0x2e: {  	s3 =	simm.s32 @!p0 $0x1082;
	s9 =	sld [smem:$0x3F8D]  }
0x2f: {  	lr =	sadd.s32 s0, s3;
	s0 =	sld [smem:$0x3F84]  }
0x30: {  	s3 =	sld [smem:$0x3F87]  }
0x31: {  	[smem:$0x3F90] =	sst s10  }
0x32: {  	s10 =	sld [smem:$0x3F8E];
	_ =	sdelay $0x3  }
0x33: {  	p0 =	seq.s32 s10, $0x1;
	s10 =	sld [smem:$0x3F90];
	_ =	sdelay $0x3  }
0x34: {  	[smem:$0x3F90] =	sst s10  }
0x35: {  	s10 =	sld [smem:$0x3F8F];
	_ =	sdelay $0x3  }
0x36: {  	p1 =	seq.s32 s10, $0x1;
	s10 =	sld [smem:$0x3F90];
	_ =	sdelay $0x3  }
0x37: {  	[smem:$0x3F90] =	sst s10  }
0x38: {  	s10 =	sld [smem:$0x3F91]  }
0x39: {  	_ = 	snop;
	(pc) =	sbr.ind lr, $3  }
0x3a: {  	_ = 	snop  }
0x3b: {  	_ = 	snop  }
0x3c: {  	p2 =	seq.s32 s10, $0x1;
	s10 =	sld [smem:$0x3F90]  }
0x3d: {  	_ =	shalt  }
0x3e: {  	_ =	shalt  }
0x3f: {  	_ =	shalt  }
0x40: {  	_ =	shalt  }
0x41: {  	_ =	shalt  }
0x42: {  	_ =	shalt  }
0x43: {  	_ =	shalt  }
0x44: {  	_ =	shalt  }
0x45: {  	_ =	shalt  }
0x46: {  	_ =	shalt  }
0x47: {  	_ =	shalt  }
0x48: {  	_ =	shalt  }
0x49: {  	_ =	shalt  }
0x4a: {  	_ =	shalt  }
0x4b: {  	_ =	shalt  }
0x4c: {  	_ =	shalt  }
0x4d: {  	_ =	shalt  }
0x4e: {  	_ =	shalt  }
0x4f: {  	_ =	shalt  }
0x50: {  	_ =	shalt  }
0x51: {  	_ =	shalt  }
0x52: {  	_ =	shalt  }
0x53: {  	_ =	shalt  }
0x54: {  	_ =	shalt  }
0x55: {  	_ =	shalt  }
0x56: {  	_ =	shalt  }
0x57: {  	_ =	shalt  }
0x58: {  	_ =	shalt  }
0x59: {  	_ =	shalt  }
0x5a: {  	_ =	shalt  }
0x5b: {  	_ =	shalt  }
0x5c: {  	_ =	shalt  }
0x5d: {  	_ =	shalt  }
0x5e: {  	_ =	shalt  }
0x5f: {  	_ =	shalt  }
0x60: {  	_ =	shalt  }
0x61: {  	_ =	shalt  }
0x62: {  	_ =	shalt  }
0x63: {  	_ =	shalt  }
0x64: {  	_ =	shalt  }
0x65: {  	_ =	shalt  }
0x66: {  	_ =	shalt  }
0x67: {  	_ =	shalt  }
0x68: {  	_ =	shalt  }
0x69: {  	_ =	shalt  }
0x6a: {  	_ =	shalt  }
0x6b: {  	_ =	shalt  }
0x6c: {  	_ =	shalt  }
0x6d: {  	_ =	shalt  }
0x6e: {  	_ =	shalt  }
0x6f: {  	_ =	shalt  }
0x70: {  	_ =	shalt  }
0x71: {  	_ =	shalt  }
0x72: {  	_ =	shalt  }
0x73: {  	_ =	shalt  }
0x74: {  	_ =	shalt  }
0x75: {  	_ =	shalt  }
0x76: {  	_ =	shalt  }
0x77: {  	_ =	shalt  }
0x78: {  	_ =	shalt  }
0x79: {  	_ =	shalt  }
0x7a: {  	_ =	shalt  }
0x7b: {  	_ =	shalt  }
0x7c: {  	_ =	shalt  }
0x7d: {  	_ =	shalt  }
0x7e: {  	_ =	shalt  }
0x7f: {  	_ =	shalt  }
0x80: {  	_ =	shalt  }
0x81: {  	_ =	shalt  }
0x82: {  	_ =	shalt  }
0x83: {  	_ =	shalt  }
0x84: {  	_ =	shalt  }
0x85: {  	_ =	shalt  }
0x86: {  	_ =	shalt  }
0x87: {  	_ =	shalt  }
.Lfunc_end0:
.L_simem_size_0:
called_computation_lowered:
.L_overlay_start_0:
0x88: {  	s2 =	sld [smem:$0x3FD9]  }
0x89: {  	s3 =	sld [smem:$0x3FFE];
	_ =	sdelay $0x1  }
0x8a: {  	s1 =	srdreg.scid  }
0x8b: {  	s0 =	sand.u32 $0x1, s1  }
0x8c: {  	s16 =	sshll.u32 s0, $0xA;
	s2 =	sadd.s32 s3, s2  }
0x8d: {  	s2 =	sadd.s32 s2, s16  }
0x8e: {  	[smem:$0x3F9C] =	sst s2  }
0x8f: {  	_ = 	snop  }
0x90: {  	(tm) =	ssettm $0x1  }
0x91: {  	s17 =	sld [smem:$0x3FFB];
	_ =	sdelay $0x3  }
0x92: {  	_ =	strace s17  }
0x93: {  	s2 =	sld [smem:$0x3FFC];
	_ =	sdelay $0x3  }
0x94: {  	_ =	strace s2  }
0x95: {  	s2 =	sld [smem:$0x3FFD];
	_ =	sdelay $0x3  }
0x96: {  	_ =	strace s2  }
0x97: {  	_ =	strace $0x8FFFFFFF  }
0x98: {  	s18 =	sld [smem:$0x3FDB];
	_ =	sdelay $0x1  }
0x99: {  	s19 =	simm.s32 $_scs_section_size  }
0x9a: {  	s4 =	simm.s32 $_size__tile_overlayer_lowered;
	s5 =	simm.s32 $_tile_overlayer_lowered  }
0x9b: {  	s22 =	simm.s32 $0x1BFF;
	s21 =	sshll.u32 s5, $0x1;
	s2 =	sadd.s32 s19, s18  }
0x9c: {  	s6 =	simm.s32 $0x0;
	s20 =	sshll.u32 s4, $0x1;
	s4 =	sadd.s32 s21, s2  }
0x9d: {  	[timem:s6], [sflag:s22] =	dma.local [hbm:s4], s20  }
0x9e: {  	_ =	swait.ge [sflag:s22], s20  }
0x9f: {  	s3 =	ssub.s32 $0x0, s20;
	[sflag:s22] =	ssyncset.done $0x0  }
0xa0: {  	[sflag:s22] =	ssyncadd.s32 s3;
	_ =	sdelay $0x1  }
0xa1: {  	s23 =	simm.s32 $0x1B8B  }
0xa2: {  	_ =	swait.ge [sflag:s23], $0x1  }
0xa3: {  	[sflag:s23] =	ssyncset.done $0x0  }
0xa4: {  	s25 =	simm.s32 $0x1B8E;
	s24 =	sld [smem:$0x3FFE];
	[sflag:s23] =	ssyncadd.s32 $0xFFFFFFFF  }
0xa5: {  	s26 =	simm.s32 $execute0_lowered;
	[smem:$0x3FD2] =	sst s25  }
0xa6: {  	s4 =	sshll.u32 s26, $0x1;
	_ =	strace $0x80000046;
	[dreg:$0x1] =	wrdreg $0xFFFFFFFF  }
0xa7: {  	s28 =	simm.s32 $_size_execute0_lowered;
	s2 =	sadd.s32 s2, s4;
	[dreg:$0x0] =	wrdreg $0x0  }
0xa8: {  	s4 =	sshll.u32 s28, $0x1;
	[dreg:$0x2] =	wrdreg s2  }
0xa9: {  	[dreg:$0x3] =	wrdreg s4  }
0xaa: {  	[dreg:$0x4] =	wrdreg $0xC0  }
0xab: {  	_ =	task [dreg:s6], $0x5FFFF  }
0xac: {  	[dreg:$0x1] =	wrdreg $0xFFFFFFFF  }
0xad: {  	[dreg:$0x0] =	wrdreg $0x60  }
0xae: {  	[dreg:$0x2] =	wrdreg s24  }
0xaf: {  	[dreg:$0x3] =	wrdreg $0x9  }
0xb0: {  	_ =	task.clear_ibuf [dreg:s6], $0x4FFFF;
	_ =	strace $0x90000046  }
0xb1: {  	s29 =	simm.s32 $0x9;
	_ =	strace $0x80000048  }
0xb2: {  	_ =	swait.ge [sflag:s29], $0x1  }
0xb3: {  	[sflag:s29] =	ssyncadd.s32 $0xFFFFFFFF  }
0xb4: {  	_ =	strace $0x90000048  }
0xb5: {  	_ =	sfence  }
0xb6: {  	s30 =	sld [smem:$0x0];
	_ =	sdelay $0x2  }
0xb7: {  	s31 =	sshll.u32 s1, $0xD;
	s1 =	sshrl.u32 s1, $0x2  }
0xb8: {  	s3 =	sand.u32 $0x4000, s31;
	s1 =	sadd.s32 s1, s30  }
0xb9: {  	s0 =	sor.u32 s3, s0;
	s1 =	sshll.u32 s1, $0x11  }
0xba: {  	s0 =	sor.u32 s1, s0  }
0xbb: {  	s0 =	sadd.s32 $0x8F2B, s0  }
0xbc: {  	[sflag:s0] =	ssyncadd.remote.s32 $0x1  }
0xbd: {  	_ =	sfence.sel $0xFFFF  }
0xbe: {  	[dreg:$0x0] =	wrdreg $0xFFFFFFFF;
	(pc) =	sbr.abs _section_cstart, $3  }
0xbf: {  	[dreg:$0x1] =	wrdreg $0xFFFFFFFF  }
0xc0: {  	_ =	task.clear_ibuf [dreg:s6], $0x2FFFF;
	_ =	strace $0x9FFFFFFF  }
0xc1: {  	(tm) =	ssettm $0x7FFFFFFF  }
tec
execute0_lowered:
.L_overlay_start_1:
0x0: {  	(tag) =	ssettag $0x1  }
0x1: {  	s4 =	rddreg [dreg:$0x0]  }
0x2: {  	s0 =	rddreg [dreg:$0x1];
	s3 =	srdreg.scid  }
0x3: {  	s2 =	simm.s32 $0x0;
	s1 =	stileid.u32;
	s10 =	simm.s32 $0x2800  }
0x4: {  	s11 =	simm.s32 $0x3000;
	s12 =	simm.s32 $0x3800;
	s13 =	simm.s32 $0x4000  }
0x5: {  	s14 =	simm.s32 $0x4800;
	s15 =	simm.s32 $0x5000;
	s16 =	simm.s32 $0x5800  }
0x6: {  	s17 =	simm.s32 $0x1;
	s18 =	simm.s32 $0x0;
	s5 =	sand.u32 $0x1, s3  }
0x7: {  	[smem:$0x7FF] =	sst s2;
	s6 =	sshll.u32 s1, $0xE;
	s3 =	sadd.s32 $0x6E00, s4  }
0x8: {  	s30 =	sshll.u32 s1, $0xF;
	s7 =	sshll.u32 s5, $0xD;
	_ =	strace $0x80000047  }
0x9: {  	s8 =	ssub.s32 $0x2, s5;
	s5 =	sshll.u32 s5, $0xE;
	s6 =	sor.u32 s7, s6  }
0xa: {  	s7 =	sadd.s32 s30, s4;
	s9 =	sshrl.u32 s8, $0x1;
	s6 =	sshrl.u32 s6, $0x3  }
0xb: {  	s31 =	ssub.s32 s8, s9;
	s7 =	sadd.s32 s5, s7;
	s8 =	simm.s32 $0x80  }
0xc: {  	s9 =	simm.s32 $0x2000;
	s4 =	sadd.s32 s6, s4;
	s5 =	smax.u32 s31, $0x1  }
0xd: {  	s6 =	sadd.s32 $0x12E00, s7;
	s7 =	simm.s32 $0x2;
	s4 =	sadd.s32 $0xAE00, s4  }
.LBB2_1:
0xe: {  	[tilespmem:s2], [sflag:$0x2] =	stream.linear.gather [hbm4b:s4+s2], $0x2000, $0x38;
	[tilespmem:$0x6000] =	vst v63  }
0xf: {  	_ =	swait.ge [sflag:s7], $0x2000  }
0x10: {  	[sflag:s7] =	ssyncset.done $0x0  }
0x11: {  	s19 =	simm.s32 $0x0;
	[sflag:s7] =	ssyncadd.s32 $0xFFFFE000  }
0x12: {  	[tilespmem:s9], [sflag:$0x1] =	stream.indirect.gather [hbm4b:s3+s8], $0x10, s19, s8, $0xb8;
	[tilespmem:$0x6000] =	vst v63  }
0x13: {  	s30 =	simm.s32 $0x80  }
0x14: {  	[tilespmem:s10], [sflag:$0x1] =	stream.indirect.gather [hbm4b:s3+s8], $0x10, s30, s8, $0xb8;
	[tilespmem:$0x6000] =	vst v63  }
0x15: {  	s31 =	simm.s32 $0x100  }
0x16: {  	[tilespmem:s11], [sflag:$0x1] =	stream.indirect.gather [hbm4b:s3+s8], $0x10, s31, s8, $0xb8;
	[tilespmem:$0x6000] =	vst v63  }
0x17: {  	s20 =	simm.s32 $0x180  }
0x18: {  	[tilespmem:s12], [sflag:$0x1] =	stream.indirect.gather [hbm4b:s3+s8], $0x10, s20, s8, $0xb8;
	[tilespmem:$0x6000] =	vst v63  }
0x19: {  	s21 =	simm.s32 $0x200  }
0x1a: {  	[tilespmem:s13], [sflag:$0x1] =	stream.indirect.gather [hbm4b:s3+s8], $0x10, s21, s8, $0xb8;
	[tilespmem:$0x6000] =	vst v63  }
0x1b: {  	s22 =	simm.s32 $0x280  }
0x1c: {  	[tilespmem:s14], [sflag:$0x1] =	stream.indirect.gather [hbm4b:s3+s8], $0x10, s22, s8, $0xb8;
	[tilespmem:$0x6000] =	vst v63  }
0x1d: {  	s23 =	simm.s32 $0x300  }
0x1e: {  	[tilespmem:s15], [sflag:$0x1] =	stream.indirect.gather [hbm4b:s3+s8], $0x10, s23, s8, $0xb8;
	[tilespmem:$0x6000] =	vst v63  }
0x1f: {  	s24 =	simm.s32 $0x380  }
0x20: {  	[tilespmem:s16], [sflag:$0x1] =	stream.indirect.gather [hbm4b:s3+s8], $0x10, s24, s8, $0xb8;
	[tilespmem:$0x6000] =	vst v63  }
0x21: {  	_ =	swait.ge [sflag:s17], $0x800  }
0x22: {  	[sflag:s17] =	ssyncset.done $0x0  }
0x23: {  	[sflag:s17] =	ssyncadd.s32 $0xFFFFF800  }
0x24: {  	_ =	swait.ge [sflag:s17], $0x800  }
0x25: {  	[sflag:s17] =	ssyncset.done $0x0  }
0x26: {  	[sflag:s17] =	ssyncadd.s32 $0xFFFFF800  }
0x27: {  	_ =	swait.ge [sflag:s17], $0x800  }
0x28: {  	[sflag:s17] =	ssyncset.done $0x0  }
0x29: {  	[sflag:s17] =	ssyncadd.s32 $0xFFFFF800  }
0x2a: {  	_ =	swait.ge [sflag:s17], $0x800  }
0x2b: {  	[sflag:s17] =	ssyncset.done $0x0  }
0x2c: {  	[sflag:s17] =	ssyncadd.s32 $0xFFFFF800  }
0x2d: {  	_ =	swait.ge [sflag:s17], $0x800  }
0x2e: {  	[sflag:s17] =	ssyncset.done $0x0  }
0x2f: {  	[sflag:s17] =	ssyncadd.s32 $0xFFFFF800  }
0x30: {  	_ =	swait.ge [sflag:s17], $0x800  }
0x31: {  	[sflag:s17] =	ssyncset.done $0x0  }
0x32: {  	[sflag:s17] =	ssyncadd.s32 $0xFFFFF800  }
0x33: {  	_ =	swait.ge [sflag:s17], $0x800  }
0x34: {  	[sflag:s17] =	ssyncset.done $0x0  }
0x35: {  	[sflag:s17] =	ssyncadd.s32 $0xFFFFF800  }
0x36: {  	_ =	swait.ge [sflag:s17], $0x800  }
0x37: {  	[sflag:s17] =	ssyncset.done $0x0  }
0x38: {  	s25 =	sadd.s32 $0x0, s6;
	[sflag:s17] =	ssyncadd.s32 $0xFFFFF800  }
0x39: {  	[hbm4b:s25+s2] =	stream.linear.scatter [tilespmem:s9], [sflag:$0x2], $0x800, $0x38;
	[tilespmem:$0x6000] =	vst v63  }
0x3a: {  	_ =	swait.ge [sflag:s7], $0x800  }
0x3b: {  	[sflag:s7] =	ssyncset.done $0x0  }
0x3c: {  	s20 =	sadd.s32 $0x100, s25;
	[sflag:s7] =	ssyncadd.s32 $0xFFFFF800  }
0x3d: {  	[hbm4b:s20+s2] =	stream.linear.scatter [tilespmem:s10], [sflag:$0x2], $0x800, $0x38;
	[tilespmem:$0x6000] =	vst v63  }
0x3e: {  	_ =	swait.ge [sflag:s7], $0x800  }
0x3f: {  	[sflag:s7] =	ssyncset.done $0x0  }
0x40: {  	s26 =	sadd.s32 $0x200, s25;
	[sflag:s7] =	ssyncadd.s32 $0xFFFFF800  }
0x41: {  	[hbm4b:s26+s2] =	stream.linear.scatter [tilespmem:s11], [sflag:$0x2], $0x800, $0x38;
	[tilespmem:$0x6000] =	vst v63  }
0x42: {  	_ =	swait.ge [sflag:s7], $0x800  }
0x43: {  	[sflag:s7] =	ssyncset.done $0x0  }
0x44: {  	s28 =	sadd.s32 $0x300, s25;
	[sflag:s7] =	ssyncadd.s32 $0xFFFFF800  }
0x45: {  	[hbm4b:s28+s2] =	stream.linear.scatter [tilespmem:s12], [sflag:$0x2], $0x800, $0x38;
	[tilespmem:$0x6000] =	vst v63  }
0x46: {  	_ =	swait.ge [sflag:s7], $0x800  }
0x47: {  	[sflag:s7] =	ssyncset.done $0x0  }
0x48: {  	s29 =	sadd.s32 $0x400, s25;
	[sflag:s7] =	ssyncadd.s32 $0xFFFFF800  }
0x49: {  	[hbm4b:s29+s2] =	stream.linear.scatter [tilespmem:s13], [sflag:$0x2], $0x800, $0x38;
	[tilespmem:$0x6000] =	vst v63  }
0x4a: {  	_ =	swait.ge [sflag:s7], $0x800  }
0x4b: {  	[sflag:s7] =	ssyncset.done $0x0  }
0x4c: {  	s30 =	sadd.s32 $0x500, s25;
	[sflag:s7] =	ssyncadd.s32 $0xFFFFF800  }
0x4d: {  	[hbm4b:s30+s2] =	stream.linear.scatter [tilespmem:s14], [sflag:$0x2], $0x800, $0x38;
	[tilespmem:$0x6000] =	vst v63  }
0x4e: {  	_ =	swait.ge [sflag:s7], $0x800  }
0x4f: {  	[sflag:s7] =	ssyncset.done $0x0  }
0x50: {  	s31 =	sadd.s32 $0x600, s25;
	[sflag:s7] =	ssyncadd.s32 $0xFFFFF800  }
0x51: {  	[hbm4b:s31+s2] =	stream.linear.scatter [tilespmem:s15], [sflag:$0x2], $0x800, $0x38;
	[tilespmem:$0x6000] =	vst v63  }
0x52: {  	_ =	swait.ge [sflag:s7], $0x800  }
0x53: {  	[sflag:s7] =	ssyncset.done $0x0  }
0x54: {  	s19 =	sadd.s32 $0x700, s25;
	[sflag:s7] =	ssyncadd.s32 $0xFFFFF800  }
0x55: {  	[hbm4b:s19+s2] =	stream.linear.scatter [tilespmem:s16], [sflag:$0x2], $0x800, $0x38;
	[tilespmem:$0x6000] =	vst v63  }
0x56: {  	s21 =	simm.s32 $0x1000;
	_ =	swait.ge [sflag:s7], $0x800  }
0x57: {  	s20 =	simm.s32 $0x600;
	s19 =	simm.s32 $0x800;
	[sflag:s7] =	ssyncset.done $0x0  }
.LBB2_2:
0x58: {  	p0 =	sne.s32 s21, $0x3800;
	s22 =	sadd.s32 $0xFFFFFE00, s20;
	[sflag:s7] =	ssyncadd.s32 $0xFFFFF800  }
0x59: {  	[tilespmem:s9], [sflag:$0x1] =	stream.indirect.gather [hbm4b:s3+s8], $0x10, s22, s8, $0xb8;
	[tilespmem:$0x6000] =	vst v63  }
0x5a: {  	s23 =	sadd.s32 $0xFFFFFE80, s20;
	s22 =	smov.u32 s21;
	s21 =	sadd.s32 $0x800, s21  }
0x5b: {  	[tilespmem:s10], [sflag:$0x1] =	stream.indirect.gather [hbm4b:s3+s8], $0x10, s23, s8, $0xb8;
	[tilespmem:$0x6000] =	vst v63  }
0x5c: {  	s23 =	sadd.s32 $0xFFFFFF00, s20  }
0x5d: {  	[tilespmem:s11], [sflag:$0x1] =	stream.indirect.gather [hbm4b:s3+s8], $0x10, s23, s8, $0xb8;
	[tilespmem:$0x6000] =	vst v63  }
0x5e: {  	s23 =	sadd.s32 $0xFFFFFF80, s20  }
0x5f: {  	[tilespmem:s12], [sflag:$0x1] =	stream.indirect.gather [hbm4b:s3+s8], $0x10, s23, s8, $0xb8;
	[tilespmem:$0x6000] =	vst v63  }
0x60: {  	_ = 	snop  }
0x61: {  	[tilespmem:s13], [sflag:$0x1] =	stream.indirect.gather [hbm4b:s3+s8], $0x10, s20, s8, $0xb8;
	[tilespmem:$0x6000] =	vst v63  }
0x62: {  	s23 =	sadd.s32 $0x80, s20  }
0x63: {  	[tilespmem:s14], [sflag:$0x1] =	stream.indirect.gather [hbm4b:s3+s8], $0x10, s23, s8, $0xb8;
	[tilespmem:$0x6000] =	vst v63  }
0x64: {  	s23 =	sadd.s32 $0x100, s20  }
0x65: {  	[tilespmem:s15], [sflag:$0x1] =	stream.indirect.gather [hbm4b:s3+s8], $0x10, s23, s8, $0xb8;
	[tilespmem:$0x6000] =	vst v63  }
0x66: {  	s23 =	sadd.s32 $0x180, s20  }
0x67: {  	[tilespmem:s16], [sflag:$0x1] =	stream.indirect.gather [hbm4b:s3+s8], $0x10, s23, s8, $0xb8;
	[tilespmem:$0x6000] =	vst v63  }
0x68: {  	_ =	swait.ge [sflag:s17], $0x800  }
0x69: {  	[sflag:s17] =	ssyncset.done $0x0  }
0x6a: {  	[sflag:s17] =	ssyncadd.s32 $0xFFFFF800  }
0x6b: {  	_ =	swait.ge [sflag:s17], $0x800  }
0x6c: {  	[sflag:s17] =	ssyncset.done $0x0  }
0x6d: {  	[sflag:s17] =	ssyncadd.s32 $0xFFFFF800  }
0x6e: {  	_ =	swait.ge [sflag:s17], $0x800  }
0x6f: {  	[sflag:s17] =	ssyncset.done $0x0  }
0x70: {  	[sflag:s17] =	ssyncadd.s32 $0xFFFFF800  }
0x71: {  	_ =	swait.ge [sflag:s17], $0x800  }
0x72: {  	[sflag:s17] =	ssyncset.done $0x0  }
0x73: {  	[sflag:s17] =	ssyncadd.s32 $0xFFFFF800  }
0x74: {  	_ =	swait.ge [sflag:s17], $0x800  }
0x75: {  	[sflag:s17] =	ssyncset.done $0x0  }
0x76: {  	[sflag:s17] =	ssyncadd.s32 $0xFFFFF800  }
0x77: {  	_ =	swait.ge [sflag:s17], $0x800  }
0x78: {  	[sflag:s17] =	ssyncset.done $0x0  }
0x79: {  	[sflag:s17] =	ssyncadd.s32 $0xFFFFF800  }
0x7a: {  	_ =	swait.ge [sflag:s17], $0x800  }
0x7b: {  	[sflag:s17] =	ssyncset.done $0x0  }
0x7c: {  	[sflag:s17] =	ssyncadd.s32 $0xFFFFF800  }
0x7d: {  	_ =	swait.ge [sflag:s17], $0x800  }
0x7e: {  	[sflag:s17] =	ssyncset.done $0x0  }
0x7f: {  	s23 =	sadd.s32 s19, s6;
	s19 =	smov.u32 s22;
	[sflag:s17] =	ssyncadd.s32 $0xFFFFF800  }
0x80: {  	[hbm4b:s23+s2] =	stream.linear.scatter [tilespmem:s9], [sflag:$0x2], $0x800, $0x38;
	[tilespmem:$0x6000] =	vst v63  }
0x81: {  	_ =	swait.ge [sflag:s7], $0x800  }
0x82: {  	[sflag:s7] =	ssyncset.done $0x0  }
0x83: {  	s22 =	sadd.s32 $0x100, s23;
	[sflag:s7] =	ssyncadd.s32 $0xFFFFF800  }
0x84: {  	[hbm4b:s22+s2] =	stream.linear.scatter [tilespmem:s10], [sflag:$0x2], $0x800, $0x38;
	[tilespmem:$0x6000] =	vst v63  }
0x85: {  	_ =	swait.ge [sflag:s7], $0x800  }
0x86: {  	[sflag:s7] =	ssyncset.done $0x0  }
0x87: {  	s22 =	sadd.s32 $0x200, s23;
	[sflag:s7] =	ssyncadd.s32 $0xFFFFF800  }
0x88: {  	[hbm4b:s22+s2] =	stream.linear.scatter [tilespmem:s11], [sflag:$0x2], $0x800, $0x38;
	[tilespmem:$0x6000] =	vst v63  }
0x89: {  	_ =	swait.ge [sflag:s7], $0x800  }
0x8a: {  	[sflag:s7] =	ssyncset.done $0x0  }
0x8b: {  	s22 =	sadd.s32 $0x300, s23;
	[sflag:s7] =	ssyncadd.s32 $0xFFFFF800  }
0x8c: {  	[hbm4b:s22+s2] =	stream.linear.scatter [tilespmem:s12], [sflag:$0x2], $0x800, $0x38;
	[tilespmem:$0x6000] =	vst v63  }
0x8d: {  	_ =	swait.ge [sflag:s7], $0x800  }
0x8e: {  	[sflag:s7] =	ssyncset.done $0x0  }
0x8f: {  	s22 =	sadd.s32 $0x400, s23;
	[sflag:s7] =	ssyncadd.s32 $0xFFFFF800  }
0x90: {  	[hbm4b:s22+s2] =	stream.linear.scatter [tilespmem:s13], [sflag:$0x2], $0x800, $0x38;
	[tilespmem:$0x6000] =	vst v63  }
0x91: {  	_ =	swait.ge [sflag:s7], $0x800  }
0x92: {  	[sflag:s7] =	ssyncset.done $0x0  }
0x93: {  	s22 =	sadd.s32 $0x500, s23;
	[sflag:s7] =	ssyncadd.s32 $0xFFFFF800  }
0x94: {  	[hbm4b:s22+s2] =	stream.linear.scatter [tilespmem:s14], [sflag:$0x2], $0x800, $0x38;
	[tilespmem:$0x6000] =	vst v63  }
0x95: {  	_ =	swait.ge [sflag:s7], $0x800  }
0x96: {  	[sflag:s7] =	ssyncset.done $0x0  }
0x97: {  	s22 =	sadd.s32 $0x600, s23;
	[sflag:s7] =	ssyncadd.s32 $0xFFFFF800  }
0x98: {  	[hbm4b:s22+s2] =	stream.linear.scatter [tilespmem:s15], [sflag:$0x2], $0x800, $0x38;
	[tilespmem:$0x6000] =	vst v63  }
0x99: {  	_ =	swait.ge [sflag:s7], $0x800  }
.Ltmp0:
0x9a: {  	[sflag:s7] =	ssyncset.done $0x0;
	(pc) =	sbr.rel @p0 .LBB2_2-.Ltmp0, $4  }
0x9b: {  	s22 =	sadd.s32 $0x700, s23;
	[sflag:s7] =	ssyncadd.s32 $0xFFFFF800  }
0x9c: {  	[hbm4b:s22+s2] =	stream.linear.scatter [tilespmem:s16], [sflag:$0x2], $0x800, $0x38;
	[tilespmem:$0x6000] =	vst v63  }
0x9d: {  	_ =	swait.ge [sflag:s7], $0x800  }
0x9e: {  	s20 =	sadd.s32 $0x400, s20;
	[sflag:s7] =	ssyncset.done $0x0  }
0x9f: {  	s21 =	sadd.s32 $0xFFFFFE00, s20;
	[sflag:s7] =	ssyncadd.s32 $0xFFFFF800  }
0xa0: {  	[tilespmem:s9], [sflag:$0x1] =	stream.indirect.gather [hbm4b:s3+s8], $0x10, s21, s8, $0xb8;
	[tilespmem:$0x6000] =	vst v63  }
0xa1: {  	s29 =	sadd.s32 $0xFFFFFE80, s20  }
0xa2: {  	[tilespmem:s10], [sflag:$0x1] =	stream.indirect.gather [hbm4b:s3+s8], $0x10, s29, s8, $0xb8;
	[tilespmem:$0x6000] =	vst v63  }
0xa3: {  	s30 =	sadd.s32 $0xFFFFFF00, s20  }
0xa4: {  	[tilespmem:s11], [sflag:$0x1] =	stream.indirect.gather [hbm4b:s3+s8], $0x10, s30, s8, $0xb8;
	[tilespmem:$0x6000] =	vst v63  }
0xa5: {  	s31 =	sadd.s32 $0xFFFFFF80, s20  }
0xa6: {  	[tilespmem:s12], [sflag:$0x1] =	stream.indirect.gather [hbm4b:s3+s8], $0x10, s31, s8, $0xb8;
	[tilespmem:$0x6000] =	vst v63  }
0xa7: {  	_ = 	snop  }
0xa8: {  	[tilespmem:s13], [sflag:$0x1] =	stream.indirect.gather [hbm4b:s3+s8], $0x10, s20, s8, $0xb8;
	[tilespmem:$0x6000] =	vst v63  }
0xa9: {  	s22 =	sadd.s32 $0x80, s20  }
0xaa: {  	[tilespmem:s14], [sflag:$0x1] =	stream.indirect.gather [hbm4b:s3+s8], $0x10, s22, s8, $0xb8;
	[tilespmem:$0x6000] =	vst v63  }
0xab: {  	s23 =	sadd.s32 $0x100, s20  }
0xac: {  	[tilespmem:s15], [sflag:$0x1] =	stream.indirect.gather [hbm4b:s3+s8], $0x10, s23, s8, $0xb8;
	[tilespmem:$0x6000] =	vst v63  }
0xad: {  	s24 =	sadd.s32 $0x180, s20  }
0xae: {  	[tilespmem:s16], [sflag:$0x1] =	stream.indirect.gather [hbm4b:s3+s8], $0x10, s24, s8, $0xb8;
	[tilespmem:$0x6000] =	vst v63  }
0xaf: {  	_ =	swait.ge [sflag:s17], $0x800  }
0xb0: {  	[sflag:s17] =	ssyncset.done $0x0  }
0xb1: {  	[sflag:s17] =	ssyncadd.s32 $0xFFFFF800  }
0xb2: {  	_ =	swait.ge [sflag:s17], $0x800  }
0xb3: {  	[sflag:s17] =	ssyncset.done $0x0  }
0xb4: {  	[sflag:s17] =	ssyncadd.s32 $0xFFFFF800  }
0xb5: {  	_ =	swait.ge [sflag:s17], $0x800  }
0xb6: {  	[sflag:s17] =	ssyncset.done $0x0  }
0xb7: {  	[sflag:s17] =	ssyncadd.s32 $0xFFFFF800  }
0xb8: {  	_ =	swait.ge [sflag:s17], $0x800  }
0xb9: {  	[sflag:s17] =	ssyncset.done $0x0  }
0xba: {  	[sflag:s17] =	ssyncadd.s32 $0xFFFFF800  }
0xbb: {  	_ =	swait.ge [sflag:s17], $0x800  }
0xbc: {  	[sflag:s17] =	ssyncset.done $0x0  }
0xbd: {  	[sflag:s17] =	ssyncadd.s32 $0xFFFFF800  }
0xbe: {  	_ =	swait.ge [sflag:s17], $0x800  }
0xbf: {  	[sflag:s17] =	ssyncset.done $0x0  }
0xc0: {  	[sflag:s17] =	ssyncadd.s32 $0xFFFFF800  }
0xc1: {  	_ =	swait.ge [sflag:s17], $0x800  }
0xc2: {  	[sflag:s17] =	ssyncset.done $0x0  }
0xc3: {  	[sflag:s17] =	ssyncadd.s32 $0xFFFFF800  }
0xc4: {  	_ =	swait.ge [sflag:s17], $0x800  }
0xc5: {  	[sflag:s17] =	ssyncset.done $0x0  }
0xc6: {  	s19 =	sadd.s32 s19, s6;
	[sflag:s17] =	ssyncadd.s32 $0xFFFFF800  }
0xc7: {  	[hbm4b:s19+s2] =	stream.linear.scatter [tilespmem:s9], [sflag:$0x2], $0x800, $0x38;
	[tilespmem:$0x6000] =	vst v63  }
0xc8: {  	_ =	swait.ge [sflag:s7], $0x800  }
0xc9: {  	[sflag:s7] =	ssyncset.done $0x0  }
0xca: {  	s25 =	sadd.s32 $0x100, s19;
	[sflag:s7] =	ssyncadd.s32 $0xFFFFF800  }
0xcb: {  	[hbm4b:s25+s2] =	stream.linear.scatter [tilespmem:s10], [sflag:$0x2], $0x800, $0x38;
	[tilespmem:$0x6000] =	vst v63  }
0xcc: {  	_ =	swait.ge [sflag:s7], $0x800  }
0xcd: {  	[sflag:s7] =	ssyncset.done $0x0  }
0xce: {  	s26 =	sadd.s32 $0x200, s19;
	[sflag:s7] =	ssyncadd.s32 $0xFFFFF800  }
0xcf: {  	[hbm4b:s26+s2] =	stream.linear.scatter [tilespmem:s11], [sflag:$0x2], $0x800, $0x38;
	[tilespmem:$0x6000] =	vst v63  }
0xd0: {  	_ =	swait.ge [sflag:s7], $0x800  }
0xd1: {  	[sflag:s7] =	ssyncset.done $0x0  }
0xd2: {  	s28 =	sadd.s32 $0x300, s19;
	[sflag:s7] =	ssyncadd.s32 $0xFFFFF800  }
0xd3: {  	[hbm4b:s28+s2] =	stream.linear.scatter [tilespmem:s12], [sflag:$0x2], $0x800, $0x38;
	[tilespmem:$0x6000] =	vst v63  }
0xd4: {  	_ =	swait.ge [sflag:s7], $0x800  }
0xd5: {  	[sflag:s7] =	ssyncset.done $0x0  }
0xd6: {  	s29 =	sadd.s32 $0x400, s19;
	[sflag:s7] =	ssyncadd.s32 $0xFFFFF800  }
0xd7: {  	[hbm4b:s29+s2] =	stream.linear.scatter [tilespmem:s13], [sflag:$0x2], $0x800, $0x38;
	[tilespmem:$0x6000] =	vst v63  }
0xd8: {  	_ =	swait.ge [sflag:s7], $0x800  }
0xd9: {  	[sflag:s7] =	ssyncset.done $0x0  }
0xda: {  	s30 =	sadd.s32 $0x500, s19;
	[sflag:s7] =	ssyncadd.s32 $0xFFFFF800  }
0xdb: {  	[hbm4b:s30+s2] =	stream.linear.scatter [tilespmem:s14], [sflag:$0x2], $0x800, $0x38;
	[tilespmem:$0x6000] =	vst v63  }
0xdc: {  	_ =	swait.ge [sflag:s7], $0x800  }
0xdd: {  	[sflag:s7] =	ssyncset.done $0x0  }
0xde: {  	s31 =	sadd.s32 $0x600, s19;
	[sflag:s7] =	ssyncadd.s32 $0xFFFFF800  }
0xdf: {  	[hbm4b:s31+s2] =	stream.linear.scatter [tilespmem:s15], [sflag:$0x2], $0x800, $0x38;
	[tilespmem:$0x6000] =	vst v63  }
0xe0: {  	s18 =	sadd.s32 $0x1, s18;
	_ =	swait.ge [sflag:s7], $0x800  }
0xe1: {  	p0 =	sne.s32 s18, s5;
	[sflag:s7] =	ssyncset.done $0x0  }
.Ltmp1:
0xe2: {  	s19 =	sadd.s32 $0x700, s19;
	[sflag:s7] =	ssyncadd.s32 $0xFFFFF800;
	(pc) =	sbr.rel @p0 .LBB2_1-.Ltmp1, $4  }
0xe3: {  	[hbm4b:s19+s2] =	stream.linear.scatter [tilespmem:s16], [sflag:$0x2], $0x800, $0x38;
	[tilespmem:$0x6000] =	vst v63  }
0xe4: {  	_ =	swait.ge [sflag:s7], $0x800  }
0xe5: {  	[sflag:s7] =	ssyncset.done $0x0  }
0xe6: {  	[sflag:s7] =	ssyncadd.s32 $0xFFFFF800  }
0xe7: {  	_ =	sfence.sel $0x180000  }
0xe8: {  	[bflag:$0x0] =	sbarrier.arrive $0xFFFF  }
0xe9: {  	p0 =	sne.s32 s1, $0x0;
	_ =	strace $0x90000047  }
0xea: {  	s0 =	sadd.s32 @!p0 $0x100000, s0;
	[bflag:$0x2] =	sbarrier.arrive $0xFFFF  }
0xeb: {  	[sflag:s0] =	ssyncadd.tile.s32 @!p0 $0x1;
	_ =	shalt  }
.Lfunc_end2:
_tile_overlayer_lowered:
.L_overlay_start_2:
0xec: {  	(tag) =	ssettag $0x2  }
0xed: {  	s0 =	rddreg [dreg:$0x0];
	s2 =	stileid.u32  }
0xee: {  	s1 =	rddreg [dreg:$0x1];
	p0 =	sne.s32 s2, $0x0  }
0xef: {  	s3 =	rddreg [dreg:$0x2];
	[bflag:$0x3] =	sbarrier.arrive $0xFFFF;
	s2 =	simm.s32 @!p0 $0x1C02  }
0xf0: {  	[timem:s3], [sflag:s2] =	dma.local @!p0 [hbm:s0], s1  }
0xf1: {  	s0 =	simm.s32 @!p0 $0x2  }
0xf2: {  	_ =	swait.ge @!p0 [sflag:s0], s1  }
0xf3: {  	s1 =	ssub.s32 @!p0 $0x0, s1;
	[sflag:s0] =	ssyncset.done @!p0 $0x0  }
0xf4: {  	[sflag:s0] =	ssyncadd.s32 @!p0 s1  }
0xf5: {  	[bflag:$0x3] =	sbarrier.arrive $0xFFFF  }
0xf6: {  	_ =	shalt  }

// kernel: kernel.14.cloned.1.call-start
scs
__scs_entry_jumppad:
0x0: {  	(pc) =	sbr.rel $0x88, $3  }
0x1: {  	(tag) =	ssettag $0x0;
	lr =	simm.s32 $0x1  }
0x2: {  	[smem:$0x3F75] =	sst lr;
	_ =	strace $0xD0000000  }
0x3: {  	_ = 	snop  }
0x4: {  	_ = 	snop  }
0x5: {  	_ = 	snop  }
0x6: {  	_ = 	snop  }
0x7: {  	_ = 	snop  }
__scs_overlays_trampoline_lowered:
0x8: {  	[smem:$0x3F84] =	sst s0  }
0x9: {  	[smem:$0x3F85] =	sst s1  }
0xa: {  	[smem:$0x3F86] =	sst s2  }
0xb: {  	[smem:$0x3F87] =	sst s3  }
0xc: {  	[smem:$0x3F88] =	sst s4  }
0xd: {  	[smem:$0x3F89] =	sst s5  }
0xe: {  	[smem:$0x3F8A] =	sst s6  }
0xf: {  	[smem:$0x3F8B] =	sst s7  }
0x10: {  	[smem:$0x3F8C] =	sst s8  }
0x11: {  	[smem:$0x3F8D] =	sst s9;
	s0 =	simm.s32 @!p0 $0x0  }
0x12: {  	s1 =	sld [smem:$0x3F73];
	s0 =	simm.s32 @p0 $0x1  }
0x13: {  	[smem:$0x3F8E] =	sst s0;
	s0 =	simm.s32 @!p1 $0x0  }
0x14: {  	s2 =	sld [smem:$0x3F72];
	s0 =	simm.s32 @p1 $0x1  }
0x15: {  	[smem:$0x3F8F] =	sst s0;
	s0 =	simm.s32 @!p2 $0x0  }
0x16: {  	s3 =	sld [smem:$0x3FDB];
	s0 =	simm.s32 @p2 $0x1  }
0x17: {  	s4 =	simm.s32 $0x1BF5;
	[smem:$0x3F91] =	sst s0  }
0x18: {  	s0 =	sld [smem:$0x3F74];
	_ =	swait.ge [sflag:s4], $0x0  }
0x19: {  	s7 =	sld [smem:$0x3F75]  }
0x1a: {  	s8 =	sadd.s32 $0xFFFFE003, lr  }
0x1b: {  	s9 =	sadd.s32 $0xFFFFFEF7, lr;
	s5 =	simm.s32 $0xFFFFFFFF;
	p2 =	slt.u32 s8, $0xFFFFF086  }
0x1c: {  	p1 =	slt.u32 s9, $0xF7A;
	s5 =	simm.s32 @!p2 $0x0  }
0x1d: {  	s5 =	simm.s32 @p1 $0x1;
	p0 =	seq.s32 s7, s2  }
0x1e: {  	s7 =	smul.u32 @!p0 $0xF7A, s2;
	p2 =	seq.s32 @!p0 s5, $0x0  }
0x1f: {  	s9 =	smul.u32 $0xF7A, s1;
	s8 =	simm.s32 @!p0 $0x1BF5;
	p2 =	por !p2, p0  }
0x20: {  	[sflag:s8] =	ssyncset.s32 @!p0 $0xFFFFF086;
	s6 =	sadd.s32 @!p0 s3, s7;
	s7 =	simm.s32 @!p0 $0x108  }
0x21: {  	s3 =	sadd.s32 s3, s9;
	s6 =	sadd.s32 @!p0 $0x88, s6;
	s7 =	simm.s32 @p2 $0x1082  }
0x22: {  	[simem:s7], [sflag:s8] =	dma.local @!p0 [hbm:s6], $0xF7A  }
0x23: {  	s9 =	sor.u32 $0xD0000000, s2;
	s6 =	simm.s32 $0x108;
	_ =	swait.ge @!p0 [sflag:s8], $0x0  }
0x24: {  	s3 =	sadd.s32 $0x88, s3;
	s6 =	simm.s32 @!p1 $0x1082;
	[sflag:s4] =	ssyncset.s32 $0xFFFFF086  }
0x25: {  	[simem:s6], [sflag:s4] =	dma.local [hbm:s3], $0xF7A  }
0x26: {  	[smem:$0x3F75] =	sst s1;
	(tag) =	ssettag s2;
	_ =	strace s9  }
0x27: {  	s1 =	sld [smem:$0x3F85]  }
0x28: {  	s2 =	sld [smem:$0x3F86]  }
0x29: {  	s4 =	sld [smem:$0x3F88]  }
0x2a: {  	p0 =	seq.s32 s5, $0x0;
	s5 =	sld [smem:$0x3F89]  }
0x2b: {  	s6 =	sld [smem:$0x3F8A]  }
0x2c: {  	s7 =	sld [smem:$0x3F8B]  }
0x2d: {  	s3 =	simm.s32 $0x108;
	s8 =	sld [smem:$0x3F8C]  }
0x2e: {  	s3 =	simm.s32 @!p0 $0x1082;
	s9 =	sld [smem:$0x3F8D]  }
0x2f: {  	lr =	sadd.s32 s0, s3;
	s0 =	sld [smem:$0x3F84]  }
0x30: {  	s3 =	sld [smem:$0x3F87]  }
0x31: {  	[smem:$0x3F90] =	sst s10  }
0x32: {  	s10 =	sld [smem:$0x3F8E];
	_ =	sdelay $0x3  }
0x33: {  	p0 =	seq.s32 s10, $0x1;
	s10 =	sld [smem:$0x3F90];
	_ =	sdelay $0x3  }
0x34: {  	[smem:$0x3F90] =	sst s10  }
0x35: {  	s10 =	sld [smem:$0x3F8F];
	_ =	sdelay $0x3  }
0x36: {  	p1 =	seq.s32 s10, $0x1;
	s10 =	sld [smem:$0x3F90];
	_ =	sdelay $0x3  }
0x37: {  	[smem:$0x3F90] =	sst s10  }
0x38: {  	s10 =	sld [smem:$0x3F91]  }
0x39: {  	_ = 	snop;
	(pc) =	sbr.ind lr, $3  }
0x3a: {  	_ = 	snop  }
0x3b: {  	_ = 	snop  }
0x3c: {  	p2 =	seq.s32 s10, $0x1;
	s10 =	sld [smem:$0x3F90]  }
0x3d: {  	_ =	shalt  }
0x3e: {  	_ =	shalt  }
0x3f: {  	_ =	shalt  }
0x40: {  	_ =	shalt  }
0x41: {  	_ =	shalt  }
0x42: {  	_ =	shalt  }
0x43: {  	_ =	shalt  }
0x44: {  	_ =	shalt  }
0x45: {  	_ =	shalt  }
0x46: {  	_ =	shalt  }
0x47: {  	_ =	shalt  }
0x48: {  	_ =	shalt  }
0x49: {  	_ =	shalt  }
0x4a: {  	_ =	shalt  }
0x4b: {  	_ =	shalt  }
0x4c: {  	_ =	shalt  }
0x4d: {  	_ =	shalt  }
0x4e: {  	_ =	shalt  }
0x4f: {  	_ =	shalt  }
0x50: {  	_ =	shalt  }
0x51: {  	_ =	shalt  }
0x52: {  	_ =	shalt  }
0x53: {  	_ =	shalt  }
0x54: {  	_ =	shalt  }
0x55: {  	_ =	shalt  }
0x56: {  	_ =	shalt  }
0x57: {  	_ =	shalt  }
0x58: {  	_ =	shalt  }
0x59: {  	_ =	shalt  }
0x5a: {  	_ =	shalt  }
0x5b: {  	_ =	shalt  }
0x5c: {  	_ =	shalt  }
0x5d: {  	_ =	shalt  }
0x5e: {  	_ =	shalt  }
0x5f: {  	_ =	shalt  }
0x60: {  	_ =	shalt  }
0x61: {  	_ =	shalt  }
0x62: {  	_ =	shalt  }
0x63: {  	_ =	shalt  }
0x64: {  	_ =	shalt  }
0x65: {  	_ =	shalt  }
0x66: {  	_ =	shalt  }
0x67: {  	_ =	shalt  }
0x68: {  	_ =	shalt  }
0x69: {  	_ =	shalt  }
0x6a: {  	_ =	shalt  }
0x6b: {  	_ =	shalt  }
0x6c: {  	_ =	shalt  }
0x6d: {  	_ =	shalt  }
0x6e: {  	_ =	shalt  }
0x6f: {  	_ =	shalt  }
0x70: {  	_ =	shalt  }
0x71: {  	_ =	shalt  }
0x72: {  	_ =	shalt  }
0x73: {  	_ =	shalt  }
0x74: {  	_ =	shalt  }
0x75: {  	_ =	shalt  }
0x76: {  	_ =	shalt  }
0x77: {  	_ =	shalt  }
0x78: {  	_ =	shalt  }
0x79: {  	_ =	shalt  }
0x7a: {  	_ =	shalt  }
0x7b: {  	_ =	shalt  }
0x7c: {  	_ =	shalt  }
0x7d: {  	_ =	shalt  }
0x7e: {  	_ =	shalt  }
0x7f: {  	_ =	shalt  }
0x80: {  	_ =	shalt  }
0x81: {  	_ =	shalt  }
0x82: {  	_ =	shalt  }
0x83: {  	_ =	shalt  }
0x84: {  	_ =	shalt  }
0x85: {  	_ =	shalt  }
0x86: {  	_ =	shalt  }
0x87: {  	_ =	shalt  }
.Lfunc_end0:
.L_simem_size_0:
called_computation.1_lowered:
.L_overlay_start_0:
0x88: {  	s2 =	sld [smem:$0x3FD9]  }
0x89: {  	s3 =	sld [smem:$0x3FFE];
	_ =	sdelay $0x1  }
0x8a: {  	s1 =	srdreg.scid  }
0x8b: {  	s0 =	sand.u32 $0x1, s1  }
0x8c: {  	s16 =	sshll.u32 s0, $0xA;
	s2 =	sadd.s32 s3, s2  }
0x8d: {  	s2 =	sadd.s32 s2, s16  }
0x8e: {  	[smem:$0x3F9C] =	sst s2  }
0x8f: {  	_ = 	snop  }
0x90: {  	(tm) =	ssettm $0x1  }
0x91: {  	s17 =	sld [smem:$0x3FFB];
	_ =	sdelay $0x3  }
0x92: {  	_ =	strace s17  }
0x93: {  	s2 =	sld [smem:$0x3FFC];
	_ =	sdelay $0x3  }
0x94: {  	_ =	strace s2  }
0x95: {  	s2 =	sld [smem:$0x3FFD];
	_ =	sdelay $0x3  }
0x96: {  	_ =	strace s2  }
0x97: {  	_ =	strace $0x8FFFFFFF  }
0x98: {  	s18 =	sld [smem:$0x3FDB];
	_ =	sdelay $0x1  }
0x99: {  	s19 =	simm.s32 $_scs_section_size  }
0x9a: {  	s4 =	simm.s32 $_size__tile_overlayer_lowered;
	s5 =	simm.s32 $_tile_overlayer_lowered  }
0x9b: {  	s22 =	simm.s32 $0x1BFF;
	s21 =	sshll.u32 s5, $0x1;
	s2 =	sadd.s32 s19, s18  }
0x9c: {  	s6 =	simm.s32 $0x0;
	s20 =	sshll.u32 s4, $0x1;
	s4 =	sadd.s32 s21, s2  }
0x9d: {  	[timem:s6], [sflag:s22] =	dma.local [hbm:s4], s20  }
0x9e: {  	_ =	swait.ge [sflag:s22], s20  }
0x9f: {  	s3 =	ssub.s32 $0x0, s20;
	[sflag:s22] =	ssyncset.done $0x0  }
0xa0: {  	[sflag:s22] =	ssyncadd.s32 s3;
	_ =	sdelay $0x1  }
0xa1: {  	s23 =	simm.s32 $0x1B8B  }
0xa2: {  	_ =	swait.ge [sflag:s23], $0x1  }
0xa3: {  	[sflag:s23] =	ssyncset.done $0x0  }
0xa4: {  	s25 =	simm.s32 $0x1B8E;
	s24 =	sld [smem:$0x3FFE];
	[sflag:s23] =	ssyncadd.s32 $0xFFFFFFFF  }
0xa5: {  	s26 =	simm.s32 $execute0_lowered;
	[smem:$0x3FD2] =	sst s25  }
0xa6: {  	s4 =	sshll.u32 s26, $0x1;
	_ =	strace $0x80000049;
	[dreg:$0x1] =	wrdreg $0xFFFFFFFF  }
0xa7: {  	s28 =	simm.s32 $_size_execute0_lowered;
	s2 =	sadd.s32 s2, s4;
	[dreg:$0x0] =	wrdreg $0x0  }
0xa8: {  	s4 =	sshll.u32 s28, $0x1;
	[dreg:$0x2] =	wrdreg s2  }
0xa9: {  	[dreg:$0x3] =	wrdreg s4  }
0xaa: {  	[dreg:$0x4] =	wrdreg $0xC0  }
0xab: {  	_ =	task [dreg:s6], $0x5FFFF  }
0xac: {  	[dreg:$0x1] =	wrdreg $0xFFFFFFFF  }
0xad: {  	[dreg:$0x0] =	wrdreg $0x60  }
0xae: {  	[dreg:$0x2] =	wrdreg s24  }
0xaf: {  	[dreg:$0x3] =	wrdreg $0x9  }
0xb0: {  	_ =	task.clear_ibuf [dreg:s6], $0x4FFFF;
	_ =	strace $0x90000049  }
0xb1: {  	s29 =	simm.s32 $0x9;
	_ =	strace $0x8000004B  }
0xb2: {  	_ =	swait.ge [sflag:s29], $0x1  }
0xb3: {  	[sflag:s29] =	ssyncadd.s32 $0xFFFFFFFF  }
0xb4: {  	_ =	strace $0x9000004B  }
0xb5: {  	_ =	sfence  }
0xb6: {  	s30 =	sld [smem:$0x0];
	_ =	sdelay $0x2  }
0xb7: {  	s31 =	sshll.u32 s1, $0xD;
	s1 =	sshrl.u32 s1, $0x2  }
0xb8: {  	s3 =	sand.u32 $0x4000, s31;
	s1 =	sadd.s32 s1, s30  }
0xb9: {  	s0 =	sor.u32 s3, s0;
	s1 =	sshll.u32 s1, $0x11  }
0xba: {  	s0 =	sor.u32 s1, s0  }
0xbb: {  	s0 =	sadd.s32 $0x8F2B, s0  }
0xbc: {  	[sflag:s0] =	ssyncadd.remote.s32 $0x1  }
0xbd: {  	_ =	sfence.sel $0xFFFF  }
0xbe: {  	[dreg:$0x0] =	wrdreg $0xFFFFFFFF;
	(pc) =	sbr.abs _section_cstart, $3  }
0xbf: {  	[dreg:$0x1] =	wrdreg $0xFFFFFFFF  }
0xc0: {  	_ =	task.clear_ibuf [dreg:s6], $0x2FFFF;
	_ =	strace $0x9FFFFFFF  }
0xc1: {  	(tm) =	ssettm $0x7FFFFFFF  }
tec
execute0_lowered:
.L_overlay_start_1:
0x0: {  	(tag) =	ssettag $0x1  }
0x1: {  	s4 =	rddreg [dreg:$0x0]  }
0x2: {  	s0 =	rddreg [dreg:$0x1]  }
0x3: {  	s2 =	simm.s32 $0x0;
	s3 =	srdreg.scid;
	s1 =	stileid.u32  }
0x4: {  	s11 =	simm.s32 $0x9800;
	s12 =	simm.s32 $0xE000;
	s13 =	simm.s32 $0x1  }
0x5: {  	s14 =	simm.s32 $0x0;
	[smem:$0x7FF] =	sst s2;
	s5 =	sand.u32 $0x1, s3  }
0x6: {  	s3 =	sadd.s32 $0x6E00, s4;
	s6 =	sshll.u32 s1, $0xC;
	s28 =	smul.u32 $0x12000, s1  }
0x7: {  	_ =	strace $0x8000004A;
	s7 =	sshll.u32 s5, $0xB;
	s8 =	ssub.s32 $0x2, s5  }
0x8: {  	s10 =	smul.u32 $0x9000, s5;
	s6 =	sor.u32 s7, s6;
	s9 =	sshrl.u32 s8, $0x1  }
0x9: {  	s30 =	sadd.s32 s28, s4;
	s7 =	simm.s32 $0x2;
	s6 =	sshrl.u32 s6, $0x3  }
0xa: {  	s31 =	ssub.s32 s8, s9;
	s8 =	simm.s32 $0x80;
	s9 =	simm.s32 $0x800  }
0xb: {  	s29 =	sadd.s32 s6, s4;
	s5 =	smax.u32 s31, $0x1;
	s6 =	sadd.s32 s10, s30  }
0xc: {  	s10 =	simm.s32 $0x5000;
	s4 =	sadd.s32 $0x9AE00, s29;
	s6 =	sadd.s32 $0x9CE00, s6  }
.LBB2_1:
0xd: {  	[tilespmem:s2], [sflag:$0x2] =	stream.linear.gather [hbm4b:s4+s2], $0x800, $0x38;
	[tilespmem:$0x12800] =	vst v63  }
0xe: {  	_ =	swait.ge [sflag:s7], $0x800  }
0xf: {  	[sflag:s7] =	ssyncset.done $0x0  }
0x10: {  	s15 =	simm.s32 $0x0;
	[sflag:s7] =	ssyncadd.s32 $0xFFFFF800  }
0x11: {  	[tilespmem:s9], [sflag:$0x1] =	stream.indirect.gather [hbm4b:s3+s8], $0x90, s15, s8, $0xb8;
	[tilespmem:$0x12800] =	vst v63  }
0x12: {  	s26 =	simm.s32 $0x80  }
0x13: {  	[tilespmem:s10], [sflag:$0x1] =	stream.indirect.gather [hbm4b:s3+s8], $0x90, s26, s8, $0xb8;
	[tilespmem:$0x12800] =	vst v63  }
0x14: {  	s28 =	simm.s32 $0x100  }
0x15: {  	[tilespmem:s11], [sflag:$0x1] =	stream.indirect.gather [hbm4b:s3+s8], $0x90, s28, s8, $0xb8;
	[tilespmem:$0x12800] =	vst v63  }
0x16: {  	s29 =	simm.s32 $0x180  }
0x17: {  	[tilespmem:s12], [sflag:$0x1] =	stream.indirect.gather [hbm4b:s3+s8], $0x90, s29, s8, $0xb8;
	[tilespmem:$0x12800] =	vst v63  }
0x18: {  	_ =	swait.ge [sflag:s13], $0x4800  }
0x19: {  	[sflag:s13] =	ssyncset.done $0x0  }
0x1a: {  	[sflag:s13] =	ssyncadd.s32 $0xFFFFB800  }
0x1b: {  	_ =	swait.ge [sflag:s13], $0x4800  }
0x1c: {  	[sflag:s13] =	ssyncset.done $0x0  }
0x1d: {  	[sflag:s13] =	ssyncadd.s32 $0xFFFFB800  }
0x1e: {  	_ =	swait.ge [sflag:s13], $0x4800  }
0x1f: {  	[sflag:s13] =	ssyncset.done $0x0  }
0x20: {  	[sflag:s13] =	ssyncadd.s32 $0xFFFFB800  }
0x21: {  	_ =	swait.ge [sflag:s13], $0x4800  }
0x22: {  	[sflag:s13] =	ssyncset.done $0x0  }
0x23: {  	s30 =	sadd.s32 $0x0, s6;
	[sflag:s13] =	ssyncadd.s32 $0xFFFFB800  }
0x24: {  	[hbm4b:s30+s2] =	stream.linear.scatter [tilespmem:s9], [sflag:$0x2], $0x4800, $0x38;
	[tilespmem:$0x12800] =	vst v63  }
0x25: {  	_ =	swait.ge [sflag:s7], $0x4800  }
0x26: {  	[sflag:s7] =	ssyncset.done $0x0  }
0x27: {  	s16 =	sadd.s32 $0x900, s30;
	[sflag:s7] =	ssyncadd.s32 $0xFFFFB800  }
0x28: {  	[hbm4b:s16+s2] =	stream.linear.scatter [tilespmem:s10], [sflag:$0x2], $0x4800, $0x38;
	[tilespmem:$0x12800] =	vst v63  }
0x29: {  	_ =	swait.ge [sflag:s7], $0x4800  }
0x2a: {  	[sflag:s7] =	ssyncset.done $0x0  }
0x2b: {  	s31 =	sadd.s32 $0x1200, s30;
	[sflag:s7] =	ssyncadd.s32 $0xFFFFB800  }
0x2c: {  	[hbm4b:s31+s2] =	stream.linear.scatter [tilespmem:s11], [sflag:$0x2], $0x4800, $0x38;
	[tilespmem:$0x12800] =	vst v63  }
0x2d: {  	_ =	swait.ge [sflag:s7], $0x4800  }
0x2e: {  	[sflag:s7] =	ssyncset.done $0x0  }
0x2f: {  	s15 =	sadd.s32 $0x1B00, s30;
	[sflag:s7] =	ssyncadd.s32 $0xFFFFB800  }
0x30: {  	[hbm4b:s15+s2] =	stream.linear.scatter [tilespmem:s12], [sflag:$0x2], $0x4800, $0x38;
	[tilespmem:$0x12800] =	vst v63  }
0x31: {  	s17 =	simm.s32 $0x4800;
	_ =	swait.ge [sflag:s7], $0x4800  }
0x32: {  	s16 =	simm.s32 $0x300;
	s15 =	simm.s32 $0x2400;
	[sflag:s7] =	ssyncset.done $0x0  }
.LBB2_2:
0x33: {  	p0 =	sne.s32 s17, $0x6C00;
	s18 =	sadd.s32 $0xFFFFFF00, s16;
	[sflag:s7] =	ssyncadd.s32 $0xFFFFB800  }
0x34: {  	[tilespmem:s9], [sflag:$0x1] =	stream.indirect.gather [hbm4b:s3+s8], $0x90, s18, s8, $0xb8;
	[tilespmem:$0x12800] =	vst v63  }
0x35: {  	s19 =	smov.u32 s17;
	s17 =	sadd.s32 $0x2400, s17;
	s18 =	sadd.s32 $0xFFFFFF80, s16  }
0x36: {  	[tilespmem:s10], [sflag:$0x1] =	stream.indirect.gather [hbm4b:s3+s8], $0x90, s18, s8, $0xb8;
	[tilespmem:$0x12800] =	vst v63  }
0x37: {  	_ = 	snop  }
0x38: {  	[tilespmem:s11], [sflag:$0x1] =	stream.indirect.gather [hbm4b:s3+s8], $0x90, s16, s8, $0xb8;
	[tilespmem:$0x12800] =	vst v63  }
0x39: {  	s18 =	sadd.s32 $0x80, s16  }
0x3a: {  	[tilespmem:s12], [sflag:$0x1] =	stream.indirect.gather [hbm4b:s3+s8], $0x90, s18, s8, $0xb8;
	[tilespmem:$0x12800] =	vst v63  }
0x3b: {  	_ =	swait.ge [sflag:s13], $0x4800  }
0x3c: {  	[sflag:s13] =	ssyncset.done $0x0  }
0x3d: {  	[sflag:s13] =	ssyncadd.s32 $0xFFFFB800  }
0x3e: {  	_ =	swait.ge [sflag:s13], $0x4800  }
0x3f: {  	[sflag:s13] =	ssyncset.done $0x0  }
0x40: {  	[sflag:s13] =	ssyncadd.s32 $0xFFFFB800  }
0x41: {  	_ =	swait.ge [sflag:s13], $0x4800  }
0x42: {  	[sflag:s13] =	ssyncset.done $0x0  }
0x43: {  	[sflag:s13] =	ssyncadd.s32 $0xFFFFB800  }
0x44: {  	_ =	swait.ge [sflag:s13], $0x4800  }
0x45: {  	[sflag:s13] =	ssyncset.done $0x0  }
0x46: {  	s18 =	sadd.s32 s15, s6;
	s15 =	smov.u32 s19;
	[sflag:s13] =	ssyncadd.s32 $0xFFFFB800  }
0x47: {  	[hbm4b:s18+s2] =	stream.linear.scatter [tilespmem:s9], [sflag:$0x2], $0x4800, $0x38;
	[tilespmem:$0x12800] =	vst v63  }
0x48: {  	_ =	swait.ge [sflag:s7], $0x4800  }
0x49: {  	[sflag:s7] =	ssyncset.done $0x0  }
0x4a: {  	s19 =	sadd.s32 $0x900, s18;
	[sflag:s7] =	ssyncadd.s32 $0xFFFFB800  }
0x4b: {  	[hbm4b:s19+s2] =	stream.linear.scatter [tilespmem:s10], [sflag:$0x2], $0x4800, $0x38;
	[tilespmem:$0x12800] =	vst v63  }
0x4c: {  	_ =	swait.ge [sflag:s7], $0x4800  }
0x4d: {  	[sflag:s7] =	ssyncset.done $0x0  }
0x4e: {  	s19 =	sadd.s32 $0x1200, s18;
	[sflag:s7] =	ssyncadd.s32 $0xFFFFB800  }
0x4f: {  	[hbm4b:s19+s2] =	stream.linear.scatter [tilespmem:s11], [sflag:$0x2], $0x4800, $0x38;
	[tilespmem:$0x12800] =	vst v63  }
0x50: {  	_ =	swait.ge [sflag:s7], $0x4800  }
.Ltmp0:
0x51: {  	[sflag:s7] =	ssyncset.done $0x0;
	(pc) =	sbr.rel @p0 .LBB2_2-.Ltmp0, $4  }
0x52: {  	s18 =	sadd.s32 $0x1B00, s18;
	[sflag:s7] =	ssyncadd.s32 $0xFFFFB800  }
0x53: {  	[hbm4b:s18+s2] =	stream.linear.scatter [tilespmem:s12], [sflag:$0x2], $0x4800, $0x38;
	[tilespmem:$0x12800] =	vst v63  }
0x54: {  	_ =	swait.ge [sflag:s7], $0x4800  }
0x55: {  	s16 =	sadd.s32 $0x200, s16;
	[sflag:s7] =	ssyncset.done $0x0  }
0x56: {  	s17 =	sadd.s32 $0xFFFFFF00, s16;
	[sflag:s7] =	ssyncadd.s32 $0xFFFFB800  }
0x57: {  	[tilespmem:s9], [sflag:$0x1] =	stream.indirect.gather [hbm4b:s3+s8], $0x90, s17, s8, $0xb8;
	[tilespmem:$0x12800] =	vst v63  }
0x58: {  	s28 =	sadd.s32 $0xFFFFFF80, s16  }
0x59: {  	[tilespmem:s10], [sflag:$0x1] =	stream.indirect.gather [hbm4b:s3+s8], $0x90, s28, s8, $0xb8;
	[tilespmem:$0x12800] =	vst v63  }
0x5a: {  	_ = 	snop  }
0x5b: {  	[tilespmem:s11], [sflag:$0x1] =	stream.indirect.gather [hbm4b:s3+s8], $0x90, s16, s8, $0xb8;
	[tilespmem:$0x12800] =	vst v63  }
0x5c: {  	s29 =	sadd.s32 $0x80, s16  }
0x5d: {  	[tilespmem:s12], [sflag:$0x1] =	stream.indirect.gather [hbm4b:s3+s8], $0x90, s29, s8, $0xb8;
	[tilespmem:$0x12800] =	vst v63  }
0x5e: {  	_ =	swait.ge [sflag:s13], $0x4800  }
0x5f: {  	[sflag:s13] =	ssyncset.done $0x0  }
0x60: {  	[sflag:s13] =	ssyncadd.s32 $0xFFFFB800  }
0x61: {  	_ =	swait.ge [sflag:s13], $0x4800  }
0x62: {  	[sflag:s13] =	ssyncset.done $0x0  }
0x63: {  	[sflag:s13] =	ssyncadd.s32 $0xFFFFB800  }
0x64: {  	_ =	swait.ge [sflag:s13], $0x4800  }
0x65: {  	[sflag:s13] =	ssyncset.done $0x0  }
0x66: {  	[sflag:s13] =	ssyncadd.s32 $0xFFFFB800  }
0x67: {  	_ =	swait.ge [sflag:s13], $0x4800  }
0x68: {  	[sflag:s13] =	ssyncset.done $0x0  }
0x69: {  	s15 =	sadd.s32 s15, s6;
	[sflag:s13] =	ssyncadd.s32 $0xFFFFB800  }
0x6a: {  	[hbm4b:s15+s2] =	stream.linear.scatter [tilespmem:s9], [sflag:$0x2], $0x4800, $0x38;
	[tilespmem:$0x12800] =	vst v63  }
0x6b: {  	_ =	swait.ge [sflag:s7], $0x4800  }
0x6c: {  	[sflag:s7] =	ssyncset.done $0x0  }
0x6d: {  	s30 =	sadd.s32 $0x900, s15;
	[sflag:s7] =	ssyncadd.s32 $0xFFFFB800  }
0x6e: {  	[hbm4b:s30+s2] =	stream.linear.scatter [tilespmem:s10], [sflag:$0x2], $0x4800, $0x38;
	[tilespmem:$0x12800] =	vst v63  }
0x6f: {  	_ =	swait.ge [sflag:s7], $0x4800  }
0x70: {  	[sflag:s7] =	ssyncset.done $0x0  }
0x71: {  	s31 =	sadd.s32 $0x1200, s15;
	[sflag:s7] =	ssyncadd.s32 $0xFFFFB800  }
0x72: {  	[hbm4b:s31+s2] =	stream.linear.scatter [tilespmem:s11], [sflag:$0x2], $0x4800, $0x38;
	[tilespmem:$0x12800] =	vst v63  }
0x73: {  	s14 =	sadd.s32 $0x1, s14;
	_ =	swait.ge [sflag:s7], $0x4800  }
0x74: {  	p0 =	sne.s32 s14, s5;
	[sflag:s7] =	ssyncset.done $0x0  }
.Ltmp1:
0x75: {  	s15 =	sadd.s32 $0x1B00, s15;
	[sflag:s7] =	ssyncadd.s32 $0xFFFFB800;
	(pc) =	sbr.rel @p0 .LBB2_1-.Ltmp1, $4  }
0x76: {  	[hbm4b:s15+s2] =	stream.linear.scatter [tilespmem:s12], [sflag:$0x2], $0x4800, $0x38;
	[tilespmem:$0x12800] =	vst v63  }
0x77: {  	_ =	swait.ge [sflag:s7], $0x4800  }
0x78: {  	[sflag:s7] =	ssyncset.done $0x0  }
0x79: {  	[sflag:s7] =	ssyncadd.s32 $0xFFFFB800  }
0x7a: {  	_ =	sfence.sel $0x180000  }
0x7b: {  	[bflag:$0x0] =	sbarrier.arrive $0xFFFF  }
0x7c: {  	p0 =	sne.s32 s1, $0x0;
	_ =	strace $0x9000004A  }
0x7d: {  	s0 =	sadd.s32 @!p0 $0x100000, s0;
	[bflag:$0x2] =	sbarrier.arrive $0xFFFF  }
0x7e: {  	[sflag:s0] =	ssyncadd.tile.s32 @!p0 $0x1;
	_ =	shalt  }
.Lfunc_end2:
_tile_overlayer_lowered:
.L_overlay_start_2:
0x7f: {  	(tag) =	ssettag $0x2  }
0x80: {  	s0 =	rddreg [dreg:$0x0];
	s2 =	stileid.u32  }
0x81: {  	s1 =	rddreg [dreg:$0x1];
	p0 =	sne.s32 s2, $0x0  }
0x82: {  	s3 =	rddreg [dreg:$0x2];
	[bflag:$0x3] =	sbarrier.arrive $0xFFFF;
	s2 =	simm.s32 @!p0 $0x1C02  }
0x83: {  	[timem:s3], [sflag:s2] =	dma.local @!p0 [hbm:s0], s1  }
0x84: {  	s0 =	simm.s32 @!p0 $0x2  }
0x85: {  	_ =	swait.ge @!p0 [sflag:s0], s1  }
0x86: {  	s1 =	ssub.s32 @!p0 $0x0, s1;
	[sflag:s0] =	ssyncset.done @!p0 $0x0  }
0x87: {  	[sflag:s0] =	ssyncadd.s32 @!p0 s1  }
0x88: {  	[bflag:$0x3] =	sbarrier.arrive $0xFFFF  }
0x89: {  	_ =	shalt  }

</sc_bundles>
